<compile_context>
chip_gen: v7x
topology: tpu7x:2x2x1
jax: 0.10.2.dev20260603
libtpu: 0.0.44.dev20260713+nightly
codegen_flags: <defaults>
</compile_context>

<pallas_src>
import jax
import jax.numpy as jnp
from jax import lax
from jax.experimental import pallas as pl
from jax.experimental.pallas import tpu as pltpu
from jax.experimental.pallas import tpu_sc as plsc

NC = 2
NS = 16
L = 16
NW = NC * NS

C = 2048
K = 6
KP = 8
S = 7816


def _interp_body(cid_hbm, sf_hbm, conn_hbm, tab_hbm, out_hbm,
                 tab_sp, idx_v, conn_v, flat_v, val_v, sf_v, o_v,
                 sem_c, sem_v, sem_s):
    M = cid_hbm.shape[0]
    N = tab_hbm.shape[0] // NC

    core = lax.axis_index("c")
    sub = lax.axis_index("s")

    base_s = (sub * (N // NS)) // 8 * 8

    def stage(p, _):
        off = jnp.minimum(base_s + p * S, N - S)
        pltpu.sync_copy(tab_hbm.at[pl.ds(core * N + off, S)],
                        val_v.at[pl.ds(0, S)])
        pltpu.sync_copy(val_v.at[pl.ds(0, S)], tab_sp.at[pl.ds(off, S)])
        return ()

    lax.fori_loop(0, (N // NS + S - 1) // S + 1, stage, ())
    plsc.subcore_barrier()

    iota = lax.iota(jnp.int32, L)
    kconsts = [jnp.full((L,), k, jnp.int32) for k in range(K)]
    n_chunks = (M + C - 1) // C

    def do_chunk(t, _):
        i = sub + t * NS
        base = jnp.minimum(i * C, M - C)
        pltpu.sync_copy(cid_hbm.at[pl.ds(base, C)], idx_v)
        sfd = pltpu.async_copy(sf_hbm.at[pl.ds(base, C)], sf_v, sem_s)

        pltpu.async_copy(conn_hbm.at[idx_v], conn_v, sem_c).wait()

        for k in range(K):
            def flat_loop(j, _, k=k):
                q = j * L + iota
                flat_v[pl.ds(k * C + j * L, L)] = plsc.load_gather(
                    conn_v, [q, kconsts[k]]) - 1
                return ()
            lax.fori_loop(0, C // L, flat_loop, (), unroll=8)

        pltpu.async_copy(tab_sp.at[flat_v], val_v, sem_v).wait()
        sfd.wait()

        def group(g, _):
            q = g * L + iota
            acc = jnp.zeros((L,), jnp.float32)
            for k in range(K):
                w = plsc.load_gather(sf_v, [q, kconsts[k]])
                acc = acc + w * val_v[pl.ds(k * C + g * L, L)]
            o_v[pl.ds(g * L, L)] = acc
            return ()

        lax.fori_loop(0, C // L, group, (), unroll=4)
        pltpu.sync_copy(o_v, out_hbm.at[pl.ds(core * M + base, C)])
        return ()

    my_chunks = (n_chunks - sub + NS - 1) // NS
    lax.fori_loop(0, my_chunks, do_chunk, ())


def kernel(x, cell_id, nodal_values, shape_functions, connectivity):
    del x
    F, N, _ = nodal_values.shape
    M = cell_id.shape[0]
    n_cells = connectivity.shape[0]

    mesh = plsc.VectorSubcoreMesh(core_axis_name="c", subcore_axis_name="s")
    cparams = pltpu.CompilerParams(
        needs_layout_passes=False, use_tc_tiling_on_sc=False)

    conn8 = jnp.concatenate(
        [connectivity, jnp.zeros((n_cells, KP - K), jnp.int32)], axis=1)

    tables = nodal_values[:, :, 0].reshape(F * N)

    run = pl.kernel(
        _interp_body,
        out_type=jax.ShapeDtypeStruct((F * M,), jnp.float32),
        mesh=mesh,
        compiler_params=cparams,
        scratch_types=[
            pltpu.VMEM_SHARED((N,), jnp.float32),
            pltpu.VMEM((C,), jnp.int32),
            pltpu.VMEM((C, KP), jnp.int32),
            pltpu.VMEM((C * K,), jnp.int32),
            pltpu.VMEM((C * K,), jnp.float32),
            pltpu.VMEM((C, K), jnp.float32),
            pltpu.VMEM((C,), jnp.float32),
            pltpu.SemaphoreType.DMA,
            pltpu.SemaphoreType.DMA,
            pltpu.SemaphoreType.DMA,
        ],
    )
    return run(cell_id, shape_functions, conn8, tables).reshape(F, M)

# --- scband reference (transcript-rebuilt; emitter-appended) ---
"""Pipeline reference for scband-interpolation-block2-d-quad-26010321944825 (READ-ONLY COPY).

The authoritative reference and input builder live on the scoring server;
editing this copy changes nothing except your own understanding.
"""

import jax, jax.numpy as jnp
import numpy as np


def setup_inputs(seed: int = 0) -> dict:
    key = jax.random.key(seed)
    n_nodes = 1000000
    n_cells = 1000000
    M = 2000000
    F = 2
    k1, k2, k3, k4, k5 = jax.random.split(key, 5)
    x = jax.random.normal(k1, (M, 2), dtype=jnp.float32)
    cell_id = jax.random.randint(k2, (M,), 0, n_cells, dtype=jnp.int32)
    nodal_values = jax.random.normal(k3, (F, n_nodes, 1), dtype=jnp.float32)
    shape_functions = jax.random.uniform(k4, (M, 6), dtype=jnp.float32)
    # connectivity stores 1-indexed node IDs (as in the original module, which subtracts 1)
    connectivity = jax.random.randint(k5, (n_cells, 6), 1, n_nodes + 1, dtype=jnp.int32)
    return {"x": x, "cell_id": cell_id, "nodal_values": nodal_values, "shape_functions": shape_functions, "connectivity": connectivity}


def reference(x, cell_id, nodal_values, shape_functions, connectivity):
    # cell_nodes_IDs = connectivity[cell_id, :] - 1  -> [M, 6]
    cell_nodes = jnp.take(connectivity, cell_id, axis=0) - 1
    # node_k_value for k in 0..5: gather nodal field values at each cell's nodes.
    # nodal_values is the stacked list of per-field column vectors [F, n_nodes, 1];
    # val[row] in the original corresponds to nodal_values[f, row, 0].
    gathered = jnp.take(nodal_values[:, :, 0], cell_nodes, axis=1)  # [F, M, 6]
    # sum_k shape_functions[:, k] * node_k_value  -> [F, M]
    out = jnp.einsum("mk,fmk->fm", shape_functions, gathered)
    return out

if __name__ == "__main__":
    import jax
    _d = setup_inputs()
    print(jax.jit(kernel)(*tuple(_d.values())))

</pallas_src>

<mosaic_0001>
#map = affine_map<(d0, d1) -> (0)>
#map1 = affine_map<(d0, d1) -> (0, 0)>
module attributes {stable_mosaic.version = 14 : i64} {
  func.func @_interp_body(%arg0: i32, %arg1: i32, %arg2: memref<2000000xi32, #tpu.memory_space<hbm>>, %arg3: memref<2000000x6xf32, #tpu.memory_space<hbm>>, %arg4: memref<1000000x8xi32, #tpu.memory_space<hbm>>, %arg5: memref<2000000xf32, #tpu.memory_space<hbm>>, %arg6: memref<4000000xf32, #tpu.memory_space<hbm>>, %arg7: memref<1000000xf32, #tpu.memory_space<vmem_shared>>, %arg8: memref<2048xi32, #tpu.memory_space<vmem>>, %arg9: memref<2048x8xi32, #tpu.memory_space<vmem>>, %arg10: memref<12288xi32, #tpu.memory_space<vmem>>, %arg11: memref<12288xf32, #tpu.memory_space<vmem>>, %arg12: memref<2048x6xf32, #tpu.memory_space<vmem>>, %arg13: memref<2048xf32, #tpu.memory_space<vmem>>, %arg14: memref<!tpu.dma_semaphore, #tpu.memory_space<semaphore_mem>>, %arg15: memref<!tpu.dma_semaphore, #tpu.memory_space<semaphore_mem>>, %arg16: memref<!tpu.dma_semaphore, #tpu.memory_space<semaphore_mem>>) attributes {dimension_semantics = [#tpu.dimension_semantics<core_parallel>, #tpu.dimension_semantics<subcore_parallel>], iteration_bounds = array<i64: 2, 16>, scalar_prefetch = 0 : i64, scratch_operands = 10 : i64, tpu.core_type = #tpu.core_type<sc_vector_subcore>, window_params = [{transform_indices = #map}, {transform_indices = #map1}, {transform_indices = #map1}, {transform_indices = #map}, {transform_indices = #map}]} {
    %mul3A = arith.constant 62500 : i32
    %mul3A_0 = arith.muli %arg1, %mul3A : i32
    %jit3A = arith.constant 8 : i32
    %div3A = arith.divsi %mul3A_0, %jit3A : i32
    %sign3A = arith.constant 0 : i32
    %sign3A_1 = arith.cmpi sgt, %mul3A_0, %sign3A : i32
    %sign3A_2 = arith.extui %sign3A_1 : i1 to i32
    %sign3A_3 = arith.constant 0 : i32
    %sign3A_4 = arith.cmpi slt, %mul3A_0, %sign3A_3 : i32
    %sign3A_5 = arith.extui %sign3A_4 : i1 to i32
    %sign3A_6 = arith.subi %sign3A_2, %sign3A_5 : i32
    %sign3A_7 = arith.constant 0 : i32
    %sign3A_8 = arith.cmpi sgt, %jit3A, %sign3A_7 : i32
    %sign3A_9 = arith.extui %sign3A_8 : i1 to i32
    %sign3A_10 = arith.constant 0 : i32
    %sign3A_11 = arith.cmpi slt, %jit3A, %sign3A_10 : i32
    %sign3A_12 = arith.extui %sign3A_11 : i1 to i32
    %sign3A_13 = arith.subi %sign3A_9, %sign3A_12 : i32
    %ne3A = arith.cmpi ne, %sign3A_6, %sign3A_13 : i32
    %rem3A = arith.remsi %mul3A_0, %jit3A : i32
    %ne3A_14 = arith.constant 0 : i32
    %ne3A_15 = arith.cmpi ne, %rem3A, %ne3A_14 : i32
    %and3A = arith.andi %ne3A, %ne3A_15 : i1
    %sub3A = arith.constant 1 : i32
    %sub3A_16 = arith.subi %div3A, %sub3A : i32
    %select_n3A = arith.select %and3A, %sub3A_16, %div3A : i32
    %mul3A_17 = arith.constant 8 : i32
    %mul3A_18 = arith.muli %select_n3A, %mul3A_17 : i32
    %scan3A = arith.constant 0 : i32
    %scan3A_19 = arith.constant 9 : i32
    %scan3A_20 = arith.addi %scan3A, %scan3A_19 : i32
    %scan3A_21 = arith.constant 1 : i32
    scf.for %scan3A_71 = %scan3A to %scan3A_20 step %scan3A_21  : i32 {
      %mul3A_72 = arith.constant 7816 : i32
      %mul3A_73 = arith.muli %scan3A_71, %mul3A_72 : i32
      %add3A_74 = arith.addi %mul3A_18, %mul3A_73 : i32
      %min3A = arith.constant 992184 : i32
      %min3A_75 = arith.minsi %add3A_74, %min3A : i32
      %mul3A_76 = arith.constant 1000000 : i32
      %mul3A_77 = arith.muli %arg0, %mul3A_76 : i32
      %add3A_78 = arith.addi %mul3A_77, %min3A_75 : i32
      "tpu.region"() ({
        %run_scoped3A = tpu.sem_alloc : memref<!tpu.dma_semaphore, #tpu.memory_space<semaphore_mem>>
        %dma_start3A = arith.constant 0 : i32
        %dma_start3A_79 = tpu.memref_slice %arg11[%dma_start3A] : memref<12288xf32, #tpu.memory_space<vmem>> -> memref<7816xf32, #tpu.memory_space<vmem>>
        %dma_start3A_80 = tpu.memref_slice %arg5[%add3A_78] : memref<2000000xf32, #tpu.memory_space<hbm>> -> memref<7816xf32, #tpu.memory_space<hbm>>
        %dma_start3A_81 = arith.constant 0 : i32
        %dma_start3A_82 = tpu.memref_slice %arg11[%dma_start3A_81] : memref<12288xf32, #tpu.memory_space<vmem>> -> memref<7816xf32, #tpu.memory_space<vmem>>
        %dma_start3A_83 = tpu.memref_slice %arg5[%add3A_78] : memref<2000000xf32, #tpu.memory_space<hbm>> -> memref<7816xf32, #tpu.memory_space<hbm>>
        tpu.enqueue_dma source(%dma_start3A_83 : memref<7816xf32, #tpu.memory_space<hbm>>) target(%dma_start3A_82 : memref<7816xf32, #tpu.memory_space<vmem>>) target_semaphore(%run_scoped3A : memref<!tpu.dma_semaphore, #tpu.memory_space<semaphore_mem>>)
        %dma_wait3A = arith.constant 0 : i32
        %dma_wait3A_84 = tpu.memref_slice %arg11[%dma_wait3A] : memref<12288xf32, #tpu.memory_space<vmem>> -> memref<7816xf32, #tpu.memory_space<vmem>>
        %dma_wait3A_85 = tpu.memref_slice %arg5[%add3A_78] : memref<2000000xf32, #tpu.memory_space<hbm>> -> memref<7816xf32, #tpu.memory_space<hbm>>
        %dma_wait3A_86 = arith.constant 0 : i32
        %dma_wait3A_87 = tpu.memref_slice %arg11[%dma_wait3A_86] : memref<12288xf32, #tpu.memory_space<vmem>> -> memref<7816xf32, #tpu.memory_space<vmem>>
        %dma_wait3A_88 = tpu.memref_slice %arg5[%add3A_78] : memref<2000000xf32, #tpu.memory_space<hbm>> -> memref<7816xf32, #tpu.memory_space<hbm>>
        tpu.wait_dma2 semaphore(%run_scoped3A : memref<!tpu.dma_semaphore, #tpu.memory_space<semaphore_mem>>) src(%dma_wait3A_88 : memref<7816xf32, #tpu.memory_space<hbm>>) dst(%dma_wait3A_87 : memref<7816xf32, #tpu.memory_space<vmem>>)
        tpu.yield
      }) : () -> ()
      "tpu.region"() ({
        %run_scoped3A = tpu.sem_alloc : memref<!tpu.dma_semaphore, #tpu.memory_space<semaphore_mem>>
        %dma_start3A = arith.constant 0 : i32
        %dma_start3A_79 = tpu.memref_slice %arg11[%dma_start3A] : memref<12288xf32, #tpu.memory_space<vmem>> -> memref<7816xf32, #tpu.memory_space<vmem>>
        %dma_start3A_80 = tpu.memref_slice %arg7[%min3A_75] : memref<1000000xf32, #tpu.memory_space<vmem_shared>> -> memref<7816xf32, #tpu.memory_space<vmem_shared>>
        %dma_start3A_81 = tpu.memref_slice %arg7[%min3A_75] : memref<1000000xf32, #tpu.memory_space<vmem_shared>> -> memref<7816xf32, #tpu.memory_space<vmem_shared>>
        %dma_start3A_82 = arith.constant 0 : i32
        %dma_start3A_83 = tpu.memref_slice %arg11[%dma_start3A_82] : memref<12288xf32, #tpu.memory_space<vmem>> -> memref<7816xf32, #tpu.memory_space<vmem>>
        tpu.enqueue_dma source(%dma_start3A_83 : memref<7816xf32, #tpu.memory_space<vmem>>) target(%dma_start3A_81 : memref<7816xf32, #tpu.memory_space<vmem_shared>>) target_semaphore(%run_scoped3A : memref<!tpu.dma_semaphore, #tpu.memory_space<semaphore_mem>>)
        %dma_wait3A = arith.constant 0 : i32
        %dma_wait3A_84 = tpu.memref_slice %arg11[%dma_wait3A] : memref<12288xf32, #tpu.memory_space<vmem>> -> memref<7816xf32, #tpu.memory_space<vmem>>
        %dma_wait3A_85 = tpu.memref_slice %arg7[%min3A_75] : memref<1000000xf32, #tpu.memory_space<vmem_shared>> -> memref<7816xf32, #tpu.memory_space<vmem_shared>>
        %dma_wait3A_86 = tpu.memref_slice %arg7[%min3A_75] : memref<1000000xf32, #tpu.memory_space<vmem_shared>> -> memref<7816xf32, #tpu.memory_space<vmem_shared>>
        %dma_wait3A_87 = arith.constant 0 : i32
        %dma_wait3A_88 = tpu.memref_slice %arg11[%dma_wait3A_87] : memref<12288xf32, #tpu.memory_space<vmem>> -> memref<7816xf32, #tpu.memory_space<vmem>>
        tpu.wait_dma2 semaphore(%run_scoped3A : memref<!tpu.dma_semaphore, #tpu.memory_space<semaphore_mem>>) src(%dma_wait3A_88 : memref<7816xf32, #tpu.memory_space<vmem>>) dst(%dma_wait3A_86 : memref<7816xf32, #tpu.memory_space<vmem_shared>>)
        tpu.yield
      }) : () -> ()
    }
    %scan3A_22 = arith.constant 9 : i32
    %barrier3A = arith.constant 0 : index
    tpu.barrier barrier_id(%barrier3A)
    %iota3A = tpu.iota {dimensions = array<i32: 0>} : vector<16xi32>
    %broadcast_in_dim3A = arith.constant 0 : i32
    %broadcast_in_dim3A_23 = vector.broadcast %broadcast_in_dim3A : i32 to vector<16xi32>
    %broadcast_in_dim3A_24 = arith.constant 1 : i32
    %broadcast_in_dim3A_25 = vector.broadcast %broadcast_in_dim3A_24 : i32 to vector<16xi32>
    %broadcast_in_dim3A_26 = arith.constant 2 : i32
    %broadcast_in_dim3A_27 = vector.broadcast %broadcast_in_dim3A_26 : i32 to vector<16xi32>
    %broadcast_in_dim3A_28 = arith.constant 3 : i32
    %broadcast_in_dim3A_29 = vector.broadcast %broadcast_in_dim3A_28 : i32 to vector<16xi32>
    %broadcast_in_dim3A_30 = arith.constant 4 : i32
    %broadcast_in_dim3A_31 = vector.broadcast %broadcast_in_dim3A_30 : i32 to vector<16xi32>
    %broadcast_in_dim3A_32 = arith.constant 5 : i32
    %broadcast_in_dim3A_33 = vector.broadcast %broadcast_in_dim3A_32 : i32 to vector<16xi32>
    %sub3A_34 = arith.constant 977 : i32
    %sub3A_35 = arith.subi %sub3A_34, %arg1 : i32
    %add3A = arith.constant 16 : i32
    %add3A_36 = arith.addi %sub3A_35, %add3A : i32
    %sub3A_37 = arith.constant 1 : i32
    %sub3A_38 = arith.subi %add3A_36, %sub3A_37 : i32
    %jit3A_39 = arith.constant 16 : i32
    %div3A_40 = arith.divsi %sub3A_38, %jit3A_39 : i32
    %sign3A_41 = arith.constant 0 : i32
    %sign3A_42 = arith.cmpi sgt, %sub3A_38, %sign3A_41 : i32
    %sign3A_43 = arith.extui %sign3A_42 : i1 to i32
    %sign3A_44 = arith.constant 0 : i32
    %sign3A_45 = arith.cmpi slt, %sub3A_38, %sign3A_44 : i32
    %sign3A_46 = arith.extui %sign3A_45 : i1 to i32
    %sign3A_47 = arith.subi %sign3A_43, %sign3A_46 : i32
    %sign3A_48 = arith.constant 0 : i32
    %sign3A_49 = arith.cmpi sgt, %jit3A_39, %sign3A_48 : i32
    %sign3A_50 = arith.extui %sign3A_49 : i1 to i32
    %sign3A_51 = arith.constant 0 : i32
    %sign3A_52 = arith.cmpi slt, %jit3A_39, %sign3A_51 : i32
    %sign3A_53 = arith.extui %sign3A_52 : i1 to i32
    %sign3A_54 = arith.subi %sign3A_50, %sign3A_53 : i32
    %ne3A_55 = arith.cmpi ne, %sign3A_47, %sign3A_54 : i32
    %rem3A_56 = arith.remsi %sub3A_38, %jit3A_39 : i32
    %ne3A_57 = arith.constant 0 : i32
    %ne3A_58 = arith.cmpi ne, %rem3A_56, %ne3A_57 : i32
    %and3A_59 = arith.andi %ne3A_55, %ne3A_58 : i1
    %sub3A_60 = arith.constant 1 : i32
    %sub3A_61 = arith.subi %div3A_40, %sub3A_60 : i32
    %select_n3A_62 = arith.select %and3A_59, %sub3A_61, %div3A_40 : i32
    %while3A = arith.constant 0 : i32
    %while3A_63 = arith.subi %select_n3A_62, %while3A : i32
    %while3A_64 = arith.addi %while3A, %while3A_63 : i32
    %while3A_65 = arith.constant 1 : i32
    %while3A_66 = arith.divsi %while3A_63, %while3A_65 : i32
    %while3A_67 = arith.muli %while3A_66, %while3A_65 : i32
    %while3A_68 = arith.addi %while3A, %while3A_67 : i32
    %while3A_69 = arith.constant 1 : i32
    scf.for %while3A_71 = %while3A to %while3A_68 step %while3A_69  : i32 {
      %mul3A_72 = arith.constant 16 : i32
      %mul3A_73 = arith.muli %while3A_71, %mul3A_72 : i32
      %add3A_74 = arith.addi %arg1, %mul3A_73 : i32
      %mul3A_75 = arith.constant 2048 : i32
      %mul3A_76 = arith.muli %add3A_74, %mul3A_75 : i32
      %min3A = arith.constant 1997952 : i32
      %min3A_77 = arith.minsi %mul3A_76, %min3A : i32
      "tpu.region"() ({
        %run_scoped3A = tpu.sem_alloc : memref<!tpu.dma_semaphore, #tpu.memory_space<semaphore_mem>>
        %dma_start3A_132 = tpu.memref_slice %arg2[%min3A_77] : memref<2000000xi32, #tpu.memory_space<hbm>> -> memref<2048xi32, #tpu.memory_space<hbm>>
        %dma_start3A_133 = tpu.memref_slice %arg2[%min3A_77] : memref<2000000xi32, #tpu.memory_space<hbm>> -> memref<2048xi32, #tpu.memory_space<hbm>>
        tpu.enqueue_dma source(%dma_start3A_133 : memref<2048xi32, #tpu.memory_space<hbm>>) target(%arg8 : memref<2048xi32, #tpu.memory_space<vmem>>) target_semaphore(%run_scoped3A : memref<!tpu.dma_semaphore, #tpu.memory_space<semaphore_mem>>)
        %dma_wait3A_134 = tpu.memref_slice %arg2[%min3A_77] : memref<2000000xi32, #tpu.memory_space<hbm>> -> memref<2048xi32, #tpu.memory_space<hbm>>
        %dma_wait3A_135 = tpu.memref_slice %arg2[%min3A_77] : memref<2000000xi32, #tpu.memory_space<hbm>> -> memref<2048xi32, #tpu.memory_space<hbm>>
        tpu.wait_dma2 semaphore(%run_scoped3A : memref<!tpu.dma_semaphore, #tpu.memory_space<semaphore_mem>>) src(%dma_wait3A_135 : memref<2048xi32, #tpu.memory_space<hbm>>) dst(%arg8 : memref<2048xi32, #tpu.memory_space<vmem>>)
        tpu.yield
      }) : () -> ()
      %dma_start3A = arith.constant 0 : i32
      %dma_start3A_78 = tpu.memref_slice %arg3[%min3A_77, %dma_start3A] : memref<2000000x6xf32, #tpu.memory_space<hbm>> -> memref<2048x6xf32, #tpu.memory_space<hbm>>
      %dma_start3A_79 = arith.constant 0 : i32
      %dma_start3A_80 = tpu.memref_slice %arg3[%min3A_77, %dma_start3A_79] : memref<2000000x6xf32, #tpu.memory_space<hbm>> -> memref<2048x6xf32, #tpu.memory_space<hbm>>
      tpu.enqueue_dma source(%dma_start3A_80 : memref<2048x6xf32, #tpu.memory_space<hbm>>) target(%arg12 : memref<2048x6xf32, #tpu.memory_space<vmem>>) target_semaphore(%arg16 : memref<!tpu.dma_semaphore, #tpu.memory_space<semaphore_mem>>)
      %dma_start3A_81 = arith.constant 0 : i32
      %dma_start3A_82 = arith.constant 0 : i32
      %dma_start3A_83 = tpu.memref_slice %arg4[%dma_start3A_81, %dma_start3A_82] : memref<1000000x8xi32, #tpu.memory_space<hbm>> -> memref<1000000x8xi32, #tpu.memory_space<hbm>>
      tpu.enqueue_indirect_dma source(%dma_start3A_83 : memref<1000000x8xi32, #tpu.memory_space<hbm>>) target(%arg9 : memref<2048x8xi32, #tpu.memory_space<vmem>>) offsets(%arg8 : memref<2048xi32, #tpu.memory_space<vmem>>) semaphore(%arg14 : memref<!tpu.dma_semaphore, #tpu.memory_space<semaphore_mem>>)
      %dma_wait3A = arith.constant 0 : i32
      %dma_wait3A_84 = arith.constant 0 : i32
      %dma_wait3A_85 = tpu.memref_slice %arg4[%dma_wait3A, %dma_wait3A_84] : memref<1000000x8xi32, #tpu.memory_space<hbm>> -> memref<1000000x8xi32, #tpu.memory_space<hbm>>
      tpu.wait_indirect_dma semaphore(%arg14 : memref<!tpu.dma_semaphore, #tpu.memory_space<semaphore_mem>>) src(%dma_wait3A_85 : memref<1000000x8xi32, #tpu.memory_space<hbm>>) dst(%arg9 : memref<2048x8xi32, #tpu.memory_space<vmem>>)
      %scan3A_86 = arith.constant 0 : i32
      %scan3A_87 = arith.constant 128 : i32
      %scan3A_88 = arith.addi %scan3A_86, %scan3A_87 : i32
      %scan3A_89 = arith.constant 8 : i32
      scf.for %scan3A_132 = %scan3A_86 to %scan3A_88 step %scan3A_89  : i32 {
        %mul3A_133 = arith.constant 16 : i32
        %mul3A_134 = arith.muli %scan3A_132, %mul3A_133 : i32
        %add3A_135 = vector.broadcast %mul3A_134 : i32 to vector<16xi32>
        %add3A_136 = arith.addi %add3A_135, %iota3A : vector<16xi32>
        %gather3A = tpu.vector_load_idx %arg9[%add3A_136, %broadcast_in_dim3A_23] : memref<2048x8xi32, #tpu.memory_space<vmem>>[vector<16xi32>, vector<16xi32>], vector<16xi32>,
        %sub3A_137 = arith.constant 1 : i32
        %sub3A_138 = vector.broadcast %sub3A_137 : i32 to vector<16xi32>
        %sub3A_139 = arith.subi %gather3A, %sub3A_138 : vector<16xi32>
        %mul3A_140 = arith.constant 16 : i32
        %mul3A_141 = arith.muli %scan3A_132, %mul3A_140 : i32
        %add3A_142 = arith.constant 0 : i32
        %add3A_143 = arith.addi %add3A_142, %mul3A_141 : i32
        %swap3A = arith.index_cast %add3A_143 : i32 to index
        %swap3A_144 = tpu.vector_load %arg10[%swap3A] {strides = array<i32>} : memref<12288xi32, #tpu.memory_space<vmem>>, vector<16xi32>,
        tpu.vector_store %arg10[%swap3A], %sub3A_139 {strides = array<i32>} : memref<12288xi32, #tpu.memory_space<vmem>>, vector<16xi32>,
        %scan3A_145 = arith.constant 1 : i32
        %scan3A_146 = arith.addi %scan3A_132, %scan3A_145 : i32
        %mul3A_147 = arith.constant 16 : i32
        %mul3A_148 = arith.muli %scan3A_146, %mul3A_147 : i32
        %add3A_149 = vector.broadcast %mul3A_148 : i32 to vector<16xi32>
        %add3A_150 = arith.addi %add3A_149, %iota3A : vector<16xi32>
        %gather3A_151 = tpu.vector_load_idx %arg9[%add3A_150, %broadcast_in_dim3A_23] : memref<2048x8xi32, #tpu.memory_space<vmem>>[vector<16xi32>, vector<16xi32>], vector<16xi32>,
        %sub3A_152 = arith.constant 1 : i32
        %sub3A_153 = vector.broadcast %sub3A_152 : i32 to vector<16xi32>
        %sub3A_154 = arith.subi %gather3A_151, %sub3A_153 : vector<16xi32>
        %mul3A_155 = arith.constant 16 : i32
        %mul3A_156 = arith.muli %scan3A_146, %mul3A_155 : i32
        %add3A_157 = arith.constant 0 : i32
        %add3A_158 = arith.addi %add3A_157, %mul3A_156 : i32
        %swap3A_159 = arith.index_cast %add3A_158 : i32 to index
        %swap3A_160 = tpu.vector_load %arg10[%swap3A_159] {strides = array<i32>} : memref<12288xi32, #tpu.memory_space<vmem>>, vector<16xi32>,
        tpu.vector_store %arg10[%swap3A_159], %sub3A_154 {strides = array<i32>} : memref<12288xi32, #tpu.memory_space<vmem>>, vector<16xi32>,
        %scan3A_161 = arith.constant 2 : i32
        %scan3A_162 = arith.addi %scan3A_132, %scan3A_161 : i32
        %mul3A_163 = arith.constant 16 : i32
        %mul3A_164 = arith.muli %scan3A_162, %mul3A_163 : i32
        %add3A_165 = vector.broadcast %mul3A_164 : i32 to vector<16xi32>
        %add3A_166 = arith.addi %add3A_165, %iota3A : vector<16xi32>
        %gather3A_167 = tpu.vector_load_idx %arg9[%add3A_166, %broadcast_in_dim3A_23] : memref<2048x8xi32, #tpu.memory_space<vmem>>[vector<16xi32>, vector<16xi32>], vector<16xi32>,
        %sub3A_168 = arith.constant 1 : i32
        %sub3A_169 = vector.broadcast %sub3A_168 : i32 to vector<16xi32>
        %sub3A_170 = arith.subi %gather3A_167, %sub3A_169 : vector<16xi32>
        %mul3A_171 = arith.constant 16 : i32
        %mul3A_172 = arith.muli %scan3A_162, %mul3A_171 : i32
        %add3A_173 = arith.constant 0 : i32
        %add3A_174 = arith.addi %add3A_173, %mul3A_172 : i32
        %swap3A_175 = arith.index_cast %add3A_174 : i32 to index
        %swap3A_176 = tpu.vector_load %arg10[%swap3A_175] {strides = array<i32>} : memref<12288xi32, #tpu.memory_space<vmem>>, vector<16xi32>,
        tpu.vector_store %arg10[%swap3A_175], %sub3A_170 {strides = array<i32>} : memref<12288xi32, #tpu.memory_space<vmem>>, vector<16xi32>,
        %scan3A_177 = arith.constant 3 : i32
        %scan3A_178 = arith.addi %scan3A_132, %scan3A_177 : i32
        %mul3A_179 = arith.constant 16 : i32
        %mul3A_180 = arith.muli %scan3A_178, %mul3A_179 : i32
        %add3A_181 = vector.broadcast %mul3A_180 : i32 to vector<16xi32>
        %add3A_182 = arith.addi %add3A_181, %iota3A : vector<16xi32>
        %gather3A_183 = tpu.vector_load_idx %arg9[%add3A_182, %broadcast_in_dim3A_23] : memref<2048x8xi32, #tpu.memory_space<vmem>>[vector<16xi32>, vector<16xi32>], vector<16xi32>,
        %sub3A_184 = arith.constant 1 : i32
        %sub3A_185 = vector.broadcast %sub3A_184 : i32 to vector<16xi32>
        %sub3A_186 = arith.subi %gather3A_183, %sub3A_185 : vector<16xi32>
        %mul3A_187 = arith.constant 16 : i32
        %mul3A_188 = arith.muli %scan3A_178, %mul3A_187 : i32
        %add3A_189 = arith.constant 0 : i32
        %add3A_190 = arith.addi %add3A_189, %mul3A_188 : i32
        %swap3A_191 = arith.index_cast %add3A_190 : i32 to index
        %swap3A_192 = tpu.vector_load %arg10[%swap3A_191] {strides = array<i32>} : memref<12288xi32, #tpu.memory_space<vmem>>, vector<16xi32>,
        tpu.vector_store %arg10[%swap3A_191], %sub3A_186 {strides = array<i32>} : memref<12288xi32, #tpu.memory_space<vmem>>, vector<16xi32>,
        %scan3A_193 = arith.constant 4 : i32
        %scan3A_194 = arith.addi %scan3A_132, %scan3A_193 : i32
        %mul3A_195 = arith.constant 16 : i32
        %mul3A_196 = arith.muli %scan3A_194, %mul3A_195 : i32
        %add3A_197 = vector.broadcast %mul3A_196 : i32 to vector<16xi32>
        %add3A_198 = arith.addi %add3A_197, %iota3A : vector<16xi32>
        %gather3A_199 = tpu.vector_load_idx %arg9[%add3A_198, %broadcast_in_dim3A_23] : memref<2048x8xi32, #tpu.memory_space<vmem>>[vector<16xi32>, vector<16xi32>], vector<16xi32>,
        %sub3A_200 = arith.constant 1 : i32
        %sub3A_201 = vector.broadcast %sub3A_200 : i32 to vector<16xi32>
        %sub3A_202 = arith.subi %gather3A_199, %sub3A_201 : vector<16xi32>
        %mul3A_203 = arith.constant 16 : i32
        %mul3A_204 = arith.muli %scan3A_194, %mul3A_203 : i32
        %add3A_205 = arith.constant 0 : i32
        %add3A_206 = arith.addi %add3A_205, %mul3A_204 : i32
        %swap3A_207 = arith.index_cast %add3A_206 : i32 to index
        %swap3A_208 = tpu.vector_load %arg10[%swap3A_207] {strides = array<i32>} : memref<12288xi32, #tpu.memory_space<vmem>>, vector<16xi32>,
        tpu.vector_store %arg10[%swap3A_207], %sub3A_202 {strides = array<i32>} : memref<12288xi32, #tpu.memory_space<vmem>>, vector<16xi32>,
        %scan3A_209 = arith.constant 5 : i32
        %scan3A_210 = arith.addi %scan3A_132, %scan3A_209 : i32
        %mul3A_211 = arith.constant 16 : i32
        %mul3A_212 = arith.muli %scan3A_210, %mul3A_211 : i32
        %add3A_213 = vector.broadcast %mul3A_212 : i32 to vector<16xi32>
        %add3A_214 = arith.addi %add3A_213, %iota3A : vector<16xi32>
        %gather3A_215 = tpu.vector_load_idx %arg9[%add3A_214, %broadcast_in_dim3A_23] : memref<2048x8xi32, #tpu.memory_space<vmem>>[vector<16xi32>, vector<16xi32>], vector<16xi32>,
        %sub3A_216 = arith.constant 1 : i32
        %sub3A_217 = vector.broadcast %sub3A_216 : i32 to vector<16xi32>
        %sub3A_218 = arith.subi %gather3A_215, %sub3A_217 : vector<16xi32>
        %mul3A_219 = arith.constant 16 : i32
        %mul3A_220 = arith.muli %scan3A_210, %mul3A_219 : i32
        %add3A_221 = arith.constant 0 : i32
        %add3A_222 = arith.addi %add3A_221, %mul3A_220 : i32
        %swap3A_223 = arith.index_cast %add3A_222 : i32 to index
        %swap3A_224 = tpu.vector_load %arg10[%swap3A_223] {strides = array<i32>} : memref<12288xi32, #tpu.memory_space<vmem>>, vector<16xi32>,
        tpu.vector_store %arg10[%swap3A_223], %sub3A_218 {strides = array<i32>} : memref<12288xi32, #tpu.memory_space<vmem>>, vector<16xi32>,
        %scan3A_225 = arith.constant 6 : i32
        %scan3A_226 = arith.addi %scan3A_132, %scan3A_225 : i32
        %mul3A_227 = arith.constant 16 : i32
        %mul3A_228 = arith.muli %scan3A_226, %mul3A_227 : i32
        %add3A_229 = vector.broadcast %mul3A_228 : i32 to vector<16xi32>
        %add3A_230 = arith.addi %add3A_229, %iota3A : vector<16xi32>
        %gather3A_231 = tpu.vector_load_idx %arg9[%add3A_230, %broadcast_in_dim3A_23] : memref<2048x8xi32, #tpu.memory_space<vmem>>[vector<16xi32>, vector<16xi32>], vector<16xi32>,
        %sub3A_232 = arith.constant 1 : i32
        %sub3A_233 = vector.broadcast %sub3A_232 : i32 to vector<16xi32>
        %sub3A_234 = arith.subi %gather3A_231, %sub3A_233 : vector<16xi32>
        %mul3A_235 = arith.constant 16 : i32
        %mul3A_236 = arith.muli %scan3A_226, %mul3A_235 : i32
        %add3A_237 = arith.constant 0 : i32
        %add3A_238 = arith.addi %add3A_237, %mul3A_236 : i32
        %swap3A_239 = arith.index_cast %add3A_238 : i32 to index
        %swap3A_240 = tpu.vector_load %arg10[%swap3A_239] {strides = array<i32>} : memref<12288xi32, #tpu.memory_space<vmem>>, vector<16xi32>,
        tpu.vector_store %arg10[%swap3A_239], %sub3A_234 {strides = array<i32>} : memref<12288xi32, #tpu.memory_space<vmem>>, vector<16xi32>,
        %scan3A_241 = arith.constant 7 : i32
        %scan3A_242 = arith.addi %scan3A_132, %scan3A_241 : i32
        %mul3A_243 = arith.constant 16 : i32
        %mul3A_244 = arith.muli %scan3A_242, %mul3A_243 : i32
        %add3A_245 = vector.broadcast %mul3A_244 : i32 to vector<16xi32>
        %add3A_246 = arith.addi %add3A_245, %iota3A : vector<16xi32>
        %gather3A_247 = tpu.vector_load_idx %arg9[%add3A_246, %broadcast_in_dim3A_23] : memref<2048x8xi32, #tpu.memory_space<vmem>>[vector<16xi32>, vector<16xi32>], vector<16xi32>,
        %sub3A_248 = arith.constant 1 : i32
        %sub3A_249 = vector.broadcast %sub3A_248 : i32 to vector<16xi32>
        %sub3A_250 = arith.subi %gather3A_247, %sub3A_249 : vector<16xi32>
        %mul3A_251 = arith.constant 16 : i32
        %mul3A_252 = arith.muli %scan3A_242, %mul3A_251 : i32
        %add3A_253 = arith.constant 0 : i32
        %add3A_254 = arith.addi %add3A_253, %mul3A_252 : i32
        %swap3A_255 = arith.index_cast %add3A_254 : i32 to index
        %swap3A_256 = tpu.vector_load %arg10[%swap3A_255] {strides = array<i32>} : memref<12288xi32, #tpu.memory_space<vmem>>, vector<16xi32>,
        tpu.vector_store %arg10[%swap3A_255], %sub3A_250 {strides = array<i32>} : memref<12288xi32, #tpu.memory_space<vmem>>, vector<16xi32>,
      }
      %scan3A_90 = arith.constant 128 : i32
      %scan3A_91 = arith.constant 0 : i32
      %scan3A_92 = arith.constant 128 : i32
      %scan3A_93 = arith.addi %scan3A_91, %scan3A_92 : i32
      %scan3A_94 = arith.constant 8 : i32
      scf.for %scan3A_132 = %scan3A_91 to %scan3A_93 step %scan3A_94  : i32 {
        %mul3A_133 = arith.constant 16 : i32
        %mul3A_134 = arith.muli %scan3A_132, %mul3A_133 : i32
        %add3A_135 = vector.broadcast %mul3A_134 : i32 to vector<16xi32>
        %add3A_136 = arith.addi %add3A_135, %iota3A : vector<16xi32>
        %gather3A = tpu.vector_load_idx %arg9[%add3A_136, %broadcast_in_dim3A_25] : memref<2048x8xi32, #tpu.memory_space<vmem>>[vector<16xi32>, vector<16xi32>], vector<16xi32>,
        %sub3A_137 = arith.constant 1 : i32
        %sub3A_138 = vector.broadcast %sub3A_137 : i32 to vector<16xi32>
        %sub3A_139 = arith.subi %gather3A, %sub3A_138 : vector<16xi32>
        %mul3A_140 = arith.constant 16 : i32
        %mul3A_141 = arith.muli %scan3A_132, %mul3A_140 : i32
        %add3A_142 = arith.constant 2048 : i32
        %add3A_143 = arith.addi %add3A_142, %mul3A_141 : i32
        %swap3A = arith.index_cast %add3A_143 : i32 to index
        %swap3A_144 = tpu.vector_load %arg10[%swap3A] {strides = array<i32>} : memref<12288xi32, #tpu.memory_space<vmem>>, vector<16xi32>,
        tpu.vector_store %arg10[%swap3A], %sub3A_139 {strides = array<i32>} : memref<12288xi32, #tpu.memory_space<vmem>>, vector<16xi32>,
        %scan3A_145 = arith.constant 1 : i32
        %scan3A_146 = arith.addi %scan3A_132, %scan3A_145 : i32
        %mul3A_147 = arith.constant 16 : i32
        %mul3A_148 = arith.muli %scan3A_146, %mul3A_147 : i32
        %add3A_149 = vector.broadcast %mul3A_148 : i32 to vector<16xi32>
        %add3A_150 = arith.addi %add3A_149, %iota3A : vector<16xi32>
        %gather3A_151 = tpu.vector_load_idx %arg9[%add3A_150, %broadcast_in_dim3A_25] : memref<2048x8xi32, #tpu.memory_space<vmem>>[vector<16xi32>, vector<16xi32>], vector<16xi32>,
        %sub3A_152 = arith.constant 1 : i32
        %sub3A_153 = vector.broadcast %sub3A_152 : i32 to vector<16xi32>
        %sub3A_154 = arith.subi %gather3A_151, %sub3A_153 : vector<16xi32>
        %mul3A_155 = arith.constant 16 : i32
        %mul3A_156 = arith.muli %scan3A_146, %mul3A_155 : i32
        %add3A_157 = arith.constant 2048 : i32
        %add3A_158 = arith.addi %add3A_157, %mul3A_156 : i32
        %swap3A_159 = arith.index_cast %add3A_158 : i32 to index
        %swap3A_160 = tpu.vector_load %arg10[%swap3A_159] {strides = array<i32>} : memref<12288xi32, #tpu.memory_space<vmem>>, vector<16xi32>,
        tpu.vector_store %arg10[%swap3A_159], %sub3A_154 {strides = array<i32>} : memref<12288xi32, #tpu.memory_space<vmem>>, vector<16xi32>,
        %scan3A_161 = arith.constant 2 : i32
        %scan3A_162 = arith.addi %scan3A_132, %scan3A_161 : i32
        %mul3A_163 = arith.constant 16 : i32
        %mul3A_164 = arith.muli %scan3A_162, %mul3A_163 : i32
        %add3A_165 = vector.broadcast %mul3A_164 : i32 to vector<16xi32>
        %add3A_166 = arith.addi %add3A_165, %iota3A : vector<16xi32>
        %gather3A_167 = tpu.vector_load_idx %arg9[%add3A_166, %broadcast_in_dim3A_25] : memref<2048x8xi32, #tpu.memory_space<vmem>>[vector<16xi32>, vector<16xi32>], vector<16xi32>,
        %sub3A_168 = arith.constant 1 : i32
        %sub3A_169 = vector.broadcast %sub3A_168 : i32 to vector<16xi32>
        %sub3A_170 = arith.subi %gather3A_167, %sub3A_169 : vector<16xi32>
        %mul3A_171 = arith.constant 16 : i32
        %mul3A_172 = arith.muli %scan3A_162, %mul3A_171 : i32
        %add3A_173 = arith.constant 2048 : i32
        %add3A_174 = arith.addi %add3A_173, %mul3A_172 : i32
        %swap3A_175 = arith.index_cast %add3A_174 : i32 to index
        %swap3A_176 = tpu.vector_load %arg10[%swap3A_175] {strides = array<i32>} : memref<12288xi32, #tpu.memory_space<vmem>>, vector<16xi32>,
        tpu.vector_store %arg10[%swap3A_175], %sub3A_170 {strides = array<i32>} : memref<12288xi32, #tpu.memory_space<vmem>>, vector<16xi32>,
        %scan3A_177 = arith.constant 3 : i32
        %scan3A_178 = arith.addi %scan3A_132, %scan3A_177 : i32
        %mul3A_179 = arith.constant 16 : i32
        %mul3A_180 = arith.muli %scan3A_178, %mul3A_179 : i32
        %add3A_181 = vector.broadcast %mul3A_180 : i32 to vector<16xi32>
        %add3A_182 = arith.addi %add3A_181, %iota3A : vector<16xi32>
        %gather3A_183 = tpu.vector_load_idx %arg9[%add3A_182, %broadcast_in_dim3A_25] : memref<2048x8xi32, #tpu.memory_space<vmem>>[vector<16xi32>, vector<16xi32>], vector<16xi32>,
        %sub3A_184 = arith.constant 1 : i32
        %sub3A_185 = vector.broadcast %sub3A_184 : i32 to vector<16xi32>
        %sub3A_186 = arith.subi %gather3A_183, %sub3A_185 : vector<16xi32>
        %mul3A_187 = arith.constant 16 : i32
        %mul3A_188 = arith.muli %scan3A_178, %mul3A_187 : i32
        %add3A_189 = arith.constant 2048 : i32
        %add3A_190 = arith.addi %add3A_189, %mul3A_188 : i32
        %swap3A_191 = arith.index_cast %add3A_190 : i32 to index
        %swap3A_192 = tpu.vector_load %arg10[%swap3A_191] {strides = array<i32>} : memref<12288xi32, #tpu.memory_space<vmem>>, vector<16xi32>,
        tpu.vector_store %arg10[%swap3A_191], %sub3A_186 {strides = array<i32>} : memref<12288xi32, #tpu.memory_space<vmem>>, vector<16xi32>,
        %scan3A_193 = arith.constant 4 : i32
        %scan3A_194 = arith.addi %scan3A_132, %scan3A_193 : i32
        %mul3A_195 = arith.constant 16 : i32
        %mul3A_196 = arith.muli %scan3A_194, %mul3A_195 : i32
        %add3A_197 = vector.broadcast %mul3A_196 : i32 to vector<16xi32>
        %add3A_198 = arith.addi %add3A_197, %iota3A : vector<16xi32>
        %gather3A_199 = tpu.vector_load_idx %arg9[%add3A_198, %broadcast_in_dim3A_25] : memref<2048x8xi32, #tpu.memory_space<vmem>>[vector<16xi32>, vector<16xi32>], vector<16xi32>,
        %sub3A_200 = arith.constant 1 : i32
        %sub3A_201 = vector.broadcast %sub3A_200 : i32 to vector<16xi32>
        %sub3A_202 = arith.subi %gather3A_199, %sub3A_201 : vector<16xi32>
        %mul3A_203 = arith.constant 16 : i32
        %mul3A_204 = arith.muli %scan3A_194, %mul3A_203 : i32
        %add3A_205 = arith.constant 2048 : i32
        %add3A_206 = arith.addi %add3A_205, %mul3A_204 : i32
        %swap3A_207 = arith.index_cast %add3A_206 : i32 to index
        %swap3A_208 = tpu.vector_load %arg10[%swap3A_207] {strides = array<i32>} : memref<12288xi32, #tpu.memory_space<vmem>>, vector<16xi32>,
        tpu.vector_store %arg10[%swap3A_207], %sub3A_202 {strides = array<i32>} : memref<12288xi32, #tpu.memory_space<vmem>>, vector<16xi32>,
        %scan3A_209 = arith.constant 5 : i32
        %scan3A_210 = arith.addi %scan3A_132, %scan3A_209 : i32
        %mul3A_211 = arith.constant 16 : i32
        %mul3A_212 = arith.muli %scan3A_210, %mul3A_211 : i32
        %add3A_213 = vector.broadcast %mul3A_212 : i32 to vector<16xi32>
        %add3A_214 = arith.addi %add3A_213, %iota3A : vector<16xi32>
        %gather3A_215 = tpu.vector_load_idx %arg9[%add3A_214, %broadcast_in_dim3A_25] : memref<2048x8xi32, #tpu.memory_space<vmem>>[vector<16xi32>, vector<16xi32>], vector<16xi32>,
        %sub3A_216 = arith.constant 1 : i32
        %sub3A_217 = vector.broadcast %sub3A_216 : i32 to vector<16xi32>
        %sub3A_218 = arith.subi %gather3A_215, %sub3A_217 : vector<16xi32>
        %mul3A_219 = arith.constant 16 : i32
        %mul3A_220 = arith.muli %scan3A_210, %mul3A_219 : i32
        %add3A_221 = arith.constant 2048 : i32
        %add3A_222 = arith.addi %add3A_221, %mul3A_220 : i32
        %swap3A_223 = arith.index_cast %add3A_222 : i32 to index
        %swap3A_224 = tpu.vector_load %arg10[%swap3A_223] {strides = array<i32>} : memref<12288xi32, #tpu.memory_space<vmem>>, vector<16xi32>,
        tpu.vector_store %arg10[%swap3A_223], %sub3A_218 {strides = array<i32>} : memref<12288xi32, #tpu.memory_space<vmem>>, vector<16xi32>,
        %scan3A_225 = arith.constant 6 : i32
        %scan3A_226 = arith.addi %scan3A_132, %scan3A_225 : i32
        %mul3A_227 = arith.constant 16 : i32
        %mul3A_228 = arith.muli %scan3A_226, %mul3A_227 : i32
        %add3A_229 = vector.broadcast %mul3A_228 : i32 to vector<16xi32>
        %add3A_230 = arith.addi %add3A_229, %iota3A : vector<16xi32>
        %gather3A_231 = tpu.vector_load_idx %arg9[%add3A_230, %broadcast_in_dim3A_25] : memref<2048x8xi32, #tpu.memory_space<vmem>>[vector<16xi32>, vector<16xi32>], vector<16xi32>,
        %sub3A_232 = arith.constant 1 : i32
        %sub3A_233 = vector.broadcast %sub3A_232 : i32 to vector<16xi32>
        %sub3A_234 = arith.subi %gather3A_231, %sub3A_233 : vector<16xi32>
        %mul3A_235 = arith.constant 16 : i32
        %mul3A_236 = arith.muli %scan3A_226, %mul3A_235 : i32
        %add3A_237 = arith.constant 2048 : i32
        %add3A_238 = arith.addi %add3A_237, %mul3A_236 : i32
        %swap3A_239 = arith.index_cast %add3A_238 : i32 to index
        %swap3A_240 = tpu.vector_load %arg10[%swap3A_239] {strides = array<i32>} : memref<12288xi32, #tpu.memory_space<vmem>>, vector<16xi32>,
        tpu.vector_store %arg10[%swap3A_239], %sub3A_234 {strides = array<i32>} : memref<12288xi32, #tpu.memory_space<vmem>>, vector<16xi32>,
        %scan3A_241 = arith.constant 7 : i32
        %scan3A_242 = arith.addi %scan3A_132, %scan3A_241 : i32
        %mul3A_243 = arith.constant 16 : i32
        %mul3A_244 = arith.muli %scan3A_242, %mul3A_243 : i32
        %add3A_245 = vector.broadcast %mul3A_244 : i32 to vector<16xi32>
        %add3A_246 = arith.addi %add3A_245, %iota3A : vector<16xi32>
        %gather3A_247 = tpu.vector_load_idx %arg9[%add3A_246, %broadcast_in_dim3A_25] : memref<2048x8xi32, #tpu.memory_space<vmem>>[vector<16xi32>, vector<16xi32>], vector<16xi32>,
        %sub3A_248 = arith.constant 1 : i32
        %sub3A_249 = vector.broadcast %sub3A_248 : i32 to vector<16xi32>
        %sub3A_250 = arith.subi %gather3A_247, %sub3A_249 : vector<16xi32>
        %mul3A_251 = arith.constant 16 : i32
        %mul3A_252 = arith.muli %scan3A_242, %mul3A_251 : i32
        %add3A_253 = arith.constant 2048 : i32
        %add3A_254 = arith.addi %add3A_253, %mul3A_252 : i32
        %swap3A_255 = arith.index_cast %add3A_254 : i32 to index
        %swap3A_256 = tpu.vector_load %arg10[%swap3A_255] {strides = array<i32>} : memref<12288xi32, #tpu.memory_space<vmem>>, vector<16xi32>,
        tpu.vector_store %arg10[%swap3A_255], %sub3A_250 {strides = array<i32>} : memref<12288xi32, #tpu.memory_space<vmem>>, vector<16xi32>,
      }
      %scan3A_95 = arith.constant 128 : i32
      %scan3A_96 = arith.constant 0 : i32
      %scan3A_97 = arith.constant 128 : i32
      %scan3A_98 = arith.addi %scan3A_96, %scan3A_97 : i32
      %scan3A_99 = arith.constant 8 : i32
      scf.for %scan3A_132 = %scan3A_96 to %scan3A_98 step %scan3A_99  : i32 {
        %mul3A_133 = arith.constant 16 : i32
        %mul3A_134 = arith.muli %scan3A_132, %mul3A_133 : i32
        %add3A_135 = vector.broadcast %mul3A_134 : i32 to vector<16xi32>
        %add3A_136 = arith.addi %add3A_135, %iota3A : vector<16xi32>
        %gather3A = tpu.vector_load_idx %arg9[%add3A_136, %broadcast_in_dim3A_27] : memref<2048x8xi32, #tpu.memory_space<vmem>>[vector<16xi32>, vector<16xi32>], vector<16xi32>,
        %sub3A_137 = arith.constant 1 : i32
        %sub3A_138 = vector.broadcast %sub3A_137 : i32 to vector<16xi32>
        %sub3A_139 = arith.subi %gather3A, %sub3A_138 : vector<16xi32>
        %mul3A_140 = arith.constant 16 : i32
        %mul3A_141 = arith.muli %scan3A_132, %mul3A_140 : i32
        %add3A_142 = arith.constant 4096 : i32
        %add3A_143 = arith.addi %add3A_142, %mul3A_141 : i32
        %swap3A = arith.index_cast %add3A_143 : i32 to index
        %swap3A_144 = tpu.vector_load %arg10[%swap3A] {strides = array<i32>} : memref<12288xi32, #tpu.memory_space<vmem>>, vector<16xi32>,
        tpu.vector_store %arg10[%swap3A], %sub3A_139 {strides = array<i32>} : memref<12288xi32, #tpu.memory_space<vmem>>, vector<16xi32>,
        %scan3A_145 = arith.constant 1 : i32
        %scan3A_146 = arith.addi %scan3A_132, %scan3A_145 : i32
        %mul3A_147 = arith.constant 16 : i32
        %mul3A_148 = arith.muli %scan3A_146, %mul3A_147 : i32
        %add3A_149 = vector.broadcast %mul3A_148 : i32 to vector<16xi32>
        %add3A_150 = arith.addi %add3A_149, %iota3A : vector<16xi32>
        %gather3A_151 = tpu.vector_load_idx %arg9[%add3A_150, %broadcast_in_dim3A_27] : memref<2048x8xi32, #tpu.memory_space<vmem>>[vector<16xi32>, vector<16xi32>], vector<16xi32>,
        %sub3A_152 = arith.constant 1 : i32
        %sub3A_153 = vector.broadcast %sub3A_152 : i32 to vector<16xi32>
        %sub3A_154 = arith.subi %gather3A_151, %sub3A_153 : vector<16xi32>
        %mul3A_155 = arith.constant 16 : i32
        %mul3A_156 = arith.muli %scan3A_146, %mul3A_155 : i32
        %add3A_157 = arith.constant 4096 : i32
        %add3A_158 = arith.addi %add3A_157, %mul3A_156 : i32
        %swap3A_159 = arith.index_cast %add3A_158 : i32 to index
        %swap3A_160 = tpu.vector_load %arg10[%swap3A_159] {strides = array<i32>} : memref<12288xi32, #tpu.memory_space<vmem>>, vector<16xi32>,
        tpu.vector_store %arg10[%swap3A_159], %sub3A_154 {strides = array<i32>} : memref<12288xi32, #tpu.memory_space<vmem>>, vector<16xi32>,
        %scan3A_161 = arith.constant 2 : i32
        %scan3A_162 = arith.addi %scan3A_132, %scan3A_161 : i32
        %mul3A_163 = arith.constant 16 : i32
        %mul3A_164 = arith.muli %scan3A_162, %mul3A_163 : i32
        %add3A_165 = vector.broadcast %mul3A_164 : i32 to vector<16xi32>
        %add3A_166 = arith.addi %add3A_165, %iota3A : vector<16xi32>
        %gather3A_167 = tpu.vector_load_idx %arg9[%add3A_166, %broadcast_in_dim3A_27] : memref<2048x8xi32, #tpu.memory_space<vmem>>[vector<16xi32>, vector<16xi32>], vector<16xi32>,
        %sub3A_168 = arith.constant 1 : i32
        %sub3A_169 = vector.broadcast %sub3A_168 : i32 to vector<16xi32>
        %sub3A_170 = arith.subi %gather3A_167, %sub3A_169 : vector<16xi32>
        %mul3A_171 = arith.constant 16 : i32
        %mul3A_172 = arith.muli %scan3A_162, %mul3A_171 : i32
        %add3A_173 = arith.constant 4096 : i32
        %add3A_174 = arith.addi %add3A_173, %mul3A_172 : i32
        %swap3A_175 = arith.index_cast %add3A_174 : i32 to index
        %swap3A_176 = tpu.vector_load %arg10[%swap3A_175] {strides = array<i32>} : memref<12288xi32, #tpu.memory_space<vmem>>, vector<16xi32>,
        tpu.vector_store %arg10[%swap3A_175], %sub3A_170 {strides = array<i32>} : memref<12288xi32, #tpu.memory_space<vmem>>, vector<16xi32>,
        %scan3A_177 = arith.constant 3 : i32
        %scan3A_178 = arith.addi %scan3A_132, %scan3A_177 : i32
        %mul3A_179 = arith.constant 16 : i32
        %mul3A_180 = arith.muli %scan3A_178, %mul3A_179 : i32
        %add3A_181 = vector.broadcast %mul3A_180 : i32 to vector<16xi32>
        %add3A_182 = arith.addi %add3A_181, %iota3A : vector<16xi32>
        %gather3A_183 = tpu.vector_load_idx %arg9[%add3A_182, %broadcast_in_dim3A_27] : memref<2048x8xi32, #tpu.memory_space<vmem>>[vector<16xi32>, vector<16xi32>], vector<16xi32>,
        %sub3A_184 = arith.constant 1 : i32
        %sub3A_185 = vector.broadcast %sub3A_184 : i32 to vector<16xi32>
        %sub3A_186 = arith.subi %gather3A_183, %sub3A_185 : vector<16xi32>
        %mul3A_187 = arith.constant 16 : i32
        %mul3A_188 = arith.muli %scan3A_178, %mul3A_187 : i32
        %add3A_189 = arith.constant 4096 : i32
        %add3A_190 = arith.addi %add3A_189, %mul3A_188 : i32
        %swap3A_191 = arith.index_cast %add3A_190 : i32 to index
        %swap3A_192 = tpu.vector_load %arg10[%swap3A_191] {strides = array<i32>} : memref<12288xi32, #tpu.memory_space<vmem>>, vector<16xi32>,
        tpu.vector_store %arg10[%swap3A_191], %sub3A_186 {strides = array<i32>} : memref<12288xi32, #tpu.memory_space<vmem>>, vector<16xi32>,
        %scan3A_193 = arith.constant 4 : i32
        %scan3A_194 = arith.addi %scan3A_132, %scan3A_193 : i32
        %mul3A_195 = arith.constant 16 : i32
        %mul3A_196 = arith.muli %scan3A_194, %mul3A_195 : i32
        %add3A_197 = vector.broadcast %mul3A_196 : i32 to vector<16xi32>
        %add3A_198 = arith.addi %add3A_197, %iota3A : vector<16xi32>
        %gather3A_199 = tpu.vector_load_idx %arg9[%add3A_198, %broadcast_in_dim3A_27] : memref<2048x8xi32, #tpu.memory_space<vmem>>[vector<16xi32>, vector<16xi32>], vector<16xi32>,
        %sub3A_200 = arith.constant 1 : i32
        %sub3A_201 = vector.broadcast %sub3A_200 : i32 to vector<16xi32>
        %sub3A_202 = arith.subi %gather3A_199, %sub3A_201 : vector<16xi32>
        %mul3A_203 = arith.constant 16 : i32
        %mul3A_204 = arith.muli %scan3A_194, %mul3A_203 : i32
        %add3A_205 = arith.constant 4096 : i32
        %add3A_206 = arith.addi %add3A_205, %mul3A_204 : i32
        %swap3A_207 = arith.index_cast %add3A_206 : i32 to index
        %swap3A_208 = tpu.vector_load %arg10[%swap3A_207] {strides = array<i32>} : memref<12288xi32, #tpu.memory_space<vmem>>, vector<16xi32>,
        tpu.vector_store %arg10[%swap3A_207], %sub3A_202 {strides = array<i32>} : memref<12288xi32, #tpu.memory_space<vmem>>, vector<16xi32>,
        %scan3A_209 = arith.constant 5 : i32
        %scan3A_210 = arith.addi %scan3A_132, %scan3A_209 : i32
        %mul3A_211 = arith.constant 16 : i32
        %mul3A_212 = arith.muli %scan3A_210, %mul3A_211 : i32
        %add3A_213 = vector.broadcast %mul3A_212 : i32 to vector<16xi32>
        %add3A_214 = arith.addi %add3A_213, %iota3A : vector<16xi32>
        %gather3A_215 = tpu.vector_load_idx %arg9[%add3A_214, %broadcast_in_dim3A_27] : memref<2048x8xi32, #tpu.memory_space<vmem>>[vector<16xi32>, vector<16xi32>], vector<16xi32>,
        %sub3A_216 = arith.constant 1 : i32
        %sub3A_217 = vector.broadcast %sub3A_216 : i32 to vector<16xi32>
        %sub3A_218 = arith.subi %gather3A_215, %sub3A_217 : vector<16xi32>
        %mul3A_219 = arith.constant 16 : i32
        %mul3A_220 = arith.muli %scan3A_210, %mul3A_219 : i32
        %add3A_221 = arith.constant 4096 : i32
        %add3A_222 = arith.addi %add3A_221, %mul3A_220 : i32
        %swap3A_223 = arith.index_cast %add3A_222 : i32 to index
        %swap3A_224 = tpu.vector_load %arg10[%swap3A_223] {strides = array<i32>} : memref<12288xi32, #tpu.memory_space<vmem>>, vector<16xi32>,
        tpu.vector_store %arg10[%swap3A_223], %sub3A_218 {strides = array<i32>} : memref<12288xi32, #tpu.memory_space<vmem>>, vector<16xi32>,
        %scan3A_225 = arith.constant 6 : i32
        %scan3A_226 = arith.addi %scan3A_132, %scan3A_225 : i32
        %mul3A_227 = arith.constant 16 : i32
        %mul3A_228 = arith.muli %scan3A_226, %mul3A_227 : i32
        %add3A_229 = vector.broadcast %mul3A_228 : i32 to vector<16xi32>
        %add3A_230 = arith.addi %add3A_229, %iota3A : vector<16xi32>
        %gather3A_231 = tpu.vector_load_idx %arg9[%add3A_230, %broadcast_in_dim3A_27] : memref<2048x8xi32, #tpu.memory_space<vmem>>[vector<16xi32>, vector<16xi32>], vector<16xi32>,
        %sub3A_232 = arith.constant 1 : i32
        %sub3A_233 = vector.broadcast %sub3A_232 : i32 to vector<16xi32>
        %sub3A_234 = arith.subi %gather3A_231, %sub3A_233 : vector<16xi32>
        %mul3A_235 = arith.constant 16 : i32
        %mul3A_236 = arith.muli %scan3A_226, %mul3A_235 : i32
        %add3A_237 = arith.constant 4096 : i32
        %add3A_238 = arith.addi %add3A_237, %mul3A_236 : i32
        %swap3A_239 = arith.index_cast %add3A_238 : i32 to index
        %swap3A_240 = tpu.vector_load %arg10[%swap3A_239] {strides = array<i32>} : memref<12288xi32, #tpu.memory_space<vmem>>, vector<16xi32>,
        tpu.vector_store %arg10[%swap3A_239], %sub3A_234 {strides = array<i32>} : memref<12288xi32, #tpu.memory_space<vmem>>, vector<16xi32>,
        %scan3A_241 = arith.constant 7 : i32
        %scan3A_242 = arith.addi %scan3A_132, %scan3A_241 : i32
        %mul3A_243 = arith.constant 16 : i32
        %mul3A_244 = arith.muli %scan3A_242, %mul3A_243 : i32
        %add3A_245 = vector.broadcast %mul3A_244 : i32 to vector<16xi32>
        %add3A_246 = arith.addi %add3A_245, %iota3A : vector<16xi32>
        %gather3A_247 = tpu.vector_load_idx %arg9[%add3A_246, %broadcast_in_dim3A_27] : memref<2048x8xi32, #tpu.memory_space<vmem>>[vector<16xi32>, vector<16xi32>], vector<16xi32>,
        %sub3A_248 = arith.constant 1 : i32
        %sub3A_249 = vector.broadcast %sub3A_248 : i32 to vector<16xi32>
        %sub3A_250 = arith.subi %gather3A_247, %sub3A_249 : vector<16xi32>
        %mul3A_251 = arith.constant 16 : i32
        %mul3A_252 = arith.muli %scan3A_242, %mul3A_251 : i32
        %add3A_253 = arith.constant 4096 : i32
        %add3A_254 = arith.addi %add3A_253, %mul3A_252 : i32
        %swap3A_255 = arith.index_cast %add3A_254 : i32 to index
        %swap3A_256 = tpu.vector_load %arg10[%swap3A_255] {strides = array<i32>} : memref<12288xi32, #tpu.memory_space<vmem>>, vector<16xi32>,
        tpu.vector_store %arg10[%swap3A_255], %sub3A_250 {strides = array<i32>} : memref<12288xi32, #tpu.memory_space<vmem>>, vector<16xi32>,
      }
      %scan3A_100 = arith.constant 128 : i32
      %scan3A_101 = arith.constant 0 : i32
      %scan3A_102 = arith.constant 128 : i32
      %scan3A_103 = arith.addi %scan3A_101, %scan3A_102 : i32
      %scan3A_104 = arith.constant 8 : i32
      scf.for %scan3A_132 = %scan3A_101 to %scan3A_103 step %scan3A_104  : i32 {
        %mul3A_133 = arith.constant 16 : i32
        %mul3A_134 = arith.muli %scan3A_132, %mul3A_133 : i32
        %add3A_135 = vector.broadcast %mul3A_134 : i32 to vector<16xi32>
        %add3A_136 = arith.addi %add3A_135, %iota3A : vector<16xi32>
        %gather3A = tpu.vector_load_idx %arg9[%add3A_136, %broadcast_in_dim3A_29] : memref<2048x8xi32, #tpu.memory_space<vmem>>[vector<16xi32>, vector<16xi32>], vector<16xi32>,
        %sub3A_137 = arith.constant 1 : i32
        %sub3A_138 = vector.broadcast %sub3A_137 : i32 to vector<16xi32>
        %sub3A_139 = arith.subi %gather3A, %sub3A_138 : vector<16xi32>
        %mul3A_140 = arith.constant 16 : i32
        %mul3A_141 = arith.muli %scan3A_132, %mul3A_140 : i32
        %add3A_142 = arith.constant 6144 : i32
        %add3A_143 = arith.addi %add3A_142, %mul3A_141 : i32
        %swap3A = arith.index_cast %add3A_143 : i32 to index
        %swap3A_144 = tpu.vector_load %arg10[%swap3A] {strides = array<i32>} : memref<12288xi32, #tpu.memory_space<vmem>>, vector<16xi32>,
        tpu.vector_store %arg10[%swap3A], %sub3A_139 {strides = array<i32>} : memref<12288xi32, #tpu.memory_space<vmem>>, vector<16xi32>,
        %scan3A_145 = arith.constant 1 : i32
        %scan3A_146 = arith.addi %scan3A_132, %scan3A_145 : i32
        %mul3A_147 = arith.constant 16 : i32
        %mul3A_148 = arith.muli %scan3A_146, %mul3A_147 : i32
        %add3A_149 = vector.broadcast %mul3A_148 : i32 to vector<16xi32>
        %add3A_150 = arith.addi %add3A_149, %iota3A : vector<16xi32>
        %gather3A_151 = tpu.vector_load_idx %arg9[%add3A_150, %broadcast_in_dim3A_29] : memref<2048x8xi32, #tpu.memory_space<vmem>>[vector<16xi32>, vector<16xi32>], vector<16xi32>,
        %sub3A_152 = arith.constant 1 : i32
        %sub3A_153 = vector.broadcast %sub3A_152 : i32 to vector<16xi32>
        %sub3A_154 = arith.subi %gather3A_151, %sub3A_153 : vector<16xi32>
        %mul3A_155 = arith.constant 16 : i32
        %mul3A_156 = arith.muli %scan3A_146, %mul3A_155 : i32
        %add3A_157 = arith.constant 6144 : i32
        %add3A_158 = arith.addi %add3A_157, %mul3A_156 : i32
        %swap3A_159 = arith.index_cast %add3A_158 : i32 to index
        %swap3A_160 = tpu.vector_load %arg10[%swap3A_159] {strides = array<i32>} : memref<12288xi32, #tpu.memory_space<vmem>>, vector<16xi32>,
        tpu.vector_store %arg10[%swap3A_159], %sub3A_154 {strides = array<i32>} : memref<12288xi32, #tpu.memory_space<vmem>>, vector<16xi32>,
        %scan3A_161 = arith.constant 2 : i32
        %scan3A_162 = arith.addi %scan3A_132, %scan3A_161 : i32
        %mul3A_163 = arith.constant 16 : i32
        %mul3A_164 = arith.muli %scan3A_162, %mul3A_163 : i32
        %add3A_165 = vector.broadcast %mul3A_164 : i32 to vector<16xi32>
        %add3A_166 = arith.addi %add3A_165, %iota3A : vector<16xi32>
        %gather3A_167 = tpu.vector_load_idx %arg9[%add3A_166, %broadcast_in_dim3A_29] : memref<2048x8xi32, #tpu.memory_space<vmem>>[vector<16xi32>, vector<16xi32>], vector<16xi32>,
        %sub3A_168 = arith.constant 1 : i32
        %sub3A_169 = vector.broadcast %sub3A_168 : i32 to vector<16xi32>
        %sub3A_170 = arith.subi %gather3A_167, %sub3A_169 : vector<16xi32>
        %mul3A_171 = arith.constant 16 : i32
        %mul3A_172 = arith.muli %scan3A_162, %mul3A_171 : i32
        %add3A_173 = arith.constant 6144 : i32
        %add3A_174 = arith.addi %add3A_173, %mul3A_172 : i32
        %swap3A_175 = arith.index_cast %add3A_174 : i32 to index
        %swap3A_176 = tpu.vector_load %arg10[%swap3A_175] {strides = array<i32>} : memref<12288xi32, #tpu.memory_space<vmem>>, vector<16xi32>,
        tpu.vector_store %arg10[%swap3A_175], %sub3A_170 {strides = array<i32>} : memref<12288xi32, #tpu.memory_space<vmem>>, vector<16xi32>,
        %scan3A_177 = arith.constant 3 : i32
        %scan3A_178 = arith.addi %scan3A_132, %scan3A_177 : i32
        %mul3A_179 = arith.constant 16 : i32
        %mul3A_180 = arith.muli %scan3A_178, %mul3A_179 : i32
        %add3A_181 = vector.broadcast %mul3A_180 : i32 to vector<16xi32>
        %add3A_182 = arith.addi %add3A_181, %iota3A : vector<16xi32>
        %gather3A_183 = tpu.vector_load_idx %arg9[%add3A_182, %broadcast_in_dim3A_29] : memref<2048x8xi32, #tpu.memory_space<vmem>>[vector<16xi32>, vector<16xi32>], vector<16xi32>,
        %sub3A_184 = arith.constant 1 : i32
        %sub3A_185 = vector.broadcast %sub3A_184 : i32 to vector<16xi32>
        %sub3A_186 = arith.subi %gather3A_183, %sub3A_185 : vector<16xi32>
        %mul3A_187 = arith.constant 16 : i32
        %mul3A_188 = arith.muli %scan3A_178, %mul3A_187 : i32
        %add3A_189 = arith.constant 6144 : i32
        %add3A_190 = arith.addi %add3A_189, %mul3A_188 : i32
        %swap3A_191 = arith.index_cast %add3A_190 : i32 to index
        %swap3A_192 = tpu.vector_load %arg10[%swap3A_191] {strides = array<i32>} : memref<12288xi32, #tpu.memory_space<vmem>>, vector<16xi32>,
        tpu.vector_store %arg10[%swap3A_191], %sub3A_186 {strides = array<i32>} : memref<12288xi32, #tpu.memory_space<vmem>>, vector<16xi32>,
        %scan3A_193 = arith.constant 4 : i32
        %scan3A_194 = arith.addi %scan3A_132, %scan3A_193 : i32
        %mul3A_195 = arith.constant 16 : i32
        %mul3A_196 = arith.muli %scan3A_194, %mul3A_195 : i32
        %add3A_197 = vector.broadcast %mul3A_196 : i32 to vector<16xi32>
        %add3A_198 = arith.addi %add3A_197, %iota3A : vector<16xi32>
        %gather3A_199 = tpu.vector_load_idx %arg9[%add3A_198, %broadcast_in_dim3A_29] : memref<2048x8xi32, #tpu.memory_space<vmem>>[vector<16xi32>, vector<16xi32>], vector<16xi32>,
        %sub3A_200 = arith.constant 1 : i32
        %sub3A_201 = vector.broadcast %sub3A_200 : i32 to vector<16xi32>
        %sub3A_202 = arith.subi %gather3A_199, %sub3A_201 : vector<16xi32>
        %mul3A_203 = arith.constant 16 : i32
        %mul3A_204 = arith.muli %scan3A_194, %mul3A_203 : i32
        %add3A_205 = arith.constant 6144 : i32
        %add3A_206 = arith.addi %add3A_205, %mul3A_204 : i32
        %swap3A_207 = arith.index_cast %add3A_206 : i32 to index
        %swap3A_208 = tpu.vector_load %arg10[%swap3A_207] {strides = array<i32>} : memref<12288xi32, #tpu.memory_space<vmem>>, vector<16xi32>,
        tpu.vector_store %arg10[%swap3A_207], %sub3A_202 {strides = array<i32>} : memref<12288xi32, #tpu.memory_space<vmem>>, vector<16xi32>,
        %scan3A_209 = arith.constant 5 : i32
        %scan3A_210 = arith.addi %scan3A_132, %scan3A_209 : i32
        %mul3A_211 = arith.constant 16 : i32
        %mul3A_212 = arith.muli %scan3A_210, %mul3A_211 : i32
        %add3A_213 = vector.broadcast %mul3A_212 : i32 to vector<16xi32>
        %add3A_214 = arith.addi %add3A_213, %iota3A : vector<16xi32>
        %gather3A_215 = tpu.vector_load_idx %arg9[%add3A_214, %broadcast_in_dim3A_29] : memref<2048x8xi32, #tpu.memory_space<vmem>>[vector<16xi32>, vector<16xi32>], vector<16xi32>,
        %sub3A_216 = arith.constant 1 : i32
        %sub3A_217 = vector.broadcast %sub3A_216 : i32 to vector<16xi32>
        %sub3A_218 = arith.subi %gather3A_215, %sub3A_217 : vector<16xi32>
        %mul3A_219 = arith.constant 16 : i32
        %mul3A_220 = arith.muli %scan3A_210, %mul3A_219 : i32
        %add3A_221 = arith.constant 6144 : i32
        %add3A_222 = arith.addi %add3A_221, %mul3A_220 : i32
        %swap3A_223 = arith.index_cast %add3A_222 : i32 to index
        %swap3A_224 = tpu.vector_load %arg10[%swap3A_223] {strides = array<i32>} : memref<12288xi32, #tpu.memory_space<vmem>>, vector<16xi32>,
        tpu.vector_store %arg10[%swap3A_223], %sub3A_218 {strides = array<i32>} : memref<12288xi32, #tpu.memory_space<vmem>>, vector<16xi32>,
        %scan3A_225 = arith.constant 6 : i32
        %scan3A_226 = arith.addi %scan3A_132, %scan3A_225 : i32
        %mul3A_227 = arith.constant 16 : i32
        %mul3A_228 = arith.muli %scan3A_226, %mul3A_227 : i32
        %add3A_229 = vector.broadcast %mul3A_228 : i32 to vector<16xi32>
        %add3A_230 = arith.addi %add3A_229, %iota3A : vector<16xi32>
        %gather3A_231 = tpu.vector_load_idx %arg9[%add3A_230, %broadcast_in_dim3A_29] : memref<2048x8xi32, #tpu.memory_space<vmem>>[vector<16xi32>, vector<16xi32>], vector<16xi32>,
        %sub3A_232 = arith.constant 1 : i32
        %sub3A_233 = vector.broadcast %sub3A_232 : i32 to vector<16xi32>
        %sub3A_234 = arith.subi %gather3A_231, %sub3A_233 : vector<16xi32>
        %mul3A_235 = arith.constant 16 : i32
        %mul3A_236 = arith.muli %scan3A_226, %mul3A_235 : i32
        %add3A_237 = arith.constant 6144 : i32
        %add3A_238 = arith.addi %add3A_237, %mul3A_236 : i32
        %swap3A_239 = arith.index_cast %add3A_238 : i32 to index
        %swap3A_240 = tpu.vector_load %arg10[%swap3A_239] {strides = array<i32>} : memref<12288xi32, #tpu.memory_space<vmem>>, vector<16xi32>,
        tpu.vector_store %arg10[%swap3A_239], %sub3A_234 {strides = array<i32>} : memref<12288xi32, #tpu.memory_space<vmem>>, vector<16xi32>,
        %scan3A_241 = arith.constant 7 : i32
        %scan3A_242 = arith.addi %scan3A_132, %scan3A_241 : i32
        %mul3A_243 = arith.constant 16 : i32
        %mul3A_244 = arith.muli %scan3A_242, %mul3A_243 : i32
        %add3A_245 = vector.broadcast %mul3A_244 : i32 to vector<16xi32>
        %add3A_246 = arith.addi %add3A_245, %iota3A : vector<16xi32>
        %gather3A_247 = tpu.vector_load_idx %arg9[%add3A_246, %broadcast_in_dim3A_29] : memref<2048x8xi32, #tpu.memory_space<vmem>>[vector<16xi32>, vector<16xi32>], vector<16xi32>,
        %sub3A_248 = arith.constant 1 : i32
        %sub3A_249 = vector.broadcast %sub3A_248 : i32 to vector<16xi32>
        %sub3A_250 = arith.subi %gather3A_247, %sub3A_249 : vector<16xi32>
        %mul3A_251 = arith.constant 16 : i32
        %mul3A_252 = arith.muli %scan3A_242, %mul3A_251 : i32
        %add3A_253 = arith.constant 6144 : i32
        %add3A_254 = arith.addi %add3A_253, %mul3A_252 : i32
        %swap3A_255 = arith.index_cast %add3A_254 : i32 to index
        %swap3A_256 = tpu.vector_load %arg10[%swap3A_255] {strides = array<i32>} : memref<12288xi32, #tpu.memory_space<vmem>>, vector<16xi32>,
        tpu.vector_store %arg10[%swap3A_255], %sub3A_250 {strides = array<i32>} : memref<12288xi32, #tpu.memory_space<vmem>>, vector<16xi32>,
      }
      %scan3A_105 = arith.constant 128 : i32
      %scan3A_106 = arith.constant 0 : i32
      %scan3A_107 = arith.constant 128 : i32
      %scan3A_108 = arith.addi %scan3A_106, %scan3A_107 : i32
      %scan3A_109 = arith.constant 8 : i32
      scf.for %scan3A_132 = %scan3A_106 to %scan3A_108 step %scan3A_109  : i32 {
        %mul3A_133 = arith.constant 16 : i32
        %mul3A_134 = arith.muli %scan3A_132, %mul3A_133 : i32
        %add3A_135 = vector.broadcast %mul3A_134 : i32 to vector<16xi32>
        %add3A_136 = arith.addi %add3A_135, %iota3A : vector<16xi32>
        %gather3A = tpu.vector_load_idx %arg9[%add3A_136, %broadcast_in_dim3A_31] : memref<2048x8xi32, #tpu.memory_space<vmem>>[vector<16xi32>, vector<16xi32>], vector<16xi32>,
        %sub3A_137 = arith.constant 1 : i32
        %sub3A_138 = vector.broadcast %sub3A_137 : i32 to vector<16xi32>
        %sub3A_139 = arith.subi %gather3A, %sub3A_138 : vector<16xi32>
        %mul3A_140 = arith.constant 16 : i32
        %mul3A_141 = arith.muli %scan3A_132, %mul3A_140 : i32
        %add3A_142 = arith.constant 8192 : i32
        %add3A_143 = arith.addi %add3A_142, %mul3A_141 : i32
        %swap3A = arith.index_cast %add3A_143 : i32 to index
        %swap3A_144 = tpu.vector_load %arg10[%swap3A] {strides = array<i32>} : memref<12288xi32, #tpu.memory_space<vmem>>, vector<16xi32>,
        tpu.vector_store %arg10[%swap3A], %sub3A_139 {strides = array<i32>} : memref<12288xi32, #tpu.memory_space<vmem>>, vector<16xi32>,
        %scan3A_145 = arith.constant 1 : i32
        %scan3A_146 = arith.addi %scan3A_132, %scan3A_145 : i32
        %mul3A_147 = arith.constant 16 : i32
        %mul3A_148 = arith.muli %scan3A_146, %mul3A_147 : i32
        %add3A_149 = vector.broadcast %mul3A_148 : i32 to vector<16xi32>
        %add3A_150 = arith.addi %add3A_149, %iota3A : vector<16xi32>
        %gather3A_151 = tpu.vector_load_idx %arg9[%add3A_150, %broadcast_in_dim3A_31] : memref<2048x8xi32, #tpu.memory_space<vmem>>[vector<16xi32>, vector<16xi32>], vector<16xi32>,
        %sub3A_152 = arith.constant 1 : i32
        %sub3A_153 = vector.broadcast %sub3A_152 : i32 to vector<16xi32>
        %sub3A_154 = arith.subi %gather3A_151, %sub3A_153 : vector<16xi32>
        %mul3A_155 = arith.constant 16 : i32
        %mul3A_156 = arith.muli %scan3A_146, %mul3A_155 : i32
        %add3A_157 = arith.constant 8192 : i32
        %add3A_158 = arith.addi %add3A_157, %mul3A_156 : i32
        %swap3A_159 = arith.index_cast %add3A_158 : i32 to index
        %swap3A_160 = tpu.vector_load %arg10[%swap3A_159] {strides = array<i32>} : memref<12288xi32, #tpu.memory_space<vmem>>, vector<16xi32>,
        tpu.vector_store %arg10[%swap3A_159], %sub3A_154 {strides = array<i32>} : memref<12288xi32, #tpu.memory_space<vmem>>, vector<16xi32>,
        %scan3A_161 = arith.constant 2 : i32
        %scan3A_162 = arith.addi %scan3A_132, %scan3A_161 : i32
        %mul3A_163 = arith.constant 16 : i32
        %mul3A_164 = arith.muli %scan3A_162, %mul3A_163 : i32
        %add3A_165 = vector.broadcast %mul3A_164 : i32 to vector<16xi32>
        %add3A_166 = arith.addi %add3A_165, %iota3A : vector<16xi32>
        %gather3A_167 = tpu.vector_load_idx %arg9[%add3A_166, %broadcast_in_dim3A_31] : memref<2048x8xi32, #tpu.memory_space<vmem>>[vector<16xi32>, vector<16xi32>], vector<16xi32>,
        %sub3A_168 = arith.constant 1 : i32
        %sub3A_169 = vector.broadcast %sub3A_168 : i32 to vector<16xi32>
        %sub3A_170 = arith.subi %gather3A_167, %sub3A_169 : vector<16xi32>
        %mul3A_171 = arith.constant 16 : i32
        %mul3A_172 = arith.muli %scan3A_162, %mul3A_171 : i32
        %add3A_173 = arith.constant 8192 : i32
        %add3A_174 = arith.addi %add3A_173, %mul3A_172 : i32
        %swap3A_175 = arith.index_cast %add3A_174 : i32 to index
        %swap3A_176 = tpu.vector_load %arg10[%swap3A_175] {strides = array<i32>} : memref<12288xi32, #tpu.memory_space<vmem>>, vector<16xi32>,
        tpu.vector_store %arg10[%swap3A_175], %sub3A_170 {strides = array<i32>} : memref<12288xi32, #tpu.memory_space<vmem>>, vector<16xi32>,
        %scan3A_177 = arith.constant 3 : i32
        %scan3A_178 = arith.addi %scan3A_132, %scan3A_177 : i32
        %mul3A_179 = arith.constant 16 : i32
        %mul3A_180 = arith.muli %scan3A_178, %mul3A_179 : i32
        %add3A_181 = vector.broadcast %mul3A_180 : i32 to vector<16xi32>
        %add3A_182 = arith.addi %add3A_181, %iota3A : vector<16xi32>
        %gather3A_183 = tpu.vector_load_idx %arg9[%add3A_182, %broadcast_in_dim3A_31] : memref<2048x8xi32, #tpu.memory_space<vmem>>[vector<16xi32>, vector<16xi32>], vector<16xi32>,
        %sub3A_184 = arith.constant 1 : i32
        %sub3A_185 = vector.broadcast %sub3A_184 : i32 to vector<16xi32>
        %sub3A_186 = arith.subi %gather3A_183, %sub3A_185 : vector<16xi32>
        %mul3A_187 = arith.constant 16 : i32
        %mul3A_188 = arith.muli %scan3A_178, %mul3A_187 : i32
        %add3A_189 = arith.constant 8192 : i32
        %add3A_190 = arith.addi %add3A_189, %mul3A_188 : i32
        %swap3A_191 = arith.index_cast %add3A_190 : i32 to index
        %swap3A_192 = tpu.vector_load %arg10[%swap3A_191] {strides = array<i32>} : memref<12288xi32, #tpu.memory_space<vmem>>, vector<16xi32>,
        tpu.vector_store %arg10[%swap3A_191], %sub3A_186 {strides = array<i32>} : memref<12288xi32, #tpu.memory_space<vmem>>, vector<16xi32>,
        %scan3A_193 = arith.constant 4 : i32
        %scan3A_194 = arith.addi %scan3A_132, %scan3A_193 : i32
        %mul3A_195 = arith.constant 16 : i32
        %mul3A_196 = arith.muli %scan3A_194, %mul3A_195 : i32
        %add3A_197 = vector.broadcast %mul3A_196 : i32 to vector<16xi32>
        %add3A_198 = arith.addi %add3A_197, %iota3A : vector<16xi32>
        %gather3A_199 = tpu.vector_load_idx %arg9[%add3A_198, %broadcast_in_dim3A_31] : memref<2048x8xi32, #tpu.memory_space<vmem>>[vector<16xi32>, vector<16xi32>], vector<16xi32>,
        %sub3A_200 = arith.constant 1 : i32
        %sub3A_201 = vector.broadcast %sub3A_200 : i32 to vector<16xi32>
        %sub3A_202 = arith.subi %gather3A_199, %sub3A_201 : vector<16xi32>
        %mul3A_203 = arith.constant 16 : i32
        %mul3A_204 = arith.muli %scan3A_194, %mul3A_203 : i32
        %add3A_205 = arith.constant 8192 : i32
        %add3A_206 = arith.addi %add3A_205, %mul3A_204 : i32
        %swap3A_207 = arith.index_cast %add3A_206 : i32 to index
        %swap3A_208 = tpu.vector_load %arg10[%swap3A_207] {strides = array<i32>} : memref<12288xi32, #tpu.memory_space<vmem>>, vector<16xi32>,
        tpu.vector_store %arg10[%swap3A_207], %sub3A_202 {strides = array<i32>} : memref<12288xi32, #tpu.memory_space<vmem>>, vector<16xi32>,
        %scan3A_209 = arith.constant 5 : i32
        %scan3A_210 = arith.addi %scan3A_132, %scan3A_209 : i32
        %mul3A_211 = arith.constant 16 : i32
        %mul3A_212 = arith.muli %scan3A_210, %mul3A_211 : i32
        %add3A_213 = vector.broadcast %mul3A_212 : i32 to vector<16xi32>
        %add3A_214 = arith.addi %add3A_213, %iota3A : vector<16xi32>
        %gather3A_215 = tpu.vector_load_idx %arg9[%add3A_214, %broadcast_in_dim3A_31] : memref<2048x8xi32, #tpu.memory_space<vmem>>[vector<16xi32>, vector<16xi32>], vector<16xi32>,
        %sub3A_216 = arith.constant 1 : i32
        %sub3A_217 = vector.broadcast %sub3A_216 : i32 to vector<16xi32>
        %sub3A_218 = arith.subi %gather3A_215, %sub3A_217 : vector<16xi32>
        %mul3A_219 = arith.constant 16 : i32
        %mul3A_220 = arith.muli %scan3A_210, %mul3A_219 : i32
        %add3A_221 = arith.constant 8192 : i32
        %add3A_222 = arith.addi %add3A_221, %mul3A_220 : i32
        %swap3A_223 = arith.index_cast %add3A_222 : i32 to index
        %swap3A_224 = tpu.vector_load %arg10[%swap3A_223] {strides = array<i32>} : memref<12288xi32, #tpu.memory_space<vmem>>, vector<16xi32>,
        tpu.vector_store %arg10[%swap3A_223], %sub3A_218 {strides = array<i32>} : memref<12288xi32, #tpu.memory_space<vmem>>, vector<16xi32>,
        %scan3A_225 = arith.constant 6 : i32
        %scan3A_226 = arith.addi %scan3A_132, %scan3A_225 : i32
        %mul3A_227 = arith.constant 16 : i32
        %mul3A_228 = arith.muli %scan3A_226, %mul3A_227 : i32
        %add3A_229 = vector.broadcast %mul3A_228 : i32 to vector<16xi32>
        %add3A_230 = arith.addi %add3A_229, %iota3A : vector<16xi32>
        %gather3A_231 = tpu.vector_load_idx %arg9[%add3A_230, %broadcast_in_dim3A_31] : memref<2048x8xi32, #tpu.memory_space<vmem>>[vector<16xi32>, vector<16xi32>], vector<16xi32>,
        %sub3A_232 = arith.constant 1 : i32
        %sub3A_233 = vector.broadcast %sub3A_232 : i32 to vector<16xi32>
        %sub3A_234 = arith.subi %gather3A_231, %sub3A_233 : vector<16xi32>
        %mul3A_235 = arith.constant 16 : i32
        %mul3A_236 = arith.muli %scan3A_226, %mul3A_235 : i32
        %add3A_237 = arith.constant 8192 : i32
        %add3A_238 = arith.addi %add3A_237, %mul3A_236 : i32
        %swap3A_239 = arith.index_cast %add3A_238 : i32 to index
        %swap3A_240 = tpu.vector_load %arg10[%swap3A_239] {strides = array<i32>} : memref<12288xi32, #tpu.memory_space<vmem>>, vector<16xi32>,
        tpu.vector_store %arg10[%swap3A_239], %sub3A_234 {strides = array<i32>} : memref<12288xi32, #tpu.memory_space<vmem>>, vector<16xi32>,
        %scan3A_241 = arith.constant 7 : i32
        %scan3A_242 = arith.addi %scan3A_132, %scan3A_241 : i32
        %mul3A_243 = arith.constant 16 : i32
        %mul3A_244 = arith.muli %scan3A_242, %mul3A_243 : i32
        %add3A_245 = vector.broadcast %mul3A_244 : i32 to vector<16xi32>
        %add3A_246 = arith.addi %add3A_245, %iota3A : vector<16xi32>
        %gather3A_247 = tpu.vector_load_idx %arg9[%add3A_246, %broadcast_in_dim3A_31] : memref<2048x8xi32, #tpu.memory_space<vmem>>[vector<16xi32>, vector<16xi32>], vector<16xi32>,
        %sub3A_248 = arith.constant 1 : i32
        %sub3A_249 = vector.broadcast %sub3A_248 : i32 to vector<16xi32>
        %sub3A_250 = arith.subi %gather3A_247, %sub3A_249 : vector<16xi32>
        %mul3A_251 = arith.constant 16 : i32
        %mul3A_252 = arith.muli %scan3A_242, %mul3A_251 : i32
        %add3A_253 = arith.constant 8192 : i32
        %add3A_254 = arith.addi %add3A_253, %mul3A_252 : i32
        %swap3A_255 = arith.index_cast %add3A_254 : i32 to index
        %swap3A_256 = tpu.vector_load %arg10[%swap3A_255] {strides = array<i32>} : memref<12288xi32, #tpu.memory_space<vmem>>, vector<16xi32>,
        tpu.vector_store %arg10[%swap3A_255], %sub3A_250 {strides = array<i32>} : memref<12288xi32, #tpu.memory_space<vmem>>, vector<16xi32>,
      }
      %scan3A_110 = arith.constant 128 : i32
      %scan3A_111 = arith.constant 0 : i32
      %scan3A_112 = arith.constant 128 : i32
      %scan3A_113 = arith.addi %scan3A_111, %scan3A_112 : i32
      %scan3A_114 = arith.constant 8 : i32
      scf.for %scan3A_132 = %scan3A_111 to %scan3A_113 step %scan3A_114  : i32 {
        %mul3A_133 = arith.constant 16 : i32
        %mul3A_134 = arith.muli %scan3A_132, %mul3A_133 : i32
        %add3A_135 = vector.broadcast %mul3A_134 : i32 to vector<16xi32>
        %add3A_136 = arith.addi %add3A_135, %iota3A : vector<16xi32>
        %gather3A = tpu.vector_load_idx %arg9[%add3A_136, %broadcast_in_dim3A_33] : memref<2048x8xi32, #tpu.memory_space<vmem>>[vector<16xi32>, vector<16xi32>], vector<16xi32>,
        %sub3A_137 = arith.constant 1 : i32
        %sub3A_138 = vector.broadcast %sub3A_137 : i32 to vector<16xi32>
        %sub3A_139 = arith.subi %gather3A, %sub3A_138 : vector<16xi32>
        %mul3A_140 = arith.constant 16 : i32
        %mul3A_141 = arith.muli %scan3A_132, %mul3A_140 : i32
        %add3A_142 = arith.constant 10240 : i32
        %add3A_143 = arith.addi %add3A_142, %mul3A_141 : i32
        %swap3A = arith.index_cast %add3A_143 : i32 to index
        %swap3A_144 = tpu.vector_load %arg10[%swap3A] {strides = array<i32>} : memref<12288xi32, #tpu.memory_space<vmem>>, vector<16xi32>,
        tpu.vector_store %arg10[%swap3A], %sub3A_139 {strides = array<i32>} : memref<12288xi32, #tpu.memory_space<vmem>>, vector<16xi32>,
        %scan3A_145 = arith.constant 1 : i32
        %scan3A_146 = arith.addi %scan3A_132, %scan3A_145 : i32
        %mul3A_147 = arith.constant 16 : i32
        %mul3A_148 = arith.muli %scan3A_146, %mul3A_147 : i32
        %add3A_149 = vector.broadcast %mul3A_148 : i32 to vector<16xi32>
        %add3A_150 = arith.addi %add3A_149, %iota3A : vector<16xi32>
        %gather3A_151 = tpu.vector_load_idx %arg9[%add3A_150, %broadcast_in_dim3A_33] : memref<2048x8xi32, #tpu.memory_space<vmem>>[vector<16xi32>, vector<16xi32>], vector<16xi32>,
        %sub3A_152 = arith.constant 1 : i32
        %sub3A_153 = vector.broadcast %sub3A_152 : i32 to vector<16xi32>
        %sub3A_154 = arith.subi %gather3A_151, %sub3A_153 : vector<16xi32>
        %mul3A_155 = arith.constant 16 : i32
        %mul3A_156 = arith.muli %scan3A_146, %mul3A_155 : i32
        %add3A_157 = arith.constant 10240 : i32
        %add3A_158 = arith.addi %add3A_157, %mul3A_156 : i32
        %swap3A_159 = arith.index_cast %add3A_158 : i32 to index
        %swap3A_160 = tpu.vector_load %arg10[%swap3A_159] {strides = array<i32>} : memref<12288xi32, #tpu.memory_space<vmem>>, vector<16xi32>,
        tpu.vector_store %arg10[%swap3A_159], %sub3A_154 {strides = array<i32>} : memref<12288xi32, #tpu.memory_space<vmem>>, vector<16xi32>,
        %scan3A_161 = arith.constant 2 : i32
        %scan3A_162 = arith.addi %scan3A_132, %scan3A_161 : i32
        %mul3A_163 = arith.constant 16 : i32
        %mul3A_164 = arith.muli %scan3A_162, %mul3A_163 : i32
        %add3A_165 = vector.broadcast %mul3A_164 : i32 to vector<16xi32>
        %add3A_166 = arith.addi %add3A_165, %iota3A : vector<16xi32>
        %gather3A_167 = tpu.vector_load_idx %arg9[%add3A_166, %broadcast_in_dim3A_33] : memref<2048x8xi32, #tpu.memory_space<vmem>>[vector<16xi32>, vector<16xi32>], vector<16xi32>,
        %sub3A_168 = arith.constant 1 : i32
        %sub3A_169 = vector.broadcast %sub3A_168 : i32 to vector<16xi32>
        %sub3A_170 = arith.subi %gather3A_167, %sub3A_169 : vector<16xi32>
        %mul3A_171 = arith.constant 16 : i32
        %mul3A_172 = arith.muli %scan3A_162, %mul3A_171 : i32
        %add3A_173 = arith.constant 10240 : i32
        %add3A_174 = arith.addi %add3A_173, %mul3A_172 : i32
        %swap3A_175 = arith.index_cast %add3A_174 : i32 to index
        %swap3A_176 = tpu.vector_load %arg10[%swap3A_175] {strides = array<i32>} : memref<12288xi32, #tpu.memory_space<vmem>>, vector<16xi32>,
        tpu.vector_store %arg10[%swap3A_175], %sub3A_170 {strides = array<i32>} : memref<12288xi32, #tpu.memory_space<vmem>>, vector<16xi32>,
        %scan3A_177 = arith.constant 3 : i32
        %scan3A_178 = arith.addi %scan3A_132, %scan3A_177 : i32
        %mul3A_179 = arith.constant 16 : i32
        %mul3A_180 = arith.muli %scan3A_178, %mul3A_179 : i32
        %add3A_181 = vector.broadcast %mul3A_180 : i32 to vector<16xi32>
        %add3A_182 = arith.addi %add3A_181, %iota3A : vector<16xi32>
        %gather3A_183 = tpu.vector_load_idx %arg9[%add3A_182, %broadcast_in_dim3A_33] : memref<2048x8xi32, #tpu.memory_space<vmem>>[vector<16xi32>, vector<16xi32>], vector<16xi32>,
        %sub3A_184 = arith.constant 1 : i32
        %sub3A_185 = vector.broadcast %sub3A_184 : i32 to vector<16xi32>
        %sub3A_186 = arith.subi %gather3A_183, %sub3A_185 : vector<16xi32>
        %mul3A_187 = arith.constant 16 : i32
        %mul3A_188 = arith.muli %scan3A_178, %mul3A_187 : i32
        %add3A_189 = arith.constant 10240 : i32
        %add3A_190 = arith.addi %add3A_189, %mul3A_188 : i32
        %swap3A_191 = arith.index_cast %add3A_190 : i32 to index
        %swap3A_192 = tpu.vector_load %arg10[%swap3A_191] {strides = array<i32>} : memref<12288xi32, #tpu.memory_space<vmem>>, vector<16xi32>,
        tpu.vector_store %arg10[%swap3A_191], %sub3A_186 {strides = array<i32>} : memref<12288xi32, #tpu.memory_space<vmem>>, vector<16xi32>,
        %scan3A_193 = arith.constant 4 : i32
        %scan3A_194 = arith.addi %scan3A_132, %scan3A_193 : i32
        %mul3A_195 = arith.constant 16 : i32
        %mul3A_196 = arith.muli %scan3A_194, %mul3A_195 : i32
        %add3A_197 = vector.broadcast %mul3A_196 : i32 to vector<16xi32>
        %add3A_198 = arith.addi %add3A_197, %iota3A : vector<16xi32>
        %gather3A_199 = tpu.vector_load_idx %arg9[%add3A_198, %broadcast_in_dim3A_33] : memref<2048x8xi32, #tpu.memory_space<vmem>>[vector<16xi32>, vector<16xi32>], vector<16xi32>,
        %sub3A_200 = arith.constant 1 : i32
        %sub3A_201 = vector.broadcast %sub3A_200 : i32 to vector<16xi32>
        %sub3A_202 = arith.subi %gather3A_199, %sub3A_201 : vector<16xi32>
        %mul3A_203 = arith.constant 16 : i32
        %mul3A_204 = arith.muli %scan3A_194, %mul3A_203 : i32
        %add3A_205 = arith.constant 10240 : i32
        %add3A_206 = arith.addi %add3A_205, %mul3A_204 : i32
        %swap3A_207 = arith.index_cast %add3A_206 : i32 to index
        %swap3A_208 = tpu.vector_load %arg10[%swap3A_207] {strides = array<i32>} : memref<12288xi32, #tpu.memory_space<vmem>>, vector<16xi32>,
        tpu.vector_store %arg10[%swap3A_207], %sub3A_202 {strides = array<i32>} : memref<12288xi32, #tpu.memory_space<vmem>>, vector<16xi32>,
        %scan3A_209 = arith.constant 5 : i32
        %scan3A_210 = arith.addi %scan3A_132, %scan3A_209 : i32
        %mul3A_211 = arith.constant 16 : i32
        %mul3A_212 = arith.muli %scan3A_210, %mul3A_211 : i32
        %add3A_213 = vector.broadcast %mul3A_212 : i32 to vector<16xi32>
        %add3A_214 = arith.addi %add3A_213, %iota3A : vector<16xi32>
        %gather3A_215 = tpu.vector_load_idx %arg9[%add3A_214, %broadcast_in_dim3A_33] : memref<2048x8xi32, #tpu.memory_space<vmem>>[vector<16xi32>, vector<16xi32>], vector<16xi32>,
        %sub3A_216 = arith.constant 1 : i32
        %sub3A_217 = vector.broadcast %sub3A_216 : i32 to vector<16xi32>
        %sub3A_218 = arith.subi %gather3A_215, %sub3A_217 : vector<16xi32>
        %mul3A_219 = arith.constant 16 : i32
        %mul3A_220 = arith.muli %scan3A_210, %mul3A_219 : i32
        %add3A_221 = arith.constant 10240 : i32
        %add3A_222 = arith.addi %add3A_221, %mul3A_220 : i32
        %swap3A_223 = arith.index_cast %add3A_222 : i32 to index
        %swap3A_224 = tpu.vector_load %arg10[%swap3A_223] {strides = array<i32>} : memref<12288xi32, #tpu.memory_space<vmem>>, vector<16xi32>,
        tpu.vector_store %arg10[%swap3A_223], %sub3A_218 {strides = array<i32>} : memref<12288xi32, #tpu.memory_space<vmem>>, vector<16xi32>,
        %scan3A_225 = arith.constant 6 : i32
        %scan3A_226 = arith.addi %scan3A_132, %scan3A_225 : i32
        %mul3A_227 = arith.constant 16 : i32
        %mul3A_228 = arith.muli %scan3A_226, %mul3A_227 : i32
        %add3A_229 = vector.broadcast %mul3A_228 : i32 to vector<16xi32>
        %add3A_230 = arith.addi %add3A_229, %iota3A : vector<16xi32>
        %gather3A_231 = tpu.vector_load_idx %arg9[%add3A_230, %broadcast_in_dim3A_33] : memref<2048x8xi32, #tpu.memory_space<vmem>>[vector<16xi32>, vector<16xi32>], vector<16xi32>,
        %sub3A_232 = arith.constant 1 : i32
        %sub3A_233 = vector.broadcast %sub3A_232 : i32 to vector<16xi32>
        %sub3A_234 = arith.subi %gather3A_231, %sub3A_233 : vector<16xi32>
        %mul3A_235 = arith.constant 16 : i32
        %mul3A_236 = arith.muli %scan3A_226, %mul3A_235 : i32
        %add3A_237 = arith.constant 10240 : i32
        %add3A_238 = arith.addi %add3A_237, %mul3A_236 : i32
        %swap3A_239 = arith.index_cast %add3A_238 : i32 to index
        %swap3A_240 = tpu.vector_load %arg10[%swap3A_239] {strides = array<i32>} : memref<12288xi32, #tpu.memory_space<vmem>>, vector<16xi32>,
        tpu.vector_store %arg10[%swap3A_239], %sub3A_234 {strides = array<i32>} : memref<12288xi32, #tpu.memory_space<vmem>>, vector<16xi32>,
        %scan3A_241 = arith.constant 7 : i32
        %scan3A_242 = arith.addi %scan3A_132, %scan3A_241 : i32
        %mul3A_243 = arith.constant 16 : i32
        %mul3A_244 = arith.muli %scan3A_242, %mul3A_243 : i32
        %add3A_245 = vector.broadcast %mul3A_244 : i32 to vector<16xi32>
        %add3A_246 = arith.addi %add3A_245, %iota3A : vector<16xi32>
        %gather3A_247 = tpu.vector_load_idx %arg9[%add3A_246, %broadcast_in_dim3A_33] : memref<2048x8xi32, #tpu.memory_space<vmem>>[vector<16xi32>, vector<16xi32>], vector<16xi32>,
        %sub3A_248 = arith.constant 1 : i32
        %sub3A_249 = vector.broadcast %sub3A_248 : i32 to vector<16xi32>
        %sub3A_250 = arith.subi %gather3A_247, %sub3A_249 : vector<16xi32>
        %mul3A_251 = arith.constant 16 : i32
        %mul3A_252 = arith.muli %scan3A_242, %mul3A_251 : i32
        %add3A_253 = arith.constant 10240 : i32
        %add3A_254 = arith.addi %add3A_253, %mul3A_252 : i32
        %swap3A_255 = arith.index_cast %add3A_254 : i32 to index
        %swap3A_256 = tpu.vector_load %arg10[%swap3A_255] {strides = array<i32>} : memref<12288xi32, #tpu.memory_space<vmem>>, vector<16xi32>,
        tpu.vector_store %arg10[%swap3A_255], %sub3A_250 {strides = array<i32>} : memref<12288xi32, #tpu.memory_space<vmem>>, vector<16xi32>,
      }
      %scan3A_115 = arith.constant 128 : i32
      %dma_start3A_116 = arith.constant 0 : i32
      %dma_start3A_117 = tpu.memref_slice %arg7[%dma_start3A_116] : memref<1000000xf32, #tpu.memory_space<vmem_shared>> -> memref<1000000xf32, #tpu.memory_space<vmem_shared>>
      tpu.enqueue_indirect_dma source(%dma_start3A_117 : memref<1000000xf32, #tpu.memory_space<vmem_shared>>) target(%arg11 : memref<12288xf32, #tpu.memory_space<vmem>>) offsets(%arg10 : memref<12288xi32, #tpu.memory_space<vmem>>) semaphore(%arg15 : memref<!tpu.dma_semaphore, #tpu.memory_space<semaphore_mem>>)
      %dma_wait3A_118 = arith.constant 0 : i32
      %dma_wait3A_119 = tpu.memref_slice %arg7[%dma_wait3A_118] : memref<1000000xf32, #tpu.memory_space<vmem_shared>> -> memref<1000000xf32, #tpu.memory_space<vmem_shared>>
      tpu.wait_indirect_dma semaphore(%arg15 : memref<!tpu.dma_semaphore, #tpu.memory_space<semaphore_mem>>) src(%dma_wait3A_119 : memref<1000000xf32, #tpu.memory_space<vmem_shared>>) dst(%arg11 : memref<12288xf32, #tpu.memory_space<vmem>>)
      %dma_wait3A_120 = arith.constant 0 : i32
      %dma_wait3A_121 = tpu.memref_slice %arg3[%min3A_77, %dma_wait3A_120] : memref<2000000x6xf32, #tpu.memory_space<hbm>> -> memref<2048x6xf32, #tpu.memory_space<hbm>>
      %dma_wait3A_122 = arith.constant 0 : i32
      %dma_wait3A_123 = tpu.memref_slice %arg3[%min3A_77, %dma_wait3A_122] : memref<2000000x6xf32, #tpu.memory_space<hbm>> -> memref<2048x6xf32, #tpu.memory_space<hbm>>
      tpu.wait_dma2 semaphore(%arg16 : memref<!tpu.dma_semaphore, #tpu.memory_space<semaphore_mem>>) src(%dma_wait3A_123 : memref<2048x6xf32, #tpu.memory_space<hbm>>) dst(%arg12 : memref<2048x6xf32, #tpu.memory_space<vmem>>)
      %scan3A_124 = arith.constant 0 : i32
      %scan3A_125 = arith.constant 128 : i32
      %scan3A_126 = arith.addi %scan3A_124, %scan3A_125 : i32
      %scan3A_127 = arith.constant 4 : i32
      scf.for %scan3A_132 = %scan3A_124 to %scan3A_126 step %scan3A_127  : i32 {
        %mul3A_133 = arith.constant 16 : i32
        %mul3A_134 = arith.muli %scan3A_132, %mul3A_133 : i32
        %add3A_135 = vector.broadcast %mul3A_134 : i32 to vector<16xi32>
        %add3A_136 = arith.addi %add3A_135, %iota3A : vector<16xi32>
        %broadcast_in_dim3A_137 = arith.constant 0.000000e+00 : f32
        %broadcast_in_dim3A_138 = vector.broadcast %broadcast_in_dim3A_137 : f32 to vector<16xf32>
        %gather3A = tpu.vector_load_idx %arg12[%add3A_136, %broadcast_in_dim3A_23] : memref<2048x6xf32, #tpu.memory_space<vmem>>[vector<16xi32>, vector<16xi32>], vector<16xf32>,
        %mul3A_139 = arith.constant 16 : i32
        %mul3A_140 = arith.muli %scan3A_132, %mul3A_139 : i32
        %add3A_141 = arith.constant 0 : i32
        %add3A_142 = arith.addi %add3A_141, %mul3A_140 : i32
        %get3A = arith.index_cast %add3A_142 : i32 to index
        %get3A_143 = tpu.vector_load %arg11[%get3A] {strides = array<i32>} : memref<12288xf32, #tpu.memory_space<vmem>>, vector<16xf32>,
        %mul3A_144 = arith.mulf %gather3A, %get3A_143 : vector<16xf32>
        %add3A_145 = arith.addf %broadcast_in_dim3A_138, %mul3A_144 : vector<16xf32>
        %gather3A_146 = tpu.vector_load_idx %arg12[%add3A_136, %broadcast_in_dim3A_25] : memref<2048x6xf32, #tpu.memory_space<vmem>>[vector<16xi32>, vector<16xi32>], vector<16xf32>,
        %mul3A_147 = arith.constant 16 : i32
        %mul3A_148 = arith.muli %scan3A_132, %mul3A_147 : i32
        %add3A_149 = arith.constant 2048 : i32
        %add3A_150 = arith.addi %add3A_149, %mul3A_148 : i32
        %get3A_151 = arith.index_cast %add3A_150 : i32 to index
        %get3A_152 = tpu.vector_load %arg11[%get3A_151] {strides = array<i32>} : memref<12288xf32, #tpu.memory_space<vmem>>, vector<16xf32>,
        %mul3A_153 = arith.mulf %gather3A_146, %get3A_152 : vector<16xf32>
        %add3A_154 = arith.addf %add3A_145, %mul3A_153 : vector<16xf32>
        %gather3A_155 = tpu.vector_load_idx %arg12[%add3A_136, %broadcast_in_dim3A_27] : memref<2048x6xf32, #tpu.memory_space<vmem>>[vector<16xi32>, vector<16xi32>], vector<16xf32>,
        %mul3A_156 = arith.constant 16 : i32
        %mul3A_157 = arith.muli %scan3A_132, %mul3A_156 : i32
        %add3A_158 = arith.constant 4096 : i32
        %add3A_159 = arith.addi %add3A_158, %mul3A_157 : i32
        %get3A_160 = arith.index_cast %add3A_159 : i32 to index
        %get3A_161 = tpu.vector_load %arg11[%get3A_160] {strides = array<i32>} : memref<12288xf32, #tpu.memory_space<vmem>>, vector<16xf32>,
        %mul3A_162 = arith.mulf %gather3A_155, %get3A_161 : vector<16xf32>
        %add3A_163 = arith.addf %add3A_154, %mul3A_162 : vector<16xf32>
        %gather3A_164 = tpu.vector_load_idx %arg12[%add3A_136, %broadcast_in_dim3A_29] : memref<2048x6xf32, #tpu.memory_space<vmem>>[vector<16xi32>, vector<16xi32>], vector<16xf32>,
        %mul3A_165 = arith.constant 16 : i32
        %mul3A_166 = arith.muli %scan3A_132, %mul3A_165 : i32
        %add3A_167 = arith.constant 6144 : i32
        %add3A_168 = arith.addi %add3A_167, %mul3A_166 : i32
        %get3A_169 = arith.index_cast %add3A_168 : i32 to index
        %get3A_170 = tpu.vector_load %arg11[%get3A_169] {strides = array<i32>} : memref<12288xf32, #tpu.memory_space<vmem>>, vector<16xf32>,
        %mul3A_171 = arith.mulf %gather3A_164, %get3A_170 : vector<16xf32>
        %add3A_172 = arith.addf %add3A_163, %mul3A_171 : vector<16xf32>
        %gather3A_173 = tpu.vector_load_idx %arg12[%add3A_136, %broadcast_in_dim3A_31] : memref<2048x6xf32, #tpu.memory_space<vmem>>[vector<16xi32>, vector<16xi32>], vector<16xf32>,
        %mul3A_174 = arith.constant 16 : i32
        %mul3A_175 = arith.muli %scan3A_132, %mul3A_174 : i32
        %add3A_176 = arith.constant 8192 : i32
        %add3A_177 = arith.addi %add3A_176, %mul3A_175 : i32
        %get3A_178 = arith.index_cast %add3A_177 : i32 to index
        %get3A_179 = tpu.vector_load %arg11[%get3A_178] {strides = array<i32>} : memref<12288xf32, #tpu.memory_space<vmem>>, vector<16xf32>,
        %mul3A_180 = arith.mulf %gather3A_173, %get3A_179 : vector<16xf32>
        %add3A_181 = arith.addf %add3A_172, %mul3A_180 : vector<16xf32>
        %gather3A_182 = tpu.vector_load_idx %arg12[%add3A_136, %broadcast_in_dim3A_33] : memref<2048x6xf32, #tpu.memory_space<vmem>>[vector<16xi32>, vector<16xi32>], vector<16xf32>,
        %mul3A_183 = arith.constant 16 : i32
        %mul3A_184 = arith.muli %scan3A_132, %mul3A_183 : i32
        %add3A_185 = arith.constant 10240 : i32
        %add3A_186 = arith.addi %add3A_185, %mul3A_184 : i32
        %get3A_187 = arith.index_cast %add3A_186 : i32 to index
        %get3A_188 = tpu.vector_load %arg11[%get3A_187] {strides = array<i32>} : memref<12288xf32, #tpu.memory_space<vmem>>, vector<16xf32>,
        %mul3A_189 = arith.mulf %gather3A_182, %get3A_188 : vector<16xf32>
        %add3A_190 = arith.addf %add3A_181, %mul3A_189 : vector<16xf32>
        %mul3A_191 = arith.constant 16 : i32
        %mul3A_192 = arith.muli %scan3A_132, %mul3A_191 : i32
        %swap3A = arith.index_cast %mul3A_192 : i32 to index
        %swap3A_193 = tpu.vector_load %arg13[%swap3A] {strides = array<i32>} : memref<2048xf32, #tpu.memory_space<vmem>>, vector<16xf32>,
        tpu.vector_store %arg13[%swap3A], %add3A_190 {strides = array<i32>} : memref<2048xf32, #tpu.memory_space<vmem>>, vector<16xf32>,
        %scan3A_194 = arith.constant 1 : i32
        %scan3A_195 = arith.addi %scan3A_132, %scan3A_194 : i32
        %mul3A_196 = arith.constant 16 : i32
        %mul3A_197 = arith.muli %scan3A_195, %mul3A_196 : i32
        %add3A_198 = vector.broadcast %mul3A_197 : i32 to vector<16xi32>
        %add3A_199 = arith.addi %add3A_198, %iota3A : vector<16xi32>
        %broadcast_in_dim3A_200 = arith.constant 0.000000e+00 : f32
        %broadcast_in_dim3A_201 = vector.broadcast %broadcast_in_dim3A_200 : f32 to vector<16xf32>
        %gather3A_202 = tpu.vector_load_idx %arg12[%add3A_199, %broadcast_in_dim3A_23] : memref<2048x6xf32, #tpu.memory_space<vmem>>[vector<16xi32>, vector<16xi32>], vector<16xf32>,
        %mul3A_203 = arith.constant 16 : i32
        %mul3A_204 = arith.muli %scan3A_195, %mul3A_203 : i32
        %add3A_205 = arith.constant 0 : i32
        %add3A_206 = arith.addi %add3A_205, %mul3A_204 : i32
        %get3A_207 = arith.index_cast %add3A_206 : i32 to index
        %get3A_208 = tpu.vector_load %arg11[%get3A_207] {strides = array<i32>} : memref<12288xf32, #tpu.memory_space<vmem>>, vector<16xf32>,
        %mul3A_209 = arith.mulf %gather3A_202, %get3A_208 : vector<16xf32>
        %add3A_210 = arith.addf %broadcast_in_dim3A_201, %mul3A_209 : vector<16xf32>
        %gather3A_211 = tpu.vector_load_idx %arg12[%add3A_199, %broadcast_in_dim3A_25] : memref<2048x6xf32, #tpu.memory_space<vmem>>[vector<16xi32>, vector<16xi32>], vector<16xf32>,
        %mul3A_212 = arith.constant 16 : i32
        %mul3A_213 = arith.muli %scan3A_195, %mul3A_212 : i32
        %add3A_214 = arith.constant 2048 : i32
        %add3A_215 = arith.addi %add3A_214, %mul3A_213 : i32
        %get3A_216 = arith.index_cast %add3A_215 : i32 to index
        %get3A_217 = tpu.vector_load %arg11[%get3A_216] {strides = array<i32>} : memref<12288xf32, #tpu.memory_space<vmem>>, vector<16xf32>,
        %mul3A_218 = arith.mulf %gather3A_211, %get3A_217 : vector<16xf32>
        %add3A_219 = arith.addf %add3A_210, %mul3A_218 : vector<16xf32>
        %gather3A_220 = tpu.vector_load_idx %arg12[%add3A_199, %broadcast_in_dim3A_27] : memref<2048x6xf32, #tpu.memory_space<vmem>>[vector<16xi32>, vector<16xi32>], vector<16xf32>,
        %mul3A_221 = arith.constant 16 : i32
        %mul3A_222 = arith.muli %scan3A_195, %mul3A_221 : i32
        %add3A_223 = arith.constant 4096 : i32
        %add3A_224 = arith.addi %add3A_223, %mul3A_222 : i32
        %get3A_225 = arith.index_cast %add3A_224 : i32 to index
        %get3A_226 = tpu.vector_load %arg11[%get3A_225] {strides = array<i32>} : memref<12288xf32, #tpu.memory_space<vmem>>, vector<16xf32>,
        %mul3A_227 = arith.mulf %gather3A_220, %get3A_226 : vector<16xf32>
        %add3A_228 = arith.addf %add3A_219, %mul3A_227 : vector<16xf32>
        %gather3A_229 = tpu.vector_load_idx %arg12[%add3A_199, %broadcast_in_dim3A_29] : memref<2048x6xf32, #tpu.memory_space<vmem>>[vector<16xi32>, vector<16xi32>], vector<16xf32>,
        %mul3A_230 = arith.constant 16 : i32
        %mul3A_231 = arith.muli %scan3A_195, %mul3A_230 : i32
        %add3A_232 = arith.constant 6144 : i32
        %add3A_233 = arith.addi %add3A_232, %mul3A_231 : i32
        %get3A_234 = arith.index_cast %add3A_233 : i32 to index
        %get3A_235 = tpu.vector_load %arg11[%get3A_234] {strides = array<i32>} : memref<12288xf32, #tpu.memory_space<vmem>>, vector<16xf32>,
        %mul3A_236 = arith.mulf %gather3A_229, %get3A_235 : vector<16xf32>
        %add3A_237 = arith.addf %add3A_228, %mul3A_236 : vector<16xf32>
        %gather3A_238 = tpu.vector_load_idx %arg12[%add3A_199, %broadcast_in_dim3A_31] : memref<2048x6xf32, #tpu.memory_space<vmem>>[vector<16xi32>, vector<16xi32>], vector<16xf32>,
        %mul3A_239 = arith.constant 16 : i32
        %mul3A_240 = arith.muli %scan3A_195, %mul3A_239 : i32
        %add3A_241 = arith.constant 8192 : i32
        %add3A_242 = arith.addi %add3A_241, %mul3A_240 : i32
        %get3A_243 = arith.index_cast %add3A_242 : i32 to index
        %get3A_244 = tpu.vector_load %arg11[%get3A_243] {strides = array<i32>} : memref<12288xf32, #tpu.memory_space<vmem>>, vector<16xf32>,
        %mul3A_245 = arith.mulf %gather3A_238, %get3A_244 : vector<16xf32>
        %add3A_246 = arith.addf %add3A_237, %mul3A_245 : vector<16xf32>
        %gather3A_247 = tpu.vector_load_idx %arg12[%add3A_199, %broadcast_in_dim3A_33] : memref<2048x6xf32, #tpu.memory_space<vmem>>[vector<16xi32>, vector<16xi32>], vector<16xf32>,
        %mul3A_248 = arith.constant 16 : i32
        %mul3A_249 = arith.muli %scan3A_195, %mul3A_248 : i32
        %add3A_250 = arith.constant 10240 : i32
        %add3A_251 = arith.addi %add3A_250, %mul3A_249 : i32
        %get3A_252 = arith.index_cast %add3A_251 : i32 to index
        %get3A_253 = tpu.vector_load %arg11[%get3A_252] {strides = array<i32>} : memref<12288xf32, #tpu.memory_space<vmem>>, vector<16xf32>,
        %mul3A_254 = arith.mulf %gather3A_247, %get3A_253 : vector<16xf32>
        %add3A_255 = arith.addf %add3A_246, %mul3A_254 : vector<16xf32>
        %mul3A_256 = arith.constant 16 : i32
        %mul3A_257 = arith.muli %scan3A_195, %mul3A_256 : i32
        %swap3A_258 = arith.index_cast %mul3A_257 : i32 to index
        %swap3A_259 = tpu.vector_load %arg13[%swap3A_258] {strides = array<i32>} : memref<2048xf32, #tpu.memory_space<vmem>>, vector<16xf32>,
        tpu.vector_store %arg13[%swap3A_258], %add3A_255 {strides = array<i32>} : memref<2048xf32, #tpu.memory_space<vmem>>, vector<16xf32>,
        %scan3A_260 = arith.constant 2 : i32
        %scan3A_261 = arith.addi %scan3A_132, %scan3A_260 : i32
        %mul3A_262 = arith.constant 16 : i32
        %mul3A_263 = arith.muli %scan3A_261, %mul3A_262 : i32
        %add3A_264 = vector.broadcast %mul3A_263 : i32 to vector<16xi32>
        %add3A_265 = arith.addi %add3A_264, %iota3A : vector<16xi32>
        %broadcast_in_dim3A_266 = arith.constant 0.000000e+00 : f32
        %broadcast_in_dim3A_267 = vector.broadcast %broadcast_in_dim3A_266 : f32 to vector<16xf32>
        %gather3A_268 = tpu.vector_load_idx %arg12[%add3A_265, %broadcast_in_dim3A_23] : memref<2048x6xf32, #tpu.memory_space<vmem>>[vector<16xi32>, vector<16xi32>], vector<16xf32>,
        %mul3A_269 = arith.constant 16 : i32
        %mul3A_270 = arith.muli %scan3A_261, %mul3A_269 : i32
        %add3A_271 = arith.constant 0 : i32
        %add3A_272 = arith.addi %add3A_271, %mul3A_270 : i32
        %get3A_273 = arith.index_cast %add3A_272 : i32 to index
        %get3A_274 = tpu.vector_load %arg11[%get3A_273] {strides = array<i32>} : memref<12288xf32, #tpu.memory_space<vmem>>, vector<16xf32>,
        %mul3A_275 = arith.mulf %gather3A_268, %get3A_274 : vector<16xf32>
        %add3A_276 = arith.addf %broadcast_in_dim3A_267, %mul3A_275 : vector<16xf32>
        %gather3A_277 = tpu.vector_load_idx %arg12[%add3A_265, %broadcast_in_dim3A_25] : memref<2048x6xf32, #tpu.memory_space<vmem>>[vector<16xi32>, vector<16xi32>], vector<16xf32>,
        %mul3A_278 = arith.constant 16 : i32
        %mul3A_279 = arith.muli %scan3A_261, %mul3A_278 : i32
        %add3A_280 = arith.constant 2048 : i32
        %add3A_281 = arith.addi %add3A_280, %mul3A_279 : i32
        %get3A_282 = arith.index_cast %add3A_281 : i32 to index
        %get3A_283 = tpu.vector_load %arg11[%get3A_282] {strides = array<i32>} : memref<12288xf32, #tpu.memory_space<vmem>>, vector<16xf32>,
        %mul3A_284 = arith.mulf %gather3A_277, %get3A_283 : vector<16xf32>
        %add3A_285 = arith.addf %add3A_276, %mul3A_284 : vector<16xf32>
        %gather3A_286 = tpu.vector_load_idx %arg12[%add3A_265, %broadcast_in_dim3A_27] : memref<2048x6xf32, #tpu.memory_space<vmem>>[vector<16xi32>, vector<16xi32>], vector<16xf32>,
        %mul3A_287 = arith.constant 16 : i32
        %mul3A_288 = arith.muli %scan3A_261, %mul3A_287 : i32
        %add3A_289 = arith.constant 4096 : i32
        %add3A_290 = arith.addi %add3A_289, %mul3A_288 : i32
        %get3A_291 = arith.index_cast %add3A_290 : i32 to index
        %get3A_292 = tpu.vector_load %arg11[%get3A_291] {strides = array<i32>} : memref<12288xf32, #tpu.memory_space<vmem>>, vector<16xf32>,
        %mul3A_293 = arith.mulf %gather3A_286, %get3A_292 : vector<16xf32>
        %add3A_294 = arith.addf %add3A_285, %mul3A_293 : vector<16xf32>
        %gather3A_295 = tpu.vector_load_idx %arg12[%add3A_265, %broadcast_in_dim3A_29] : memref<2048x6xf32, #tpu.memory_space<vmem>>[vector<16xi32>, vector<16xi32>], vector<16xf32>,
        %mul3A_296 = arith.constant 16 : i32
        %mul3A_297 = arith.muli %scan3A_261, %mul3A_296 : i32
        %add3A_298 = arith.constant 6144 : i32
        %add3A_299 = arith.addi %add3A_298, %mul3A_297 : i32
        %get3A_300 = arith.index_cast %add3A_299 : i32 to index
        %get3A_301 = tpu.vector_load %arg11[%get3A_300] {strides = array<i32>} : memref<12288xf32, #tpu.memory_space<vmem>>, vector<16xf32>,
        %mul3A_302 = arith.mulf %gather3A_295, %get3A_301 : vector<16xf32>
        %add3A_303 = arith.addf %add3A_294, %mul3A_302 : vector<16xf32>
        %gather3A_304 = tpu.vector_load_idx %arg12[%add3A_265, %broadcast_in_dim3A_31] : memref<2048x6xf32, #tpu.memory_space<vmem>>[vector<16xi32>, vector<16xi32>], vector<16xf32>,
        %mul3A_305 = arith.constant 16 : i32
        %mul3A_306 = arith.muli %scan3A_261, %mul3A_305 : i32
        %add3A_307 = arith.constant 8192 : i32
        %add3A_308 = arith.addi %add3A_307, %mul3A_306 : i32
        %get3A_309 = arith.index_cast %add3A_308 : i32 to index
        %get3A_310 = tpu.vector_load %arg11[%get3A_309] {strides = array<i32>} : memref<12288xf32, #tpu.memory_space<vmem>>, vector<16xf32>,
        %mul3A_311 = arith.mulf %gather3A_304, %get3A_310 : vector<16xf32>
        %add3A_312 = arith.addf %add3A_303, %mul3A_311 : vector<16xf32>
        %gather3A_313 = tpu.vector_load_idx %arg12[%add3A_265, %broadcast_in_dim3A_33] : memref<2048x6xf32, #tpu.memory_space<vmem>>[vector<16xi32>, vector<16xi32>], vector<16xf32>,
        %mul3A_314 = arith.constant 16 : i32
        %mul3A_315 = arith.muli %scan3A_261, %mul3A_314 : i32
        %add3A_316 = arith.constant 10240 : i32
        %add3A_317 = arith.addi %add3A_316, %mul3A_315 : i32
        %get3A_318 = arith.index_cast %add3A_317 : i32 to index
        %get3A_319 = tpu.vector_load %arg11[%get3A_318] {strides = array<i32>} : memref<12288xf32, #tpu.memory_space<vmem>>, vector<16xf32>,
        %mul3A_320 = arith.mulf %gather3A_313, %get3A_319 : vector<16xf32>
        %add3A_321 = arith.addf %add3A_312, %mul3A_320 : vector<16xf32>
        %mul3A_322 = arith.constant 16 : i32
        %mul3A_323 = arith.muli %scan3A_261, %mul3A_322 : i32
        %swap3A_324 = arith.index_cast %mul3A_323 : i32 to index
        %swap3A_325 = tpu.vector_load %arg13[%swap3A_324] {strides = array<i32>} : memref<2048xf32, #tpu.memory_space<vmem>>, vector<16xf32>,
        tpu.vector_store %arg13[%swap3A_324], %add3A_321 {strides = array<i32>} : memref<2048xf32, #tpu.memory_space<vmem>>, vector<16xf32>,
        %scan3A_326 = arith.constant 3 : i32
        %scan3A_327 = arith.addi %scan3A_132, %scan3A_326 : i32
        %mul3A_328 = arith.constant 16 : i32
        %mul3A_329 = arith.muli %scan3A_327, %mul3A_328 : i32
        %add3A_330 = vector.broadcast %mul3A_329 : i32 to vector<16xi32>
        %add3A_331 = arith.addi %add3A_330, %iota3A : vector<16xi32>
        %broadcast_in_dim3A_332 = arith.constant 0.000000e+00 : f32
        %broadcast_in_dim3A_333 = vector.broadcast %broadcast_in_dim3A_332 : f32 to vector<16xf32>
        %gather3A_334 = tpu.vector_load_idx %arg12[%add3A_331, %broadcast_in_dim3A_23] : memref<2048x6xf32, #tpu.memory_space<vmem>>[vector<16xi32>, vector<16xi32>], vector<16xf32>,
        %mul3A_335 = arith.constant 16 : i32
        %mul3A_336 = arith.muli %scan3A_327, %mul3A_335 : i32
        %add3A_337 = arith.constant 0 : i32
        %add3A_338 = arith.addi %add3A_337, %mul3A_336 : i32
        %get3A_339 = arith.index_cast %add3A_338 : i32 to index
        %get3A_340 = tpu.vector_load %arg11[%get3A_339] {strides = array<i32>} : memref<12288xf32, #tpu.memory_space<vmem>>, vector<16xf32>,
        %mul3A_341 = arith.mulf %gather3A_334, %get3A_340 : vector<16xf32>
        %add3A_342 = arith.addf %broadcast_in_dim3A_333, %mul3A_341 : vector<16xf32>
        %gather3A_343 = tpu.vector_load_idx %arg12[%add3A_331, %broadcast_in_dim3A_25] : memref<2048x6xf32, #tpu.memory_space<vmem>>[vector<16xi32>, vector<16xi32>], vector<16xf32>,
        %mul3A_344 = arith.constant 16 : i32
        %mul3A_345 = arith.muli %scan3A_327, %mul3A_344 : i32
        %add3A_346 = arith.constant 2048 : i32
        %add3A_347 = arith.addi %add3A_346, %mul3A_345 : i32
        %get3A_348 = arith.index_cast %add3A_347 : i32 to index
        %get3A_349 = tpu.vector_load %arg11[%get3A_348] {strides = array<i32>} : memref<12288xf32, #tpu.memory_space<vmem>>, vector<16xf32>,
        %mul3A_350 = arith.mulf %gather3A_343, %get3A_349 : vector<16xf32>
        %add3A_351 = arith.addf %add3A_342, %mul3A_350 : vector<16xf32>
        %gather3A_352 = tpu.vector_load_idx %arg12[%add3A_331, %broadcast_in_dim3A_27] : memref<2048x6xf32, #tpu.memory_space<vmem>>[vector<16xi32>, vector<16xi32>], vector<16xf32>,
        %mul3A_353 = arith.constant 16 : i32
        %mul3A_354 = arith.muli %scan3A_327, %mul3A_353 : i32
        %add3A_355 = arith.constant 4096 : i32
        %add3A_356 = arith.addi %add3A_355, %mul3A_354 : i32
        %get3A_357 = arith.index_cast %add3A_356 : i32 to index
        %get3A_358 = tpu.vector_load %arg11[%get3A_357] {strides = array<i32>} : memref<12288xf32, #tpu.memory_space<vmem>>, vector<16xf32>,
        %mul3A_359 = arith.mulf %gather3A_352, %get3A_358 : vector<16xf32>
        %add3A_360 = arith.addf %add3A_351, %mul3A_359 : vector<16xf32>
        %gather3A_361 = tpu.vector_load_idx %arg12[%add3A_331, %broadcast_in_dim3A_29] : memref<2048x6xf32, #tpu.memory_space<vmem>>[vector<16xi32>, vector<16xi32>], vector<16xf32>,
        %mul3A_362 = arith.constant 16 : i32
        %mul3A_363 = arith.muli %scan3A_327, %mul3A_362 : i32
        %add3A_364 = arith.constant 6144 : i32
        %add3A_365 = arith.addi %add3A_364, %mul3A_363 : i32
        %get3A_366 = arith.index_cast %add3A_365 : i32 to index
        %get3A_367 = tpu.vector_load %arg11[%get3A_366] {strides = array<i32>} : memref<12288xf32, #tpu.memory_space<vmem>>, vector<16xf32>,
        %mul3A_368 = arith.mulf %gather3A_361, %get3A_367 : vector<16xf32>
        %add3A_369 = arith.addf %add3A_360, %mul3A_368 : vector<16xf32>
        %gather3A_370 = tpu.vector_load_idx %arg12[%add3A_331, %broadcast_in_dim3A_31] : memref<2048x6xf32, #tpu.memory_space<vmem>>[vector<16xi32>, vector<16xi32>], vector<16xf32>,
        %mul3A_371 = arith.constant 16 : i32
        %mul3A_372 = arith.muli %scan3A_327, %mul3A_371 : i32
        %add3A_373 = arith.constant 8192 : i32
        %add3A_374 = arith.addi %add3A_373, %mul3A_372 : i32
        %get3A_375 = arith.index_cast %add3A_374 : i32 to index
        %get3A_376 = tpu.vector_load %arg11[%get3A_375] {strides = array<i32>} : memref<12288xf32, #tpu.memory_space<vmem>>, vector<16xf32>,
        %mul3A_377 = arith.mulf %gather3A_370, %get3A_376 : vector<16xf32>
        %add3A_378 = arith.addf %add3A_369, %mul3A_377 : vector<16xf32>
        %gather3A_379 = tpu.vector_load_idx %arg12[%add3A_331, %broadcast_in_dim3A_33] : memref<2048x6xf32, #tpu.memory_space<vmem>>[vector<16xi32>, vector<16xi32>], vector<16xf32>,
        %mul3A_380 = arith.constant 16 : i32
        %mul3A_381 = arith.muli %scan3A_327, %mul3A_380 : i32
        %add3A_382 = arith.constant 10240 : i32
        %add3A_383 = arith.addi %add3A_382, %mul3A_381 : i32
        %get3A_384 = arith.index_cast %add3A_383 : i32 to index
        %get3A_385 = tpu.vector_load %arg11[%get3A_384] {strides = array<i32>} : memref<12288xf32, #tpu.memory_space<vmem>>, vector<16xf32>,
        %mul3A_386 = arith.mulf %gather3A_379, %get3A_385 : vector<16xf32>
        %add3A_387 = arith.addf %add3A_378, %mul3A_386 : vector<16xf32>
        %mul3A_388 = arith.constant 16 : i32
        %mul3A_389 = arith.muli %scan3A_327, %mul3A_388 : i32
        %swap3A_390 = arith.index_cast %mul3A_389 : i32 to index
        %swap3A_391 = tpu.vector_load %arg13[%swap3A_390] {strides = array<i32>} : memref<2048xf32, #tpu.memory_space<vmem>>, vector<16xf32>,
        tpu.vector_store %arg13[%swap3A_390], %add3A_387 {strides = array<i32>} : memref<2048xf32, #tpu.memory_space<vmem>>, vector<16xf32>,
      }
      %scan3A_128 = arith.constant 128 : i32
      %mul3A_129 = arith.constant 2000000 : i32
      %mul3A_130 = arith.muli %arg0, %mul3A_129 : i32
      %add3A_131 = arith.addi %mul3A_130, %min3A_77 : i32
      "tpu.region"() ({
        %run_scoped3A = tpu.sem_alloc : memref<!tpu.dma_semaphore, #tpu.memory_space<semaphore_mem>>
        %dma_start3A_132 = tpu.memref_slice %arg6[%add3A_131] : memref<4000000xf32, #tpu.memory_space<hbm>> -> memref<2048xf32, #tpu.memory_space<hbm>>
        %dma_start3A_133 = tpu.memref_slice %arg6[%add3A_131] : memref<4000000xf32, #tpu.memory_space<hbm>> -> memref<2048xf32, #tpu.memory_space<hbm>>
        tpu.enqueue_dma source(%arg13 : memref<2048xf32, #tpu.memory_space<vmem>>) target(%dma_start3A_133 : memref<2048xf32, #tpu.memory_space<hbm>>) target_semaphore(%run_scoped3A : memref<!tpu.dma_semaphore, #tpu.memory_space<semaphore_mem>>)
        %dma_wait3A_134 = tpu.memref_slice %arg6[%add3A_131] : memref<4000000xf32, #tpu.memory_space<hbm>> -> memref<2048xf32, #tpu.memory_space<hbm>>
        %dma_wait3A_135 = tpu.memref_slice %arg6[%add3A_131] : memref<4000000xf32, #tpu.memory_space<hbm>> -> memref<2048xf32, #tpu.memory_space<hbm>>
        tpu.wait_dma2 semaphore(%run_scoped3A : memref<!tpu.dma_semaphore, #tpu.memory_space<semaphore_mem>>) src(%arg13 : memref<2048xf32, #tpu.memory_space<vmem>>) dst(%dma_wait3A_135 : memref<2048xf32, #tpu.memory_space<hbm>>)
        tpu.yield
      }) : () -> ()
    }
    %while3A_70 = arith.constant 1 : i32
    scf.for %while3A_71 = %while3A_68 to %while3A_64 step %while3A_70  : i32 {
      %mul3A_72 = arith.constant 16 : i32
      %mul3A_73 = arith.muli %while3A_71, %mul3A_72 : i32
      %add3A_74 = arith.addi %arg1, %mul3A_73 : i32
      %mul3A_75 = arith.constant 2048 : i32
      %mul3A_76 = arith.muli %add3A_74, %mul3A_75 : i32
      %min3A = arith.constant 1997952 : i32
      %min3A_77 = arith.minsi %mul3A_76, %min3A : i32
      "tpu.region"() ({
        %run_scoped3A = tpu.sem_alloc : memref<!tpu.dma_semaphore, #tpu.memory_space<semaphore_mem>>
        %dma_start3A_132 = tpu.memref_slice %arg2[%min3A_77] : memref<2000000xi32, #tpu.memory_space<hbm>> -> memref<2048xi32, #tpu.memory_space<hbm>>
        %dma_start3A_133 = tpu.memref_slice %arg2[%min3A_77] : memref<2000000xi32, #tpu.memory_space<hbm>> -> memref<2048xi32, #tpu.memory_space<hbm>>
        tpu.enqueue_dma source(%dma_start3A_133 : memref<2048xi32, #tpu.memory_space<hbm>>) target(%arg8 : memref<2048xi32, #tpu.memory_space<vmem>>) target_semaphore(%run_scoped3A : memref<!tpu.dma_semaphore, #tpu.memory_space<semaphore_mem>>)
        %dma_wait3A_134 = tpu.memref_slice %arg2[%min3A_77] : memref<2000000xi32, #tpu.memory_space<hbm>> -> memref<2048xi32, #tpu.memory_space<hbm>>
        %dma_wait3A_135 = tpu.memref_slice %arg2[%min3A_77] : memref<2000000xi32, #tpu.memory_space<hbm>> -> memref<2048xi32, #tpu.memory_space<hbm>>
        tpu.wait_dma2 semaphore(%run_scoped3A : memref<!tpu.dma_semaphore, #tpu.memory_space<semaphore_mem>>) src(%dma_wait3A_135 : memref<2048xi32, #tpu.memory_space<hbm>>) dst(%arg8 : memref<2048xi32, #tpu.memory_space<vmem>>)
        tpu.yield
      }) : () -> ()
      %dma_start3A = arith.constant 0 : i32
      %dma_start3A_78 = tpu.memref_slice %arg3[%min3A_77, %dma_start3A] : memref<2000000x6xf32, #tpu.memory_space<hbm>> -> memref<2048x6xf32, #tpu.memory_space<hbm>>
      %dma_start3A_79 = arith.constant 0 : i32
      %dma_start3A_80 = tpu.memref_slice %arg3[%min3A_77, %dma_start3A_79] : memref<2000000x6xf32, #tpu.memory_space<hbm>> -> memref<2048x6xf32, #tpu.memory_space<hbm>>
      tpu.enqueue_dma source(%dma_start3A_80 : memref<2048x6xf32, #tpu.memory_space<hbm>>) target(%arg12 : memref<2048x6xf32, #tpu.memory_space<vmem>>) target_semaphore(%arg16 : memref<!tpu.dma_semaphore, #tpu.memory_space<semaphore_mem>>)
      %dma_start3A_81 = arith.constant 0 : i32
      %dma_start3A_82 = arith.constant 0 : i32
      %dma_start3A_83 = tpu.memref_slice %arg4[%dma_start3A_81, %dma_start3A_82] : memref<1000000x8xi32, #tpu.memory_space<hbm>> -> memref<1000000x8xi32, #tpu.memory_space<hbm>>
      tpu.enqueue_indirect_dma source(%dma_start3A_83 : memref<1000000x8xi32, #tpu.memory_space<hbm>>) target(%arg9 : memref<2048x8xi32, #tpu.memory_space<vmem>>) offsets(%arg8 : memref<2048xi32, #tpu.memory_space<vmem>>) semaphore(%arg14 : memref<!tpu.dma_semaphore, #tpu.memory_space<semaphore_mem>>)
      %dma_wait3A = arith.constant 0 : i32
      %dma_wait3A_84 = arith.constant 0 : i32
      %dma_wait3A_85 = tpu.memref_slice %arg4[%dma_wait3A, %dma_wait3A_84] : memref<1000000x8xi32, #tpu.memory_space<hbm>> -> memref<1000000x8xi32, #tpu.memory_space<hbm>>
      tpu.wait_indirect_dma semaphore(%arg14 : memref<!tpu.dma_semaphore, #tpu.memory_space<semaphore_mem>>) src(%dma_wait3A_85 : memref<1000000x8xi32, #tpu.memory_space<hbm>>) dst(%arg9 : memref<2048x8xi32, #tpu.memory_space<vmem>>)
      %scan3A_86 = arith.constant 0 : i32
      %scan3A_87 = arith.constant 128 : i32
      %scan3A_88 = arith.addi %scan3A_86, %scan3A_87 : i32
      %scan3A_89 = arith.constant 8 : i32
      scf.for %scan3A_132 = %scan3A_86 to %scan3A_88 step %scan3A_89  : i32 {
        %mul3A_133 = arith.constant 16 : i32
        %mul3A_134 = arith.muli %scan3A_132, %mul3A_133 : i32
        %add3A_135 = vector.broadcast %mul3A_134 : i32 to vector<16xi32>
        %add3A_136 = arith.addi %add3A_135, %iota3A : vector<16xi32>
        %gather3A = tpu.vector_load_idx %arg9[%add3A_136, %broadcast_in_dim3A_23] : memref<2048x8xi32, #tpu.memory_space<vmem>>[vector<16xi32>, vector<16xi32>], vector<16xi32>,
        %sub3A_137 = arith.constant 1 : i32
        %sub3A_138 = vector.broadcast %sub3A_137 : i32 to vector<16xi32>
        %sub3A_139 = arith.subi %gather3A, %sub3A_138 : vector<16xi32>
        %mul3A_140 = arith.constant 16 : i32
        %mul3A_141 = arith.muli %scan3A_132, %mul3A_140 : i32
        %add3A_142 = arith.constant 0 : i32
        %add3A_143 = arith.addi %add3A_142, %mul3A_141 : i32
        %swap3A = arith.index_cast %add3A_143 : i32 to index
        %swap3A_144 = tpu.vector_load %arg10[%swap3A] {strides = array<i32>} : memref<12288xi32, #tpu.memory_space<vmem>>, vector<16xi32>,
        tpu.vector_store %arg10[%swap3A], %sub3A_139 {strides = array<i32>} : memref<12288xi32, #tpu.memory_space<vmem>>, vector<16xi32>,
        %scan3A_145 = arith.constant 1 : i32
        %scan3A_146 = arith.addi %scan3A_132, %scan3A_145 : i32
        %mul3A_147 = arith.constant 16 : i32
        %mul3A_148 = arith.muli %scan3A_146, %mul3A_147 : i32
        %add3A_149 = vector.broadcast %mul3A_148 : i32 to vector<16xi32>
        %add3A_150 = arith.addi %add3A_149, %iota3A : vector<16xi32>
        %gather3A_151 = tpu.vector_load_idx %arg9[%add3A_150, %broadcast_in_dim3A_23] : memref<2048x8xi32, #tpu.memory_space<vmem>>[vector<16xi32>, vector<16xi32>], vector<16xi32>,
        %sub3A_152 = arith.constant 1 : i32
        %sub3A_153 = vector.broadcast %sub3A_152 : i32 to vector<16xi32>
        %sub3A_154 = arith.subi %gather3A_151, %sub3A_153 : vector<16xi32>
        %mul3A_155 = arith.constant 16 : i32
        %mul3A_156 = arith.muli %scan3A_146, %mul3A_155 : i32
        %add3A_157 = arith.constant 0 : i32
        %add3A_158 = arith.addi %add3A_157, %mul3A_156 : i32
        %swap3A_159 = arith.index_cast %add3A_158 : i32 to index
        %swap3A_160 = tpu.vector_load %arg10[%swap3A_159] {strides = array<i32>} : memref<12288xi32, #tpu.memory_space<vmem>>, vector<16xi32>,
        tpu.vector_store %arg10[%swap3A_159], %sub3A_154 {strides = array<i32>} : memref<12288xi32, #tpu.memory_space<vmem>>, vector<16xi32>,
        %scan3A_161 = arith.constant 2 : i32
        %scan3A_162 = arith.addi %scan3A_132, %scan3A_161 : i32
        %mul3A_163 = arith.constant 16 : i32
        %mul3A_164 = arith.muli %scan3A_162, %mul3A_163 : i32
        %add3A_165 = vector.broadcast %mul3A_164 : i32 to vector<16xi32>
        %add3A_166 = arith.addi %add3A_165, %iota3A : vector<16xi32>
        %gather3A_167 = tpu.vector_load_idx %arg9[%add3A_166, %broadcast_in_dim3A_23] : memref<2048x8xi32, #tpu.memory_space<vmem>>[vector<16xi32>, vector<16xi32>], vector<16xi32>,
        %sub3A_168 = arith.constant 1 : i32
        %sub3A_169 = vector.broadcast %sub3A_168 : i32 to vector<16xi32>
        %sub3A_170 = arith.subi %gather3A_167, %sub3A_169 : vector<16xi32>
        %mul3A_171 = arith.constant 16 : i32
        %mul3A_172 = arith.muli %scan3A_162, %mul3A_171 : i32
        %add3A_173 = arith.constant 0 : i32
        %add3A_174 = arith.addi %add3A_173, %mul3A_172 : i32
        %swap3A_175 = arith.index_cast %add3A_174 : i32 to index
        %swap3A_176 = tpu.vector_load %arg10[%swap3A_175] {strides = array<i32>} : memref<12288xi32, #tpu.memory_space<vmem>>, vector<16xi32>,
        tpu.vector_store %arg10[%swap3A_175], %sub3A_170 {strides = array<i32>} : memref<12288xi32, #tpu.memory_space<vmem>>, vector<16xi32>,
        %scan3A_177 = arith.constant 3 : i32
        %scan3A_178 = arith.addi %scan3A_132, %scan3A_177 : i32
        %mul3A_179 = arith.constant 16 : i32
        %mul3A_180 = arith.muli %scan3A_178, %mul3A_179 : i32
        %add3A_181 = vector.broadcast %mul3A_180 : i32 to vector<16xi32>
        %add3A_182 = arith.addi %add3A_181, %iota3A : vector<16xi32>
        %gather3A_183 = tpu.vector_load_idx %arg9[%add3A_182, %broadcast_in_dim3A_23] : memref<2048x8xi32, #tpu.memory_space<vmem>>[vector<16xi32>, vector<16xi32>], vector<16xi32>,
        %sub3A_184 = arith.constant 1 : i32
        %sub3A_185 = vector.broadcast %sub3A_184 : i32 to vector<16xi32>
        %sub3A_186 = arith.subi %gather3A_183, %sub3A_185 : vector<16xi32>
        %mul3A_187 = arith.constant 16 : i32
        %mul3A_188 = arith.muli %scan3A_178, %mul3A_187 : i32
        %add3A_189 = arith.constant 0 : i32
        %add3A_190 = arith.addi %add3A_189, %mul3A_188 : i32
        %swap3A_191 = arith.index_cast %add3A_190 : i32 to index
        %swap3A_192 = tpu.vector_load %arg10[%swap3A_191] {strides = array<i32>} : memref<12288xi32, #tpu.memory_space<vmem>>, vector<16xi32>,
        tpu.vector_store %arg10[%swap3A_191], %sub3A_186 {strides = array<i32>} : memref<12288xi32, #tpu.memory_space<vmem>>, vector<16xi32>,
        %scan3A_193 = arith.constant 4 : i32
        %scan3A_194 = arith.addi %scan3A_132, %scan3A_193 : i32
        %mul3A_195 = arith.constant 16 : i32
        %mul3A_196 = arith.muli %scan3A_194, %mul3A_195 : i32
        %add3A_197 = vector.broadcast %mul3A_196 : i32 to vector<16xi32>
        %add3A_198 = arith.addi %add3A_197, %iota3A : vector<16xi32>
        %gather3A_199 = tpu.vector_load_idx %arg9[%add3A_198, %broadcast_in_dim3A_23] : memref<2048x8xi32, #tpu.memory_space<vmem>>[vector<16xi32>, vector<16xi32>], vector<16xi32>,
        %sub3A_200 = arith.constant 1 : i32
        %sub3A_201 = vector.broadcast %sub3A_200 : i32 to vector<16xi32>
        %sub3A_202 = arith.subi %gather3A_199, %sub3A_201 : vector<16xi32>
        %mul3A_203 = arith.constant 16 : i32
        %mul3A_204 = arith.muli %scan3A_194, %mul3A_203 : i32
        %add3A_205 = arith.constant 0 : i32
        %add3A_206 = arith.addi %add3A_205, %mul3A_204 : i32
        %swap3A_207 = arith.index_cast %add3A_206 : i32 to index
        %swap3A_208 = tpu.vector_load %arg10[%swap3A_207] {strides = array<i32>} : memref<12288xi32, #tpu.memory_space<vmem>>, vector<16xi32>,
        tpu.vector_store %arg10[%swap3A_207], %sub3A_202 {strides = array<i32>} : memref<12288xi32, #tpu.memory_space<vmem>>, vector<16xi32>,
        %scan3A_209 = arith.constant 5 : i32
        %scan3A_210 = arith.addi %scan3A_132, %scan3A_209 : i32
        %mul3A_211 = arith.constant 16 : i32
        %mul3A_212 = arith.muli %scan3A_210, %mul3A_211 : i32
        %add3A_213 = vector.broadcast %mul3A_212 : i32 to vector<16xi32>
        %add3A_214 = arith.addi %add3A_213, %iota3A : vector<16xi32>
        %gather3A_215 = tpu.vector_load_idx %arg9[%add3A_214, %broadcast_in_dim3A_23] : memref<2048x8xi32, #tpu.memory_space<vmem>>[vector<16xi32>, vector<16xi32>], vector<16xi32>,
        %sub3A_216 = arith.constant 1 : i32
        %sub3A_217 = vector.broadcast %sub3A_216 : i32 to vector<16xi32>
        %sub3A_218 = arith.subi %gather3A_215, %sub3A_217 : vector<16xi32>
        %mul3A_219 = arith.constant 16 : i32
        %mul3A_220 = arith.muli %scan3A_210, %mul3A_219 : i32
        %add3A_221 = arith.constant 0 : i32
        %add3A_222 = arith.addi %add3A_221, %mul3A_220 : i32
        %swap3A_223 = arith.index_cast %add3A_222 : i32 to index
        %swap3A_224 = tpu.vector_load %arg10[%swap3A_223] {strides = array<i32>} : memref<12288xi32, #tpu.memory_space<vmem>>, vector<16xi32>,
        tpu.vector_store %arg10[%swap3A_223], %sub3A_218 {strides = array<i32>} : memref<12288xi32, #tpu.memory_space<vmem>>, vector<16xi32>,
        %scan3A_225 = arith.constant 6 : i32
        %scan3A_226 = arith.addi %scan3A_132, %scan3A_225 : i32
        %mul3A_227 = arith.constant 16 : i32
        %mul3A_228 = arith.muli %scan3A_226, %mul3A_227 : i32
        %add3A_229 = vector.broadcast %mul3A_228 : i32 to vector<16xi32>
        %add3A_230 = arith.addi %add3A_229, %iota3A : vector<16xi32>
        %gather3A_231 = tpu.vector_load_idx %arg9[%add3A_230, %broadcast_in_dim3A_23] : memref<2048x8xi32, #tpu.memory_space<vmem>>[vector<16xi32>, vector<16xi32>], vector<16xi32>,
        %sub3A_232 = arith.constant 1 : i32
        %sub3A_233 = vector.broadcast %sub3A_232 : i32 to vector<16xi32>
        %sub3A_234 = arith.subi %gather3A_231, %sub3A_233 : vector<16xi32>
        %mul3A_235 = arith.constant 16 : i32
        %mul3A_236 = arith.muli %scan3A_226, %mul3A_235 : i32
        %add3A_237 = arith.constant 0 : i32
        %add3A_238 = arith.addi %add3A_237, %mul3A_236 : i32
        %swap3A_239 = arith.index_cast %add3A_238 : i32 to index
        %swap3A_240 = tpu.vector_load %arg10[%swap3A_239] {strides = array<i32>} : memref<12288xi32, #tpu.memory_space<vmem>>, vector<16xi32>,
        tpu.vector_store %arg10[%swap3A_239], %sub3A_234 {strides = array<i32>} : memref<12288xi32, #tpu.memory_space<vmem>>, vector<16xi32>,
        %scan3A_241 = arith.constant 7 : i32
        %scan3A_242 = arith.addi %scan3A_132, %scan3A_241 : i32
        %mul3A_243 = arith.constant 16 : i32
        %mul3A_244 = arith.muli %scan3A_242, %mul3A_243 : i32
        %add3A_245 = vector.broadcast %mul3A_244 : i32 to vector<16xi32>
        %add3A_246 = arith.addi %add3A_245, %iota3A : vector<16xi32>
        %gather3A_247 = tpu.vector_load_idx %arg9[%add3A_246, %broadcast_in_dim3A_23] : memref<2048x8xi32, #tpu.memory_space<vmem>>[vector<16xi32>, vector<16xi32>], vector<16xi32>,
        %sub3A_248 = arith.constant 1 : i32
        %sub3A_249 = vector.broadcast %sub3A_248 : i32 to vector<16xi32>
        %sub3A_250 = arith.subi %gather3A_247, %sub3A_249 : vector<16xi32>
        %mul3A_251 = arith.constant 16 : i32
        %mul3A_252 = arith.muli %scan3A_242, %mul3A_251 : i32
        %add3A_253 = arith.constant 0 : i32
        %add3A_254 = arith.addi %add3A_253, %mul3A_252 : i32
        %swap3A_255 = arith.index_cast %add3A_254 : i32 to index
        %swap3A_256 = tpu.vector_load %arg10[%swap3A_255] {strides = array<i32>} : memref<12288xi32, #tpu.memory_space<vmem>>, vector<16xi32>,
        tpu.vector_store %arg10[%swap3A_255], %sub3A_250 {strides = array<i32>} : memref<12288xi32, #tpu.memory_space<vmem>>, vector<16xi32>,
      }
      %scan3A_90 = arith.constant 128 : i32
      %scan3A_91 = arith.constant 0 : i32
      %scan3A_92 = arith.constant 128 : i32
      %scan3A_93 = arith.addi %scan3A_91, %scan3A_92 : i32
      %scan3A_94 = arith.constant 8 : i32
      scf.for %scan3A_132 = %scan3A_91 to %scan3A_93 step %scan3A_94  : i32 {
        %mul3A_133 = arith.constant 16 : i32
        %mul3A_134 = arith.muli %scan3A_132, %mul3A_133 : i32
        %add3A_135 = vector.broadcast %mul3A_134 : i32 to vector<16xi32>
        %add3A_136 = arith.addi %add3A_135, %iota3A : vector<16xi32>
        %gather3A = tpu.vector_load_idx %arg9[%add3A_136, %broadcast_in_dim3A_25] : memref<2048x8xi32, #tpu.memory_space<vmem>>[vector<16xi32>, vector<16xi32>], vector<16xi32>,
        %sub3A_137 = arith.constant 1 : i32
        %sub3A_138 = vector.broadcast %sub3A_137 : i32 to vector<16xi32>
        %sub3A_139 = arith.subi %gather3A, %sub3A_138 : vector<16xi32>
        %mul3A_140 = arith.constant 16 : i32
        %mul3A_141 = arith.muli %scan3A_132, %mul3A_140 : i32
        %add3A_142 = arith.constant 2048 : i32
        %add3A_143 = arith.addi %add3A_142, %mul3A_141 : i32
        %swap3A = arith.index_cast %add3A_143 : i32 to index
        %swap3A_144 = tpu.vector_load %arg10[%swap3A] {strides = array<i32>} : memref<12288xi32, #tpu.memory_space<vmem>>, vector<16xi32>,
        tpu.vector_store %arg10[%swap3A], %sub3A_139 {strides = array<i32>} : memref<12288xi32, #tpu.memory_space<vmem>>, vector<16xi32>,
        %scan3A_145 = arith.constant 1 : i32
        %scan3A_146 = arith.addi %scan3A_132, %scan3A_145 : i32
        %mul3A_147 = arith.constant 16 : i32
        %mul3A_148 = arith.muli %scan3A_146, %mul3A_147 : i32
        %add3A_149 = vector.broadcast %mul3A_148 : i32 to vector<16xi32>
        %add3A_150 = arith.addi %add3A_149, %iota3A : vector<16xi32>
        %gather3A_151 = tpu.vector_load_idx %arg9[%add3A_150, %broadcast_in_dim3A_25] : memref<2048x8xi32, #tpu.memory_space<vmem>>[vector<16xi32>, vector<16xi32>], vector<16xi32>,
        %sub3A_152 = arith.constant 1 : i32
        %sub3A_153 = vector.broadcast %sub3A_152 : i32 to vector<16xi32>
        %sub3A_154 = arith.subi %gather3A_151, %sub3A_153 : vector<16xi32>
        %mul3A_155 = arith.constant 16 : i32
        %mul3A_156 = arith.muli %scan3A_146, %mul3A_155 : i32
        %add3A_157 = arith.constant 2048 : i32
        %add3A_158 = arith.addi %add3A_157, %mul3A_156 : i32
        %swap3A_159 = arith.index_cast %add3A_158 : i32 to index
        %swap3A_160 = tpu.vector_load %arg10[%swap3A_159] {strides = array<i32>} : memref<12288xi32, #tpu.memory_space<vmem>>, vector<16xi32>,
        tpu.vector_store %arg10[%swap3A_159], %sub3A_154 {strides = array<i32>} : memref<12288xi32, #tpu.memory_space<vmem>>, vector<16xi32>,
        %scan3A_161 = arith.constant 2 : i32
        %scan3A_162 = arith.addi %scan3A_132, %scan3A_161 : i32
        %mul3A_163 = arith.constant 16 : i32
        %mul3A_164 = arith.muli %scan3A_162, %mul3A_163 : i32
        %add3A_165 = vector.broadcast %mul3A_164 : i32 to vector<16xi32>
        %add3A_166 = arith.addi %add3A_165, %iota3A : vector<16xi32>
        %gather3A_167 = tpu.vector_load_idx %arg9[%add3A_166, %broadcast_in_dim3A_25] : memref<2048x8xi32, #tpu.memory_space<vmem>>[vector<16xi32>, vector<16xi32>], vector<16xi32>,
        %sub3A_168 = arith.constant 1 : i32
        %sub3A_169 = vector.broadcast %sub3A_168 : i32 to vector<16xi32>
        %sub3A_170 = arith.subi %gather3A_167, %sub3A_169 : vector<16xi32>
        %mul3A_171 = arith.constant 16 : i32
        %mul3A_172 = arith.muli %scan3A_162, %mul3A_171 : i32
        %add3A_173 = arith.constant 2048 : i32
        %add3A_174 = arith.addi %add3A_173, %mul3A_172 : i32
        %swap3A_175 = arith.index_cast %add3A_174 : i32 to index
        %swap3A_176 = tpu.vector_load %arg10[%swap3A_175] {strides = array<i32>} : memref<12288xi32, #tpu.memory_space<vmem>>, vector<16xi32>,
        tpu.vector_store %arg10[%swap3A_175], %sub3A_170 {strides = array<i32>} : memref<12288xi32, #tpu.memory_space<vmem>>, vector<16xi32>,
        %scan3A_177 = arith.constant 3 : i32
        %scan3A_178 = arith.addi %scan3A_132, %scan3A_177 : i32
        %mul3A_179 = arith.constant 16 : i32
        %mul3A_180 = arith.muli %scan3A_178, %mul3A_179 : i32
        %add3A_181 = vector.broadcast %mul3A_180 : i32 to vector<16xi32>
        %add3A_182 = arith.addi %add3A_181, %iota3A : vector<16xi32>
        %gather3A_183 = tpu.vector_load_idx %arg9[%add3A_182, %broadcast_in_dim3A_25] : memref<2048x8xi32, #tpu.memory_space<vmem>>[vector<16xi32>, vector<16xi32>], vector<16xi32>,
        %sub3A_184 = arith.constant 1 : i32
        %sub3A_185 = vector.broadcast %sub3A_184 : i32 to vector<16xi32>
        %sub3A_186 = arith.subi %gather3A_183, %sub3A_185 : vector<16xi32>
        %mul3A_187 = arith.constant 16 : i32
        %mul3A_188 = arith.muli %scan3A_178, %mul3A_187 : i32
        %add3A_189 = arith.constant 2048 : i32
        %add3A_190 = arith.addi %add3A_189, %mul3A_188 : i32
        %swap3A_191 = arith.index_cast %add3A_190 : i32 to index
        %swap3A_192 = tpu.vector_load %arg10[%swap3A_191] {strides = array<i32>} : memref<12288xi32, #tpu.memory_space<vmem>>, vector<16xi32>,
        tpu.vector_store %arg10[%swap3A_191], %sub3A_186 {strides = array<i32>} : memref<12288xi32, #tpu.memory_space<vmem>>, vector<16xi32>,
        %scan3A_193 = arith.constant 4 : i32
        %scan3A_194 = arith.addi %scan3A_132, %scan3A_193 : i32
        %mul3A_195 = arith.constant 16 : i32
        %mul3A_196 = arith.muli %scan3A_194, %mul3A_195 : i32
        %add3A_197 = vector.broadcast %mul3A_196 : i32 to vector<16xi32>
        %add3A_198 = arith.addi %add3A_197, %iota3A : vector<16xi32>
        %gather3A_199 = tpu.vector_load_idx %arg9[%add3A_198, %broadcast_in_dim3A_25] : memref<2048x8xi32, #tpu.memory_space<vmem>>[vector<16xi32>, vector<16xi32>], vector<16xi32>,
        %sub3A_200 = arith.constant 1 : i32
        %sub3A_201 = vector.broadcast %sub3A_200 : i32 to vector<16xi32>
        %sub3A_202 = arith.subi %gather3A_199, %sub3A_201 : vector<16xi32>
        %mul3A_203 = arith.constant 16 : i32
        %mul3A_204 = arith.muli %scan3A_194, %mul3A_203 : i32
        %add3A_205 = arith.constant 2048 : i32
        %add3A_206 = arith.addi %add3A_205, %mul3A_204 : i32
        %swap3A_207 = arith.index_cast %add3A_206 : i32 to index
        %swap3A_208 = tpu.vector_load %arg10[%swap3A_207] {strides = array<i32>} : memref<12288xi32, #tpu.memory_space<vmem>>, vector<16xi32>,
        tpu.vector_store %arg10[%swap3A_207], %sub3A_202 {strides = array<i32>} : memref<12288xi32, #tpu.memory_space<vmem>>, vector<16xi32>,
        %scan3A_209 = arith.constant 5 : i32
        %scan3A_210 = arith.addi %scan3A_132, %scan3A_209 : i32
        %mul3A_211 = arith.constant 16 : i32
        %mul3A_212 = arith.muli %scan3A_210, %mul3A_211 : i32
        %add3A_213 = vector.broadcast %mul3A_212 : i32 to vector<16xi32>
        %add3A_214 = arith.addi %add3A_213, %iota3A : vector<16xi32>
        %gather3A_215 = tpu.vector_load_idx %arg9[%add3A_214, %broadcast_in_dim3A_25] : memref<2048x8xi32, #tpu.memory_space<vmem>>[vector<16xi32>, vector<16xi32>], vector<16xi32>,
        %sub3A_216 = arith.constant 1 : i32
        %sub3A_217 = vector.broadcast %sub3A_216 : i32 to vector<16xi32>
        %sub3A_218 = arith.subi %gather3A_215, %sub3A_217 : vector<16xi32>
        %mul3A_219 = arith.constant 16 : i32
        %mul3A_220 = arith.muli %scan3A_210, %mul3A_219 : i32
        %add3A_221 = arith.constant 2048 : i32
        %add3A_222 = arith.addi %add3A_221, %mul3A_220 : i32
        %swap3A_223 = arith.index_cast %add3A_222 : i32 to index
        %swap3A_224 = tpu.vector_load %arg10[%swap3A_223] {strides = array<i32>} : memref<12288xi32, #tpu.memory_space<vmem>>, vector<16xi32>,
        tpu.vector_store %arg10[%swap3A_223], %sub3A_218 {strides = array<i32>} : memref<12288xi32, #tpu.memory_space<vmem>>, vector<16xi32>,
        %scan3A_225 = arith.constant 6 : i32
        %scan3A_226 = arith.addi %scan3A_132, %scan3A_225 : i32
        %mul3A_227 = arith.constant 16 : i32
        %mul3A_228 = arith.muli %scan3A_226, %mul3A_227 : i32
        %add3A_229 = vector.broadcast %mul3A_228 : i32 to vector<16xi32>
        %add3A_230 = arith.addi %add3A_229, %iota3A : vector<16xi32>
        %gather3A_231 = tpu.vector_load_idx %arg9[%add3A_230, %broadcast_in_dim3A_25] : memref<2048x8xi32, #tpu.memory_space<vmem>>[vector<16xi32>, vector<16xi32>], vector<16xi32>,
        %sub3A_232 = arith.constant 1 : i32
        %sub3A_233 = vector.broadcast %sub3A_232 : i32 to vector<16xi32>
        %sub3A_234 = arith.subi %gather3A_231, %sub3A_233 : vector<16xi32>
        %mul3A_235 = arith.constant 16 : i32
        %mul3A_236 = arith.muli %scan3A_226, %mul3A_235 : i32
        %add3A_237 = arith.constant 2048 : i32
        %add3A_238 = arith.addi %add3A_237, %mul3A_236 : i32
        %swap3A_239 = arith.index_cast %add3A_238 : i32 to index
        %swap3A_240 = tpu.vector_load %arg10[%swap3A_239] {strides = array<i32>} : memref<12288xi32, #tpu.memory_space<vmem>>, vector<16xi32>,
        tpu.vector_store %arg10[%swap3A_239], %sub3A_234 {strides = array<i32>} : memref<12288xi32, #tpu.memory_space<vmem>>, vector<16xi32>,
        %scan3A_241 = arith.constant 7 : i32
        %scan3A_242 = arith.addi %scan3A_132, %scan3A_241 : i32
        %mul3A_243 = arith.constant 16 : i32
        %mul3A_244 = arith.muli %scan3A_242, %mul3A_243 : i32
        %add3A_245 = vector.broadcast %mul3A_244 : i32 to vector<16xi32>
        %add3A_246 = arith.addi %add3A_245, %iota3A : vector<16xi32>
        %gather3A_247 = tpu.vector_load_idx %arg9[%add3A_246, %broadcast_in_dim3A_25] : memref<2048x8xi32, #tpu.memory_space<vmem>>[vector<16xi32>, vector<16xi32>], vector<16xi32>,
        %sub3A_248 = arith.constant 1 : i32
        %sub3A_249 = vector.broadcast %sub3A_248 : i32 to vector<16xi32>
        %sub3A_250 = arith.subi %gather3A_247, %sub3A_249 : vector<16xi32>
        %mul3A_251 = arith.constant 16 : i32
        %mul3A_252 = arith.muli %scan3A_242, %mul3A_251 : i32
        %add3A_253 = arith.constant 2048 : i32
        %add3A_254 = arith.addi %add3A_253, %mul3A_252 : i32
        %swap3A_255 = arith.index_cast %add3A_254 : i32 to index
        %swap3A_256 = tpu.vector_load %arg10[%swap3A_255] {strides = array<i32>} : memref<12288xi32, #tpu.memory_space<vmem>>, vector<16xi32>,
        tpu.vector_store %arg10[%swap3A_255], %sub3A_250 {strides = array<i32>} : memref<12288xi32, #tpu.memory_space<vmem>>, vector<16xi32>,
      }
      %scan3A_95 = arith.constant 128 : i32
      %scan3A_96 = arith.constant 0 : i32
      %scan3A_97 = arith.constant 128 : i32
      %scan3A_98 = arith.addi %scan3A_96, %scan3A_97 : i32
      %scan3A_99 = arith.constant 8 : i32
      scf.for %scan3A_132 = %scan3A_96 to %scan3A_98 step %scan3A_99  : i32 {
        %mul3A_133 = arith.constant 16 : i32
        %mul3A_134 = arith.muli %scan3A_132, %mul3A_133 : i32
        %add3A_135 = vector.broadcast %mul3A_134 : i32 to vector<16xi32>
        %add3A_136 = arith.addi %add3A_135, %iota3A : vector<16xi32>
        %gather3A = tpu.vector_load_idx %arg9[%add3A_136, %broadcast_in_dim3A_27] : memref<2048x8xi32, #tpu.memory_space<vmem>>[vector<16xi32>, vector<16xi32>], vector<16xi32>,
        %sub3A_137 = arith.constant 1 : i32
        %sub3A_138 = vector.broadcast %sub3A_137 : i32 to vector<16xi32>
        %sub3A_139 = arith.subi %gather3A, %sub3A_138 : vector<16xi32>
        %mul3A_140 = arith.constant 16 : i32
        %mul3A_141 = arith.muli %scan3A_132, %mul3A_140 : i32
        %add3A_142 = arith.constant 4096 : i32
        %add3A_143 = arith.addi %add3A_142, %mul3A_141 : i32
        %swap3A = arith.index_cast %add3A_143 : i32 to index
        %swap3A_144 = tpu.vector_load %arg10[%swap3A] {strides = array<i32>} : memref<12288xi32, #tpu.memory_space<vmem>>, vector<16xi32>,
        tpu.vector_store %arg10[%swap3A], %sub3A_139 {strides = array<i32>} : memref<12288xi32, #tpu.memory_space<vmem>>, vector<16xi32>,
        %scan3A_145 = arith.constant 1 : i32
        %scan3A_146 = arith.addi %scan3A_132, %scan3A_145 : i32
        %mul3A_147 = arith.constant 16 : i32
        %mul3A_148 = arith.muli %scan3A_146, %mul3A_147 : i32
        %add3A_149 = vector.broadcast %mul3A_148 : i32 to vector<16xi32>
        %add3A_150 = arith.addi %add3A_149, %iota3A : vector<16xi32>
        %gather3A_151 = tpu.vector_load_idx %arg9[%add3A_150, %broadcast_in_dim3A_27] : memref<2048x8xi32, #tpu.memory_space<vmem>>[vector<16xi32>, vector<16xi32>], vector<16xi32>,
        %sub3A_152 = arith.constant 1 : i32
        %sub3A_153 = vector.broadcast %sub3A_152 : i32 to vector<16xi32>
        %sub3A_154 = arith.subi %gather3A_151, %sub3A_153 : vector<16xi32>
        %mul3A_155 = arith.constant 16 : i32
        %mul3A_156 = arith.muli %scan3A_146, %mul3A_155 : i32
        %add3A_157 = arith.constant 4096 : i32
        %add3A_158 = arith.addi %add3A_157, %mul3A_156 : i32
        %swap3A_159 = arith.index_cast %add3A_158 : i32 to index
        %swap3A_160 = tpu.vector_load %arg10[%swap3A_159] {strides = array<i32>} : memref<12288xi32, #tpu.memory_space<vmem>>, vector<16xi32>,
        tpu.vector_store %arg10[%swap3A_159], %sub3A_154 {strides = array<i32>} : memref<12288xi32, #tpu.memory_space<vmem>>, vector<16xi32>,
        %scan3A_161 = arith.constant 2 : i32
        %scan3A_162 = arith.addi %scan3A_132, %scan3A_161 : i32
        %mul3A_163 = arith.constant 16 : i32
        %mul3A_164 = arith.muli %scan3A_162, %mul3A_163 : i32
        %add3A_165 = vector.broadcast %mul3A_164 : i32 to vector<16xi32>
        %add3A_166 = arith.addi %add3A_165, %iota3A : vector<16xi32>
        %gather3A_167 = tpu.vector_load_idx %arg9[%add3A_166, %broadcast_in_dim3A_27] : memref<2048x8xi32, #tpu.memory_space<vmem>>[vector<16xi32>, vector<16xi32>], vector<16xi32>,
        %sub3A_168 = arith.constant 1 : i32
        %sub3A_169 = vector.broadcast %sub3A_168 : i32 to vector<16xi32>
        %sub3A_170 = arith.subi %gather3A_167, %sub3A_169 : vector<16xi32>
        %mul3A_171 = arith.constant 16 : i32
        %mul3A_172 = arith.muli %scan3A_162, %mul3A_171 : i32
        %add3A_173 = arith.constant 4096 : i32
        %add3A_174 = arith.addi %add3A_173, %mul3A_172 : i32
        %swap3A_175 = arith.index_cast %add3A_174 : i32 to index
        %swap3A_176 = tpu.vector_load %arg10[%swap3A_175] {strides = array<i32>} : memref<12288xi32, #tpu.memory_space<vmem>>, vector<16xi32>,
        tpu.vector_store %arg10[%swap3A_175], %sub3A_170 {strides = array<i32>} : memref<12288xi32, #tpu.memory_space<vmem>>, vector<16xi32>,
        %scan3A_177 = arith.constant 3 : i32
        %scan3A_178 = arith.addi %scan3A_132, %scan3A_177 : i32
        %mul3A_179 = arith.constant 16 : i32
        %mul3A_180 = arith.muli %scan3A_178, %mul3A_179 : i32
        %add3A_181 = vector.broadcast %mul3A_180 : i32 to vector<16xi32>
        %add3A_182 = arith.addi %add3A_181, %iota3A : vector<16xi32>
        %gather3A_183 = tpu.vector_load_idx %arg9[%add3A_182, %broadcast_in_dim3A_27] : memref<2048x8xi32, #tpu.memory_space<vmem>>[vector<16xi32>, vector<16xi32>], vector<16xi32>,
        %sub3A_184 = arith.constant 1 : i32
        %sub3A_185 = vector.broadcast %sub3A_184 : i32 to vector<16xi32>
        %sub3A_186 = arith.subi %gather3A_183, %sub3A_185 : vector<16xi32>
        %mul3A_187 = arith.constant 16 : i32
        %mul3A_188 = arith.muli %scan3A_178, %mul3A_187 : i32
        %add3A_189 = arith.constant 4096 : i32
        %add3A_190 = arith.addi %add3A_189, %mul3A_188 : i32
        %swap3A_191 = arith.index_cast %add3A_190 : i32 to index
        %swap3A_192 = tpu.vector_load %arg10[%swap3A_191] {strides = array<i32>} : memref<12288xi32, #tpu.memory_space<vmem>>, vector<16xi32>,
        tpu.vector_store %arg10[%swap3A_191], %sub3A_186 {strides = array<i32>} : memref<12288xi32, #tpu.memory_space<vmem>>, vector<16xi32>,
        %scan3A_193 = arith.constant 4 : i32
        %scan3A_194 = arith.addi %scan3A_132, %scan3A_193 : i32
        %mul3A_195 = arith.constant 16 : i32
        %mul3A_196 = arith.muli %scan3A_194, %mul3A_195 : i32
        %add3A_197 = vector.broadcast %mul3A_196 : i32 to vector<16xi32>
        %add3A_198 = arith.addi %add3A_197, %iota3A : vector<16xi32>
        %gather3A_199 = tpu.vector_load_idx %arg9[%add3A_198, %broadcast_in_dim3A_27] : memref<2048x8xi32, #tpu.memory_space<vmem>>[vector<16xi32>, vector<16xi32>], vector<16xi32>,
        %sub3A_200 = arith.constant 1 : i32
        %sub3A_201 = vector.broadcast %sub3A_200 : i32 to vector<16xi32>
        %sub3A_202 = arith.subi %gather3A_199, %sub3A_201 : vector<16xi32>
        %mul3A_203 = arith.constant 16 : i32
        %mul3A_204 = arith.muli %scan3A_194, %mul3A_203 : i32
        %add3A_205 = arith.constant 4096 : i32
        %add3A_206 = arith.addi %add3A_205, %mul3A_204 : i32
        %swap3A_207 = arith.index_cast %add3A_206 : i32 to index
        %swap3A_208 = tpu.vector_load %arg10[%swap3A_207] {strides = array<i32>} : memref<12288xi32, #tpu.memory_space<vmem>>, vector<16xi32>,
        tpu.vector_store %arg10[%swap3A_207], %sub3A_202 {strides = array<i32>} : memref<12288xi32, #tpu.memory_space<vmem>>, vector<16xi32>,
        %scan3A_209 = arith.constant 5 : i32
        %scan3A_210 = arith.addi %scan3A_132, %scan3A_209 : i32
        %mul3A_211 = arith.constant 16 : i32
        %mul3A_212 = arith.muli %scan3A_210, %mul3A_211 : i32
        %add3A_213 = vector.broadcast %mul3A_212 : i32 to vector<16xi32>
        %add3A_214 = arith.addi %add3A_213, %iota3A : vector<16xi32>
        %gather3A_215 = tpu.vector_load_idx %arg9[%add3A_214, %broadcast_in_dim3A_27] : memref<2048x8xi32, #tpu.memory_space<vmem>>[vector<16xi32>, vector<16xi32>], vector<16xi32>,
        %sub3A_216 = arith.constant 1 : i32
        %sub3A_217 = vector.broadcast %sub3A_216 : i32 to vector<16xi32>
        %sub3A_218 = arith.subi %gather3A_215, %sub3A_217 : vector<16xi32>
        %mul3A_219 = arith.constant 16 : i32
        %mul3A_220 = arith.muli %scan3A_210, %mul3A_219 : i32
        %add3A_221 = arith.constant 4096 : i32
        %add3A_222 = arith.addi %add3A_221, %mul3A_220 : i32
        %swap3A_223 = arith.index_cast %add3A_222 : i32 to index
        %swap3A_224 = tpu.vector_load %arg10[%swap3A_223] {strides = array<i32>} : memref<12288xi32, #tpu.memory_space<vmem>>, vector<16xi32>,
        tpu.vector_store %arg10[%swap3A_223], %sub3A_218 {strides = array<i32>} : memref<12288xi32, #tpu.memory_space<vmem>>, vector<16xi32>,
        %scan3A_225 = arith.constant 6 : i32
        %scan3A_226 = arith.addi %scan3A_132, %scan3A_225 : i32
        %mul3A_227 = arith.constant 16 : i32
        %mul3A_228 = arith.muli %scan3A_226, %mul3A_227 : i32
        %add3A_229 = vector.broadcast %mul3A_228 : i32 to vector<16xi32>
        %add3A_230 = arith.addi %add3A_229, %iota3A : vector<16xi32>
        %gather3A_231 = tpu.vector_load_idx %arg9[%add3A_230, %broadcast_in_dim3A_27] : memref<2048x8xi32, #tpu.memory_space<vmem>>[vector<16xi32>, vector<16xi32>], vector<16xi32>,
        %sub3A_232 = arith.constant 1 : i32
        %sub3A_233 = vector.broadcast %sub3A_232 : i32 to vector<16xi32>
        %sub3A_234 = arith.subi %gather3A_231, %sub3A_233 : vector<16xi32>
        %mul3A_235 = arith.constant 16 : i32
        %mul3A_236 = arith.muli %scan3A_226, %mul3A_235 : i32
        %add3A_237 = arith.constant 4096 : i32
        %add3A_238 = arith.addi %add3A_237, %mul3A_236 : i32
        %swap3A_239 = arith.index_cast %add3A_238 : i32 to index
        %swap3A_240 = tpu.vector_load %arg10[%swap3A_239] {strides = array<i32>} : memref<12288xi32, #tpu.memory_space<vmem>>, vector<16xi32>,
        tpu.vector_store %arg10[%swap3A_239], %sub3A_234 {strides = array<i32>} : memref<12288xi32, #tpu.memory_space<vmem>>, vector<16xi32>,
        %scan3A_241 = arith.constant 7 : i32
        %scan3A_242 = arith.addi %scan3A_132, %scan3A_241 : i32
        %mul3A_243 = arith.constant 16 : i32
        %mul3A_244 = arith.muli %scan3A_242, %mul3A_243 : i32
        %add3A_245 = vector.broadcast %mul3A_244 : i32 to vector<16xi32>
        %add3A_246 = arith.addi %add3A_245, %iota3A : vector<16xi32>
        %gather3A_247 = tpu.vector_load_idx %arg9[%add3A_246, %broadcast_in_dim3A_27] : memref<2048x8xi32, #tpu.memory_space<vmem>>[vector<16xi32>, vector<16xi32>], vector<16xi32>,
        %sub3A_248 = arith.constant 1 : i32
        %sub3A_249 = vector.broadcast %sub3A_248 : i32 to vector<16xi32>
        %sub3A_250 = arith.subi %gather3A_247, %sub3A_249 : vector<16xi32>
        %mul3A_251 = arith.constant 16 : i32
        %mul3A_252 = arith.muli %scan3A_242, %mul3A_251 : i32
        %add3A_253 = arith.constant 4096 : i32
        %add3A_254 = arith.addi %add3A_253, %mul3A_252 : i32
        %swap3A_255 = arith.index_cast %add3A_254 : i32 to index
        %swap3A_256 = tpu.vector_load %arg10[%swap3A_255] {strides = array<i32>} : memref<12288xi32, #tpu.memory_space<vmem>>, vector<16xi32>,
        tpu.vector_store %arg10[%swap3A_255], %sub3A_250 {strides = array<i32>} : memref<12288xi32, #tpu.memory_space<vmem>>, vector<16xi32>,
      }
      %scan3A_100 = arith.constant 128 : i32
      %scan3A_101 = arith.constant 0 : i32
      %scan3A_102 = arith.constant 128 : i32
      %scan3A_103 = arith.addi %scan3A_101, %scan3A_102 : i32
      %scan3A_104 = arith.constant 8 : i32
      scf.for %scan3A_132 = %scan3A_101 to %scan3A_103 step %scan3A_104  : i32 {
        %mul3A_133 = arith.constant 16 : i32
        %mul3A_134 = arith.muli %scan3A_132, %mul3A_133 : i32
        %add3A_135 = vector.broadcast %mul3A_134 : i32 to vector<16xi32>
        %add3A_136 = arith.addi %add3A_135, %iota3A : vector<16xi32>
        %gather3A = tpu.vector_load_idx %arg9[%add3A_136, %broadcast_in_dim3A_29] : memref<2048x8xi32, #tpu.memory_space<vmem>>[vector<16xi32>, vector<16xi32>], vector<16xi32>,
        %sub3A_137 = arith.constant 1 : i32
        %sub3A_138 = vector.broadcast %sub3A_137 : i32 to vector<16xi32>
        %sub3A_139 = arith.subi %gather3A, %sub3A_138 : vector<16xi32>
        %mul3A_140 = arith.constant 16 : i32
        %mul3A_141 = arith.muli %scan3A_132, %mul3A_140 : i32
        %add3A_142 = arith.constant 6144 : i32
        %add3A_143 = arith.addi %add3A_142, %mul3A_141 : i32
        %swap3A = arith.index_cast %add3A_143 : i32 to index
        %swap3A_144 = tpu.vector_load %arg10[%swap3A] {strides = array<i32>} : memref<12288xi32, #tpu.memory_space<vmem>>, vector<16xi32>,
        tpu.vector_store %arg10[%swap3A], %sub3A_139 {strides = array<i32>} : memref<12288xi32, #tpu.memory_space<vmem>>, vector<16xi32>,
        %scan3A_145 = arith.constant 1 : i32
        %scan3A_146 = arith.addi %scan3A_132, %scan3A_145 : i32
        %mul3A_147 = arith.constant 16 : i32
        %mul3A_148 = arith.muli %scan3A_146, %mul3A_147 : i32
        %add3A_149 = vector.broadcast %mul3A_148 : i32 to vector<16xi32>
        %add3A_150 = arith.addi %add3A_149, %iota3A : vector<16xi32>
        %gather3A_151 = tpu.vector_load_idx %arg9[%add3A_150, %broadcast_in_dim3A_29] : memref<2048x8xi32, #tpu.memory_space<vmem>>[vector<16xi32>, vector<16xi32>], vector<16xi32>,
        %sub3A_152 = arith.constant 1 : i32
        %sub3A_153 = vector.broadcast %sub3A_152 : i32 to vector<16xi32>
        %sub3A_154 = arith.subi %gather3A_151, %sub3A_153 : vector<16xi32>
        %mul3A_155 = arith.constant 16 : i32
        %mul3A_156 = arith.muli %scan3A_146, %mul3A_155 : i32
        %add3A_157 = arith.constant 6144 : i32
        %add3A_158 = arith.addi %add3A_157, %mul3A_156 : i32
        %swap3A_159 = arith.index_cast %add3A_158 : i32 to index
        %swap3A_160 = tpu.vector_load %arg10[%swap3A_159] {strides = array<i32>} : memref<12288xi32, #tpu.memory_space<vmem>>, vector<16xi32>,
        tpu.vector_store %arg10[%swap3A_159], %sub3A_154 {strides = array<i32>} : memref<12288xi32, #tpu.memory_space<vmem>>, vector<16xi32>,
        %scan3A_161 = arith.constant 2 : i32
        %scan3A_162 = arith.addi %scan3A_132, %scan3A_161 : i32
        %mul3A_163 = arith.constant 16 : i32
        %mul3A_164 = arith.muli %scan3A_162, %mul3A_163 : i32
        %add3A_165 = vector.broadcast %mul3A_164 : i32 to vector<16xi32>
        %add3A_166 = arith.addi %add3A_165, %iota3A : vector<16xi32>
        %gather3A_167 = tpu.vector_load_idx %arg9[%add3A_166, %broadcast_in_dim3A_29] : memref<2048x8xi32, #tpu.memory_space<vmem>>[vector<16xi32>, vector<16xi32>], vector<16xi32>,
        %sub3A_168 = arith.constant 1 : i32
        %sub3A_169 = vector.broadcast %sub3A_168 : i32 to vector<16xi32>
        %sub3A_170 = arith.subi %gather3A_167, %sub3A_169 : vector<16xi32>
        %mul3A_171 = arith.constant 16 : i32
        %mul3A_172 = arith.muli %scan3A_162, %mul3A_171 : i32
        %add3A_173 = arith.constant 6144 : i32
        %add3A_174 = arith.addi %add3A_173, %mul3A_172 : i32
        %swap3A_175 = arith.index_cast %add3A_174 : i32 to index
        %swap3A_176 = tpu.vector_load %arg10[%swap3A_175] {strides = array<i32>} : memref<12288xi32, #tpu.memory_space<vmem>>, vector<16xi32>,
        tpu.vector_store %arg10[%swap3A_175], %sub3A_170 {strides = array<i32>} : memref<12288xi32, #tpu.memory_space<vmem>>, vector<16xi32>,
        %scan3A_177 = arith.constant 3 : i32
        %scan3A_178 = arith.addi %scan3A_132, %scan3A_177 : i32
        %mul3A_179 = arith.constant 16 : i32
        %mul3A_180 = arith.muli %scan3A_178, %mul3A_179 : i32
        %add3A_181 = vector.broadcast %mul3A_180 : i32 to vector<16xi32>
        %add3A_182 = arith.addi %add3A_181, %iota3A : vector<16xi32>
        %gather3A_183 = tpu.vector_load_idx %arg9[%add3A_182, %broadcast_in_dim3A_29] : memref<2048x8xi32, #tpu.memory_space<vmem>>[vector<16xi32>, vector<16xi32>], vector<16xi32>,
        %sub3A_184 = arith.constant 1 : i32
        %sub3A_185 = vector.broadcast %sub3A_184 : i32 to vector<16xi32>
        %sub3A_186 = arith.subi %gather3A_183, %sub3A_185 : vector<16xi32>
        %mul3A_187 = arith.constant 16 : i32
        %mul3A_188 = arith.muli %scan3A_178, %mul3A_187 : i32
        %add3A_189 = arith.constant 6144 : i32
        %add3A_190 = arith.addi %add3A_189, %mul3A_188 : i32
        %swap3A_191 = arith.index_cast %add3A_190 : i32 to index
        %swap3A_192 = tpu.vector_load %arg10[%swap3A_191] {strides = array<i32>} : memref<12288xi32, #tpu.memory_space<vmem>>, vector<16xi32>,
        tpu.vector_store %arg10[%swap3A_191], %sub3A_186 {strides = array<i32>} : memref<12288xi32, #tpu.memory_space<vmem>>, vector<16xi32>,
        %scan3A_193 = arith.constant 4 : i32
        %scan3A_194 = arith.addi %scan3A_132, %scan3A_193 : i32
        %mul3A_195 = arith.constant 16 : i32
        %mul3A_196 = arith.muli %scan3A_194, %mul3A_195 : i32
        %add3A_197 = vector.broadcast %mul3A_196 : i32 to vector<16xi32>
        %add3A_198 = arith.addi %add3A_197, %iota3A : vector<16xi32>
        %gather3A_199 = tpu.vector_load_idx %arg9[%add3A_198, %broadcast_in_dim3A_29] : memref<2048x8xi32, #tpu.memory_space<vmem>>[vector<16xi32>, vector<16xi32>], vector<16xi32>,
        %sub3A_200 = arith.constant 1 : i32
        %sub3A_201 = vector.broadcast %sub3A_200 : i32 to vector<16xi32>
        %sub3A_202 = arith.subi %gather3A_199, %sub3A_201 : vector<16xi32>
        %mul3A_203 = arith.constant 16 : i32
        %mul3A_204 = arith.muli %scan3A_194, %mul3A_203 : i32
        %add3A_205 = arith.constant 6144 : i32
        %add3A_206 = arith.addi %add3A_205, %mul3A_204 : i32
        %swap3A_207 = arith.index_cast %add3A_206 : i32 to index
        %swap3A_208 = tpu.vector_load %arg10[%swap3A_207] {strides = array<i32>} : memref<12288xi32, #tpu.memory_space<vmem>>, vector<16xi32>,
        tpu.vector_store %arg10[%swap3A_207], %sub3A_202 {strides = array<i32>} : memref<12288xi32, #tpu.memory_space<vmem>>, vector<16xi32>,
        %scan3A_209 = arith.constant 5 : i32
        %scan3A_210 = arith.addi %scan3A_132, %scan3A_209 : i32
        %mul3A_211 = arith.constant 16 : i32
        %mul3A_212 = arith.muli %scan3A_210, %mul3A_211 : i32
        %add3A_213 = vector.broadcast %mul3A_212 : i32 to vector<16xi32>
        %add3A_214 = arith.addi %add3A_213, %iota3A : vector<16xi32>
        %gather3A_215 = tpu.vector_load_idx %arg9[%add3A_214, %broadcast_in_dim3A_29] : memref<2048x8xi32, #tpu.memory_space<vmem>>[vector<16xi32>, vector<16xi32>], vector<16xi32>,
        %sub3A_216 = arith.constant 1 : i32
        %sub3A_217 = vector.broadcast %sub3A_216 : i32 to vector<16xi32>
        %sub3A_218 = arith.subi %gather3A_215, %sub3A_217 : vector<16xi32>
        %mul3A_219 = arith.constant 16 : i32
        %mul3A_220 = arith.muli %scan3A_210, %mul3A_219 : i32
        %add3A_221 = arith.constant 6144 : i32
        %add3A_222 = arith.addi %add3A_221, %mul3A_220 : i32
        %swap3A_223 = arith.index_cast %add3A_222 : i32 to index
        %swap3A_224 = tpu.vector_load %arg10[%swap3A_223] {strides = array<i32>} : memref<12288xi32, #tpu.memory_space<vmem>>, vector<16xi32>,
        tpu.vector_store %arg10[%swap3A_223], %sub3A_218 {strides = array<i32>} : memref<12288xi32, #tpu.memory_space<vmem>>, vector<16xi32>,
        %scan3A_225 = arith.constant 6 : i32
        %scan3A_226 = arith.addi %scan3A_132, %scan3A_225 : i32
        %mul3A_227 = arith.constant 16 : i32
        %mul3A_228 = arith.muli %scan3A_226, %mul3A_227 : i32
        %add3A_229 = vector.broadcast %mul3A_228 : i32 to vector<16xi32>
        %add3A_230 = arith.addi %add3A_229, %iota3A : vector<16xi32>
        %gather3A_231 = tpu.vector_load_idx %arg9[%add3A_230, %broadcast_in_dim3A_29] : memref<2048x8xi32, #tpu.memory_space<vmem>>[vector<16xi32>, vector<16xi32>], vector<16xi32>,
        %sub3A_232 = arith.constant 1 : i32
        %sub3A_233 = vector.broadcast %sub3A_232 : i32 to vector<16xi32>
        %sub3A_234 = arith.subi %gather3A_231, %sub3A_233 : vector<16xi32>
        %mul3A_235 = arith.constant 16 : i32
        %mul3A_236 = arith.muli %scan3A_226, %mul3A_235 : i32
        %add3A_237 = arith.constant 6144 : i32
        %add3A_238 = arith.addi %add3A_237, %mul3A_236 : i32
        %swap3A_239 = arith.index_cast %add3A_238 : i32 to index
        %swap3A_240 = tpu.vector_load %arg10[%swap3A_239] {strides = array<i32>} : memref<12288xi32, #tpu.memory_space<vmem>>, vector<16xi32>,
        tpu.vector_store %arg10[%swap3A_239], %sub3A_234 {strides = array<i32>} : memref<12288xi32, #tpu.memory_space<vmem>>, vector<16xi32>,
        %scan3A_241 = arith.constant 7 : i32
        %scan3A_242 = arith.addi %scan3A_132, %scan3A_241 : i32
        %mul3A_243 = arith.constant 16 : i32
        %mul3A_244 = arith.muli %scan3A_242, %mul3A_243 : i32
        %add3A_245 = vector.broadcast %mul3A_244 : i32 to vector<16xi32>
        %add3A_246 = arith.addi %add3A_245, %iota3A : vector<16xi32>
        %gather3A_247 = tpu.vector_load_idx %arg9[%add3A_246, %broadcast_in_dim3A_29] : memref<2048x8xi32, #tpu.memory_space<vmem>>[vector<16xi32>, vector<16xi32>], vector<16xi32>,
        %sub3A_248 = arith.constant 1 : i32
        %sub3A_249 = vector.broadcast %sub3A_248 : i32 to vector<16xi32>
        %sub3A_250 = arith.subi %gather3A_247, %sub3A_249 : vector<16xi32>
        %mul3A_251 = arith.constant 16 : i32
        %mul3A_252 = arith.muli %scan3A_242, %mul3A_251 : i32
        %add3A_253 = arith.constant 6144 : i32
        %add3A_254 = arith.addi %add3A_253, %mul3A_252 : i32
        %swap3A_255 = arith.index_cast %add3A_254 : i32 to index
        %swap3A_256 = tpu.vector_load %arg10[%swap3A_255] {strides = array<i32>} : memref<12288xi32, #tpu.memory_space<vmem>>, vector<16xi32>,
        tpu.vector_store %arg10[%swap3A_255], %sub3A_250 {strides = array<i32>} : memref<12288xi32, #tpu.memory_space<vmem>>, vector<16xi32>,
      }
      %scan3A_105 = arith.constant 128 : i32
      %scan3A_106 = arith.constant 0 : i32
      %scan3A_107 = arith.constant 128 : i32
      %scan3A_108 = arith.addi %scan3A_106, %scan3A_107 : i32
      %scan3A_109 = arith.constant 8 : i32
      scf.for %scan3A_132 = %scan3A_106 to %scan3A_108 step %scan3A_109  : i32 {
        %mul3A_133 = arith.constant 16 : i32
        %mul3A_134 = arith.muli %scan3A_132, %mul3A_133 : i32
        %add3A_135 = vector.broadcast %mul3A_134 : i32 to vector<16xi32>
        %add3A_136 = arith.addi %add3A_135, %iota3A : vector<16xi32>
        %gather3A = tpu.vector_load_idx %arg9[%add3A_136, %broadcast_in_dim3A_31] : memref<2048x8xi32, #tpu.memory_space<vmem>>[vector<16xi32>, vector<16xi32>], vector<16xi32>,
        %sub3A_137 = arith.constant 1 : i32
        %sub3A_138 = vector.broadcast %sub3A_137 : i32 to vector<16xi32>
        %sub3A_139 = arith.subi %gather3A, %sub3A_138 : vector<16xi32>
        %mul3A_140 = arith.constant 16 : i32
        %mul3A_141 = arith.muli %scan3A_132, %mul3A_140 : i32
        %add3A_142 = arith.constant 8192 : i32
        %add3A_143 = arith.addi %add3A_142, %mul3A_141 : i32
        %swap3A = arith.index_cast %add3A_143 : i32 to index
        %swap3A_144 = tpu.vector_load %arg10[%swap3A] {strides = array<i32>} : memref<12288xi32, #tpu.memory_space<vmem>>, vector<16xi32>,
        tpu.vector_store %arg10[%swap3A], %sub3A_139 {strides = array<i32>} : memref<12288xi32, #tpu.memory_space<vmem>>, vector<16xi32>,
        %scan3A_145 = arith.constant 1 : i32
        %scan3A_146 = arith.addi %scan3A_132, %scan3A_145 : i32
        %mul3A_147 = arith.constant 16 : i32
        %mul3A_148 = arith.muli %scan3A_146, %mul3A_147 : i32
        %add3A_149 = vector.broadcast %mul3A_148 : i32 to vector<16xi32>
        %add3A_150 = arith.addi %add3A_149, %iota3A : vector<16xi32>
        %gather3A_151 = tpu.vector_load_idx %arg9[%add3A_150, %broadcast_in_dim3A_31] : memref<2048x8xi32, #tpu.memory_space<vmem>>[vector<16xi32>, vector<16xi32>], vector<16xi32>,
        %sub3A_152 = arith.constant 1 : i32
        %sub3A_153 = vector.broadcast %sub3A_152 : i32 to vector<16xi32>
        %sub3A_154 = arith.subi %gather3A_151, %sub3A_153 : vector<16xi32>
        %mul3A_155 = arith.constant 16 : i32
        %mul3A_156 = arith.muli %scan3A_146, %mul3A_155 : i32
        %add3A_157 = arith.constant 8192 : i32
        %add3A_158 = arith.addi %add3A_157, %mul3A_156 : i32
        %swap3A_159 = arith.index_cast %add3A_158 : i32 to index
        %swap3A_160 = tpu.vector_load %arg10[%swap3A_159] {strides = array<i32>} : memref<12288xi32, #tpu.memory_space<vmem>>, vector<16xi32>,
        tpu.vector_store %arg10[%swap3A_159], %sub3A_154 {strides = array<i32>} : memref<12288xi32, #tpu.memory_space<vmem>>, vector<16xi32>,
        %scan3A_161 = arith.constant 2 : i32
        %scan3A_162 = arith.addi %scan3A_132, %scan3A_161 : i32
        %mul3A_163 = arith.constant 16 : i32
        %mul3A_164 = arith.muli %scan3A_162, %mul3A_163 : i32
        %add3A_165 = vector.broadcast %mul3A_164 : i32 to vector<16xi32>
        %add3A_166 = arith.addi %add3A_165, %iota3A : vector<16xi32>
        %gather3A_167 = tpu.vector_load_idx %arg9[%add3A_166, %broadcast_in_dim3A_31] : memref<2048x8xi32, #tpu.memory_space<vmem>>[vector<16xi32>, vector<16xi32>], vector<16xi32>,
        %sub3A_168 = arith.constant 1 : i32
        %sub3A_169 = vector.broadcast %sub3A_168 : i32 to vector<16xi32>
        %sub3A_170 = arith.subi %gather3A_167, %sub3A_169 : vector<16xi32>
        %mul3A_171 = arith.constant 16 : i32
        %mul3A_172 = arith.muli %scan3A_162, %mul3A_171 : i32
        %add3A_173 = arith.constant 8192 : i32
        %add3A_174 = arith.addi %add3A_173, %mul3A_172 : i32
        %swap3A_175 = arith.index_cast %add3A_174 : i32 to index
        %swap3A_176 = tpu.vector_load %arg10[%swap3A_175] {strides = array<i32>} : memref<12288xi32, #tpu.memory_space<vmem>>, vector<16xi32>,
        tpu.vector_store %arg10[%swap3A_175], %sub3A_170 {strides = array<i32>} : memref<12288xi32, #tpu.memory_space<vmem>>, vector<16xi32>,
        %scan3A_177 = arith.constant 3 : i32
        %scan3A_178 = arith.addi %scan3A_132, %scan3A_177 : i32
        %mul3A_179 = arith.constant 16 : i32
        %mul3A_180 = arith.muli %scan3A_178, %mul3A_179 : i32
        %add3A_181 = vector.broadcast %mul3A_180 : i32 to vector<16xi32>
        %add3A_182 = arith.addi %add3A_181, %iota3A : vector<16xi32>
        %gather3A_183 = tpu.vector_load_idx %arg9[%add3A_182, %broadcast_in_dim3A_31] : memref<2048x8xi32, #tpu.memory_space<vmem>>[vector<16xi32>, vector<16xi32>], vector<16xi32>,
        %sub3A_184 = arith.constant 1 : i32
        %sub3A_185 = vector.broadcast %sub3A_184 : i32 to vector<16xi32>
        %sub3A_186 = arith.subi %gather3A_183, %sub3A_185 : vector<16xi32>
        %mul3A_187 = arith.constant 16 : i32
        %mul3A_188 = arith.muli %scan3A_178, %mul3A_187 : i32
        %add3A_189 = arith.constant 8192 : i32
        %add3A_190 = arith.addi %add3A_189, %mul3A_188 : i32
        %swap3A_191 = arith.index_cast %add3A_190 : i32 to index
        %swap3A_192 = tpu.vector_load %arg10[%swap3A_191] {strides = array<i32>} : memref<12288xi32, #tpu.memory_space<vmem>>, vector<16xi32>,
        tpu.vector_store %arg10[%swap3A_191], %sub3A_186 {strides = array<i32>} : memref<12288xi32, #tpu.memory_space<vmem>>, vector<16xi32>,
        %scan3A_193 = arith.constant 4 : i32
        %scan3A_194 = arith.addi %scan3A_132, %scan3A_193 : i32
        %mul3A_195 = arith.constant 16 : i32
        %mul3A_196 = arith.muli %scan3A_194, %mul3A_195 : i32
        %add3A_197 = vector.broadcast %mul3A_196 : i32 to vector<16xi32>
        %add3A_198 = arith.addi %add3A_197, %iota3A : vector<16xi32>
        %gather3A_199 = tpu.vector_load_idx %arg9[%add3A_198, %broadcast_in_dim3A_31] : memref<2048x8xi32, #tpu.memory_space<vmem>>[vector<16xi32>, vector<16xi32>], vector<16xi32>,
        %sub3A_200 = arith.constant 1 : i32
        %sub3A_201 = vector.broadcast %sub3A_200 : i32 to vector<16xi32>
        %sub3A_202 = arith.subi %gather3A_199, %sub3A_201 : vector<16xi32>
        %mul3A_203 = arith.constant 16 : i32
        %mul3A_204 = arith.muli %scan3A_194, %mul3A_203 : i32
        %add3A_205 = arith.constant 8192 : i32
        %add3A_206 = arith.addi %add3A_205, %mul3A_204 : i32
        %swap3A_207 = arith.index_cast %add3A_206 : i32 to index
        %swap3A_208 = tpu.vector_load %arg10[%swap3A_207] {strides = array<i32>} : memref<12288xi32, #tpu.memory_space<vmem>>, vector<16xi32>,
        tpu.vector_store %arg10[%swap3A_207], %sub3A_202 {strides = array<i32>} : memref<12288xi32, #tpu.memory_space<vmem>>, vector<16xi32>,
        %scan3A_209 = arith.constant 5 : i32
        %scan3A_210 = arith.addi %scan3A_132, %scan3A_209 : i32
        %mul3A_211 = arith.constant 16 : i32
        %mul3A_212 = arith.muli %scan3A_210, %mul3A_211 : i32
        %add3A_213 = vector.broadcast %mul3A_212 : i32 to vector<16xi32>
        %add3A_214 = arith.addi %add3A_213, %iota3A : vector<16xi32>
        %gather3A_215 = tpu.vector_load_idx %arg9[%add3A_214, %broadcast_in_dim3A_31] : memref<2048x8xi32, #tpu.memory_space<vmem>>[vector<16xi32>, vector<16xi32>], vector<16xi32>,
        %sub3A_216 = arith.constant 1 : i32
        %sub3A_217 = vector.broadcast %sub3A_216 : i32 to vector<16xi32>
        %sub3A_218 = arith.subi %gather3A_215, %sub3A_217 : vector<16xi32>
        %mul3A_219 = arith.constant 16 : i32
        %mul3A_220 = arith.muli %scan3A_210, %mul3A_219 : i32
        %add3A_221 = arith.constant 8192 : i32
        %add3A_222 = arith.addi %add3A_221, %mul3A_220 : i32
        %swap3A_223 = arith.index_cast %add3A_222 : i32 to index
        %swap3A_224 = tpu.vector_load %arg10[%swap3A_223] {strides = array<i32>} : memref<12288xi32, #tpu.memory_space<vmem>>, vector<16xi32>,
        tpu.vector_store %arg10[%swap3A_223], %sub3A_218 {strides = array<i32>} : memref<12288xi32, #tpu.memory_space<vmem>>, vector<16xi32>,
        %scan3A_225 = arith.constant 6 : i32
        %scan3A_226 = arith.addi %scan3A_132, %scan3A_225 : i32
        %mul3A_227 = arith.constant 16 : i32
        %mul3A_228 = arith.muli %scan3A_226, %mul3A_227 : i32
        %add3A_229 = vector.broadcast %mul3A_228 : i32 to vector<16xi32>
        %add3A_230 = arith.addi %add3A_229, %iota3A : vector<16xi32>
        %gather3A_231 = tpu.vector_load_idx %arg9[%add3A_230, %broadcast_in_dim3A_31] : memref<2048x8xi32, #tpu.memory_space<vmem>>[vector<16xi32>, vector<16xi32>], vector<16xi32>,
        %sub3A_232 = arith.constant 1 : i32
        %sub3A_233 = vector.broadcast %sub3A_232 : i32 to vector<16xi32>
        %sub3A_234 = arith.subi %gather3A_231, %sub3A_233 : vector<16xi32>
        %mul3A_235 = arith.constant 16 : i32
        %mul3A_236 = arith.muli %scan3A_226, %mul3A_235 : i32
        %add3A_237 = arith.constant 8192 : i32
        %add3A_238 = arith.addi %add3A_237, %mul3A_236 : i32
        %swap3A_239 = arith.index_cast %add3A_238 : i32 to index
        %swap3A_240 = tpu.vector_load %arg10[%swap3A_239] {strides = array<i32>} : memref<12288xi32, #tpu.memory_space<vmem>>, vector<16xi32>,
        tpu.vector_store %arg10[%swap3A_239], %sub3A_234 {strides = array<i32>} : memref<12288xi32, #tpu.memory_space<vmem>>, vector<16xi32>,
        %scan3A_241 = arith.constant 7 : i32
        %scan3A_242 = arith.addi %scan3A_132, %scan3A_241 : i32
        %mul3A_243 = arith.constant 16 : i32
        %mul3A_244 = arith.muli %scan3A_242, %mul3A_243 : i32
        %add3A_245 = vector.broadcast %mul3A_244 : i32 to vector<16xi32>
        %add3A_246 = arith.addi %add3A_245, %iota3A : vector<16xi32>
        %gather3A_247 = tpu.vector_load_idx %arg9[%add3A_246, %broadcast_in_dim3A_31] : memref<2048x8xi32, #tpu.memory_space<vmem>>[vector<16xi32>, vector<16xi32>], vector<16xi32>,
        %sub3A_248 = arith.constant 1 : i32
        %sub3A_249 = vector.broadcast %sub3A_248 : i32 to vector<16xi32>
        %sub3A_250 = arith.subi %gather3A_247, %sub3A_249 : vector<16xi32>
        %mul3A_251 = arith.constant 16 : i32
        %mul3A_252 = arith.muli %scan3A_242, %mul3A_251 : i32
        %add3A_253 = arith.constant 8192 : i32
        %add3A_254 = arith.addi %add3A_253, %mul3A_252 : i32
        %swap3A_255 = arith.index_cast %add3A_254 : i32 to index
        %swap3A_256 = tpu.vector_load %arg10[%swap3A_255] {strides = array<i32>} : memref<12288xi32, #tpu.memory_space<vmem>>, vector<16xi32>,
        tpu.vector_store %arg10[%swap3A_255], %sub3A_250 {strides = array<i32>} : memref<12288xi32, #tpu.memory_space<vmem>>, vector<16xi32>,
      }
      %scan3A_110 = arith.constant 128 : i32
      %scan3A_111 = arith.constant 0 : i32
      %scan3A_112 = arith.constant 128 : i32
      %scan3A_113 = arith.addi %scan3A_111, %scan3A_112 : i32
      %scan3A_114 = arith.constant 8 : i32
      scf.for %scan3A_132 = %scan3A_111 to %scan3A_113 step %scan3A_114  : i32 {
        %mul3A_133 = arith.constant 16 : i32
        %mul3A_134 = arith.muli %scan3A_132, %mul3A_133 : i32
        %add3A_135 = vector.broadcast %mul3A_134 : i32 to vector<16xi32>
        %add3A_136 = arith.addi %add3A_135, %iota3A : vector<16xi32>
        %gather3A = tpu.vector_load_idx %arg9[%add3A_136, %broadcast_in_dim3A_33] : memref<2048x8xi32, #tpu.memory_space<vmem>>[vector<16xi32>, vector<16xi32>], vector<16xi32>,
        %sub3A_137 = arith.constant 1 : i32
        %sub3A_138 = vector.broadcast %sub3A_137 : i32 to vector<16xi32>
        %sub3A_139 = arith.subi %gather3A, %sub3A_138 : vector<16xi32>
        %mul3A_140 = arith.constant 16 : i32
        %mul3A_141 = arith.muli %scan3A_132, %mul3A_140 : i32
        %add3A_142 = arith.constant 10240 : i32
        %add3A_143 = arith.addi %add3A_142, %mul3A_141 : i32
        %swap3A = arith.index_cast %add3A_143 : i32 to index
        %swap3A_144 = tpu.vector_load %arg10[%swap3A] {strides = array<i32>} : memref<12288xi32, #tpu.memory_space<vmem>>, vector<16xi32>,
        tpu.vector_store %arg10[%swap3A], %sub3A_139 {strides = array<i32>} : memref<12288xi32, #tpu.memory_space<vmem>>, vector<16xi32>,
        %scan3A_145 = arith.constant 1 : i32
        %scan3A_146 = arith.addi %scan3A_132, %scan3A_145 : i32
        %mul3A_147 = arith.constant 16 : i32
        %mul3A_148 = arith.muli %scan3A_146, %mul3A_147 : i32
        %add3A_149 = vector.broadcast %mul3A_148 : i32 to vector<16xi32>
        %add3A_150 = arith.addi %add3A_149, %iota3A : vector<16xi32>
        %gather3A_151 = tpu.vector_load_idx %arg9[%add3A_150, %broadcast_in_dim3A_33] : memref<2048x8xi32, #tpu.memory_space<vmem>>[vector<16xi32>, vector<16xi32>], vector<16xi32>,
        %sub3A_152 = arith.constant 1 : i32
        %sub3A_153 = vector.broadcast %sub3A_152 : i32 to vector<16xi32>
        %sub3A_154 = arith.subi %gather3A_151, %sub3A_153 : vector<16xi32>
        %mul3A_155 = arith.constant 16 : i32
        %mul3A_156 = arith.muli %scan3A_146, %mul3A_155 : i32
        %add3A_157 = arith.constant 10240 : i32
        %add3A_158 = arith.addi %add3A_157, %mul3A_156 : i32
        %swap3A_159 = arith.index_cast %add3A_158 : i32 to index
        %swap3A_160 = tpu.vector_load %arg10[%swap3A_159] {strides = array<i32>} : memref<12288xi32, #tpu.memory_space<vmem>>, vector<16xi32>,
        tpu.vector_store %arg10[%swap3A_159], %sub3A_154 {strides = array<i32>} : memref<12288xi32, #tpu.memory_space<vmem>>, vector<16xi32>,
        %scan3A_161 = arith.constant 2 : i32
        %scan3A_162 = arith.addi %scan3A_132, %scan3A_161 : i32
        %mul3A_163 = arith.constant 16 : i32
        %mul3A_164 = arith.muli %scan3A_162, %mul3A_163 : i32
        %add3A_165 = vector.broadcast %mul3A_164 : i32 to vector<16xi32>
        %add3A_166 = arith.addi %add3A_165, %iota3A : vector<16xi32>
        %gather3A_167 = tpu.vector_load_idx %arg9[%add3A_166, %broadcast_in_dim3A_33] : memref<2048x8xi32, #tpu.memory_space<vmem>>[vector<16xi32>, vector<16xi32>], vector<16xi32>,
        %sub3A_168 = arith.constant 1 : i32
        %sub3A_169 = vector.broadcast %sub3A_168 : i32 to vector<16xi32>
        %sub3A_170 = arith.subi %gather3A_167, %sub3A_169 : vector<16xi32>
        %mul3A_171 = arith.constant 16 : i32
        %mul3A_172 = arith.muli %scan3A_162, %mul3A_171 : i32
        %add3A_173 = arith.constant 10240 : i32
        %add3A_174 = arith.addi %add3A_173, %mul3A_172 : i32
        %swap3A_175 = arith.index_cast %add3A_174 : i32 to index
        %swap3A_176 = tpu.vector_load %arg10[%swap3A_175] {strides = array<i32>} : memref<12288xi32, #tpu.memory_space<vmem>>, vector<16xi32>,
        tpu.vector_store %arg10[%swap3A_175], %sub3A_170 {strides = array<i32>} : memref<12288xi32, #tpu.memory_space<vmem>>, vector<16xi32>,
        %scan3A_177 = arith.constant 3 : i32
        %scan3A_178 = arith.addi %scan3A_132, %scan3A_177 : i32
        %mul3A_179 = arith.constant 16 : i32
        %mul3A_180 = arith.muli %scan3A_178, %mul3A_179 : i32
        %add3A_181 = vector.broadcast %mul3A_180 : i32 to vector<16xi32>
        %add3A_182 = arith.addi %add3A_181, %iota3A : vector<16xi32>
        %gather3A_183 = tpu.vector_load_idx %arg9[%add3A_182, %broadcast_in_dim3A_33] : memref<2048x8xi32, #tpu.memory_space<vmem>>[vector<16xi32>, vector<16xi32>], vector<16xi32>,
        %sub3A_184 = arith.constant 1 : i32
        %sub3A_185 = vector.broadcast %sub3A_184 : i32 to vector<16xi32>
        %sub3A_186 = arith.subi %gather3A_183, %sub3A_185 : vector<16xi32>
        %mul3A_187 = arith.constant 16 : i32
        %mul3A_188 = arith.muli %scan3A_178, %mul3A_187 : i32
        %add3A_189 = arith.constant 10240 : i32
        %add3A_190 = arith.addi %add3A_189, %mul3A_188 : i32
        %swap3A_191 = arith.index_cast %add3A_190 : i32 to index
        %swap3A_192 = tpu.vector_load %arg10[%swap3A_191] {strides = array<i32>} : memref<12288xi32, #tpu.memory_space<vmem>>, vector<16xi32>,
        tpu.vector_store %arg10[%swap3A_191], %sub3A_186 {strides = array<i32>} : memref<12288xi32, #tpu.memory_space<vmem>>, vector<16xi32>,
        %scan3A_193 = arith.constant 4 : i32
        %scan3A_194 = arith.addi %scan3A_132, %scan3A_193 : i32
        %mul3A_195 = arith.constant 16 : i32
        %mul3A_196 = arith.muli %scan3A_194, %mul3A_195 : i32
        %add3A_197 = vector.broadcast %mul3A_196 : i32 to vector<16xi32>
        %add3A_198 = arith.addi %add3A_197, %iota3A : vector<16xi32>
        %gather3A_199 = tpu.vector_load_idx %arg9[%add3A_198, %broadcast_in_dim3A_33] : memref<2048x8xi32, #tpu.memory_space<vmem>>[vector<16xi32>, vector<16xi32>], vector<16xi32>,
        %sub3A_200 = arith.constant 1 : i32
        %sub3A_201 = vector.broadcast %sub3A_200 : i32 to vector<16xi32>
        %sub3A_202 = arith.subi %gather3A_199, %sub3A_201 : vector<16xi32>
        %mul3A_203 = arith.constant 16 : i32
        %mul3A_204 = arith.muli %scan3A_194, %mul3A_203 : i32
        %add3A_205 = arith.constant 10240 : i32
        %add3A_206 = arith.addi %add3A_205, %mul3A_204 : i32
        %swap3A_207 = arith.index_cast %add3A_206 : i32 to index
        %swap3A_208 = tpu.vector_load %arg10[%swap3A_207] {strides = array<i32>} : memref<12288xi32, #tpu.memory_space<vmem>>, vector<16xi32>,
        tpu.vector_store %arg10[%swap3A_207], %sub3A_202 {strides = array<i32>} : memref<12288xi32, #tpu.memory_space<vmem>>, vector<16xi32>,
        %scan3A_209 = arith.constant 5 : i32
        %scan3A_210 = arith.addi %scan3A_132, %scan3A_209 : i32
        %mul3A_211 = arith.constant 16 : i32
        %mul3A_212 = arith.muli %scan3A_210, %mul3A_211 : i32
        %add3A_213 = vector.broadcast %mul3A_212 : i32 to vector<16xi32>
        %add3A_214 = arith.addi %add3A_213, %iota3A : vector<16xi32>
        %gather3A_215 = tpu.vector_load_idx %arg9[%add3A_214, %broadcast_in_dim3A_33] : memref<2048x8xi32, #tpu.memory_space<vmem>>[vector<16xi32>, vector<16xi32>], vector<16xi32>,
        %sub3A_216 = arith.constant 1 : i32
        %sub3A_217 = vector.broadcast %sub3A_216 : i32 to vector<16xi32>
        %sub3A_218 = arith.subi %gather3A_215, %sub3A_217 : vector<16xi32>
        %mul3A_219 = arith.constant 16 : i32
        %mul3A_220 = arith.muli %scan3A_210, %mul3A_219 : i32
        %add3A_221 = arith.constant 10240 : i32
        %add3A_222 = arith.addi %add3A_221, %mul3A_220 : i32
        %swap3A_223 = arith.index_cast %add3A_222 : i32 to index
        %swap3A_224 = tpu.vector_load %arg10[%swap3A_223] {strides = array<i32>} : memref<12288xi32, #tpu.memory_space<vmem>>, vector<16xi32>,
        tpu.vector_store %arg10[%swap3A_223], %sub3A_218 {strides = array<i32>} : memref<12288xi32, #tpu.memory_space<vmem>>, vector<16xi32>,
        %scan3A_225 = arith.constant 6 : i32
        %scan3A_226 = arith.addi %scan3A_132, %scan3A_225 : i32
        %mul3A_227 = arith.constant 16 : i32
        %mul3A_228 = arith.muli %scan3A_226, %mul3A_227 : i32
        %add3A_229 = vector.broadcast %mul3A_228 : i32 to vector<16xi32>
        %add3A_230 = arith.addi %add3A_229, %iota3A : vector<16xi32>
        %gather3A_231 = tpu.vector_load_idx %arg9[%add3A_230, %broadcast_in_dim3A_33] : memref<2048x8xi32, #tpu.memory_space<vmem>>[vector<16xi32>, vector<16xi32>], vector<16xi32>,
        %sub3A_232 = arith.constant 1 : i32
        %sub3A_233 = vector.broadcast %sub3A_232 : i32 to vector<16xi32>
        %sub3A_234 = arith.subi %gather3A_231, %sub3A_233 : vector<16xi32>
        %mul3A_235 = arith.constant 16 : i32
        %mul3A_236 = arith.muli %scan3A_226, %mul3A_235 : i32
        %add3A_237 = arith.constant 10240 : i32
        %add3A_238 = arith.addi %add3A_237, %mul3A_236 : i32
        %swap3A_239 = arith.index_cast %add3A_238 : i32 to index
        %swap3A_240 = tpu.vector_load %arg10[%swap3A_239] {strides = array<i32>} : memref<12288xi32, #tpu.memory_space<vmem>>, vector<16xi32>,
        tpu.vector_store %arg10[%swap3A_239], %sub3A_234 {strides = array<i32>} : memref<12288xi32, #tpu.memory_space<vmem>>, vector<16xi32>,
        %scan3A_241 = arith.constant 7 : i32
        %scan3A_242 = arith.addi %scan3A_132, %scan3A_241 : i32
        %mul3A_243 = arith.constant 16 : i32
        %mul3A_244 = arith.muli %scan3A_242, %mul3A_243 : i32
        %add3A_245 = vector.broadcast %mul3A_244 : i32 to vector<16xi32>
        %add3A_246 = arith.addi %add3A_245, %iota3A : vector<16xi32>
        %gather3A_247 = tpu.vector_load_idx %arg9[%add3A_246, %broadcast_in_dim3A_33] : memref<2048x8xi32, #tpu.memory_space<vmem>>[vector<16xi32>, vector<16xi32>], vector<16xi32>,
        %sub3A_248 = arith.constant 1 : i32
        %sub3A_249 = vector.broadcast %sub3A_248 : i32 to vector<16xi32>
        %sub3A_250 = arith.subi %gather3A_247, %sub3A_249 : vector<16xi32>
        %mul3A_251 = arith.constant 16 : i32
        %mul3A_252 = arith.muli %scan3A_242, %mul3A_251 : i32
        %add3A_253 = arith.constant 10240 : i32
        %add3A_254 = arith.addi %add3A_253, %mul3A_252 : i32
        %swap3A_255 = arith.index_cast %add3A_254 : i32 to index
        %swap3A_256 = tpu.vector_load %arg10[%swap3A_255] {strides = array<i32>} : memref<12288xi32, #tpu.memory_space<vmem>>, vector<16xi32>,
        tpu.vector_store %arg10[%swap3A_255], %sub3A_250 {strides = array<i32>} : memref<12288xi32, #tpu.memory_space<vmem>>, vector<16xi32>,
      }
      %scan3A_115 = arith.constant 128 : i32
      %dma_start3A_116 = arith.constant 0 : i32
      %dma_start3A_117 = tpu.memref_slice %arg7[%dma_start3A_116] : memref<1000000xf32, #tpu.memory_space<vmem_shared>> -> memref<1000000xf32, #tpu.memory_space<vmem_shared>>
      tpu.enqueue_indirect_dma source(%dma_start3A_117 : memref<1000000xf32, #tpu.memory_space<vmem_shared>>) target(%arg11 : memref<12288xf32, #tpu.memory_space<vmem>>) offsets(%arg10 : memref<12288xi32, #tpu.memory_space<vmem>>) semaphore(%arg15 : memref<!tpu.dma_semaphore, #tpu.memory_space<semaphore_mem>>)
      %dma_wait3A_118 = arith.constant 0 : i32
      %dma_wait3A_119 = tpu.memref_slice %arg7[%dma_wait3A_118] : memref<1000000xf32, #tpu.memory_space<vmem_shared>> -> memref<1000000xf32, #tpu.memory_space<vmem_shared>>
      tpu.wait_indirect_dma semaphore(%arg15 : memref<!tpu.dma_semaphore, #tpu.memory_space<semaphore_mem>>) src(%dma_wait3A_119 : memref<1000000xf32, #tpu.memory_space<vmem_shared>>) dst(%arg11 : memref<12288xf32, #tpu.memory_space<vmem>>)
      %dma_wait3A_120 = arith.constant 0 : i32
      %dma_wait3A_121 = tpu.memref_slice %arg3[%min3A_77, %dma_wait3A_120] : memref<2000000x6xf32, #tpu.memory_space<hbm>> -> memref<2048x6xf32, #tpu.memory_space<hbm>>
      %dma_wait3A_122 = arith.constant 0 : i32
      %dma_wait3A_123 = tpu.memref_slice %arg3[%min3A_77, %dma_wait3A_122] : memref<2000000x6xf32, #tpu.memory_space<hbm>> -> memref<2048x6xf32, #tpu.memory_space<hbm>>
      tpu.wait_dma2 semaphore(%arg16 : memref<!tpu.dma_semaphore, #tpu.memory_space<semaphore_mem>>) src(%dma_wait3A_123 : memref<2048x6xf32, #tpu.memory_space<hbm>>) dst(%arg12 : memref<2048x6xf32, #tpu.memory_space<vmem>>)
      %scan3A_124 = arith.constant 0 : i32
      %scan3A_125 = arith.constant 128 : i32
      %scan3A_126 = arith.addi %scan3A_124, %scan3A_125 : i32
      %scan3A_127 = arith.constant 4 : i32
      scf.for %scan3A_132 = %scan3A_124 to %scan3A_126 step %scan3A_127  : i32 {
        %mul3A_133 = arith.constant 16 : i32
        %mul3A_134 = arith.muli %scan3A_132, %mul3A_133 : i32
        %add3A_135 = vector.broadcast %mul3A_134 : i32 to vector<16xi32>
        %add3A_136 = arith.addi %add3A_135, %iota3A : vector<16xi32>
        %broadcast_in_dim3A_137 = arith.constant 0.000000e+00 : f32
        %broadcast_in_dim3A_138 = vector.broadcast %broadcast_in_dim3A_137 : f32 to vector<16xf32>
        %gather3A = tpu.vector_load_idx %arg12[%add3A_136, %broadcast_in_dim3A_23] : memref<2048x6xf32, #tpu.memory_space<vmem>>[vector<16xi32>, vector<16xi32>], vector<16xf32>,
        %mul3A_139 = arith.constant 16 : i32
        %mul3A_140 = arith.muli %scan3A_132, %mul3A_139 : i32
        %add3A_141 = arith.constant 0 : i32
        %add3A_142 = arith.addi %add3A_141, %mul3A_140 : i32
        %get3A = arith.index_cast %add3A_142 : i32 to index
        %get3A_143 = tpu.vector_load %arg11[%get3A] {strides = array<i32>} : memref<12288xf32, #tpu.memory_space<vmem>>, vector<16xf32>,
        %mul3A_144 = arith.mulf %gather3A, %get3A_143 : vector<16xf32>
        %add3A_145 = arith.addf %broadcast_in_dim3A_138, %mul3A_144 : vector<16xf32>
        %gather3A_146 = tpu.vector_load_idx %arg12[%add3A_136, %broadcast_in_dim3A_25] : memref<2048x6xf32, #tpu.memory_space<vmem>>[vector<16xi32>, vector<16xi32>], vector<16xf32>,
        %mul3A_147 = arith.constant 16 : i32
        %mul3A_148 = arith.muli %scan3A_132, %mul3A_147 : i32
        %add3A_149 = arith.constant 2048 : i32
        %add3A_150 = arith.addi %add3A_149, %mul3A_148 : i32
        %get3A_151 = arith.index_cast %add3A_150 : i32 to index
        %get3A_152 = tpu.vector_load %arg11[%get3A_151] {strides = array<i32>} : memref<12288xf32, #tpu.memory_space<vmem>>, vector<16xf32>,
        %mul3A_153 = arith.mulf %gather3A_146, %get3A_152 : vector<16xf32>
        %add3A_154 = arith.addf %add3A_145, %mul3A_153 : vector<16xf32>
        %gather3A_155 = tpu.vector_load_idx %arg12[%add3A_136, %broadcast_in_dim3A_27] : memref<2048x6xf32, #tpu.memory_space<vmem>>[vector<16xi32>, vector<16xi32>], vector<16xf32>,
        %mul3A_156 = arith.constant 16 : i32
        %mul3A_157 = arith.muli %scan3A_132, %mul3A_156 : i32
        %add3A_158 = arith.constant 4096 : i32
        %add3A_159 = arith.addi %add3A_158, %mul3A_157 : i32
        %get3A_160 = arith.index_cast %add3A_159 : i32 to index
        %get3A_161 = tpu.vector_load %arg11[%get3A_160] {strides = array<i32>} : memref<12288xf32, #tpu.memory_space<vmem>>, vector<16xf32>,
        %mul3A_162 = arith.mulf %gather3A_155, %get3A_161 : vector<16xf32>
        %add3A_163 = arith.addf %add3A_154, %mul3A_162 : vector<16xf32>
        %gather3A_164 = tpu.vector_load_idx %arg12[%add3A_136, %broadcast_in_dim3A_29] : memref<2048x6xf32, #tpu.memory_space<vmem>>[vector<16xi32>, vector<16xi32>], vector<16xf32>,
        %mul3A_165 = arith.constant 16 : i32
        %mul3A_166 = arith.muli %scan3A_132, %mul3A_165 : i32
        %add3A_167 = arith.constant 6144 : i32
        %add3A_168 = arith.addi %add3A_167, %mul3A_166 : i32
        %get3A_169 = arith.index_cast %add3A_168 : i32 to index
        %get3A_170 = tpu.vector_load %arg11[%get3A_169] {strides = array<i32>} : memref<12288xf32, #tpu.memory_space<vmem>>, vector<16xf32>,
        %mul3A_171 = arith.mulf %gather3A_164, %get3A_170 : vector<16xf32>
        %add3A_172 = arith.addf %add3A_163, %mul3A_171 : vector<16xf32>
        %gather3A_173 = tpu.vector_load_idx %arg12[%add3A_136, %broadcast_in_dim3A_31] : memref<2048x6xf32, #tpu.memory_space<vmem>>[vector<16xi32>, vector<16xi32>], vector<16xf32>,
        %mul3A_174 = arith.constant 16 : i32
        %mul3A_175 = arith.muli %scan3A_132, %mul3A_174 : i32
        %add3A_176 = arith.constant 8192 : i32
        %add3A_177 = arith.addi %add3A_176, %mul3A_175 : i32
        %get3A_178 = arith.index_cast %add3A_177 : i32 to index
        %get3A_179 = tpu.vector_load %arg11[%get3A_178] {strides = array<i32>} : memref<12288xf32, #tpu.memory_space<vmem>>, vector<16xf32>,
        %mul3A_180 = arith.mulf %gather3A_173, %get3A_179 : vector<16xf32>
        %add3A_181 = arith.addf %add3A_172, %mul3A_180 : vector<16xf32>
        %gather3A_182 = tpu.vector_load_idx %arg12[%add3A_136, %broadcast_in_dim3A_33] : memref<2048x6xf32, #tpu.memory_space<vmem>>[vector<16xi32>, vector<16xi32>], vector<16xf32>,
        %mul3A_183 = arith.constant 16 : i32
        %mul3A_184 = arith.muli %scan3A_132, %mul3A_183 : i32
        %add3A_185 = arith.constant 10240 : i32
        %add3A_186 = arith.addi %add3A_185, %mul3A_184 : i32
        %get3A_187 = arith.index_cast %add3A_186 : i32 to index
        %get3A_188 = tpu.vector_load %arg11[%get3A_187] {strides = array<i32>} : memref<12288xf32, #tpu.memory_space<vmem>>, vector<16xf32>,
        %mul3A_189 = arith.mulf %gather3A_182, %get3A_188 : vector<16xf32>
        %add3A_190 = arith.addf %add3A_181, %mul3A_189 : vector<16xf32>
        %mul3A_191 = arith.constant 16 : i32
        %mul3A_192 = arith.muli %scan3A_132, %mul3A_191 : i32
        %swap3A = arith.index_cast %mul3A_192 : i32 to index
        %swap3A_193 = tpu.vector_load %arg13[%swap3A] {strides = array<i32>} : memref<2048xf32, #tpu.memory_space<vmem>>, vector<16xf32>,
        tpu.vector_store %arg13[%swap3A], %add3A_190 {strides = array<i32>} : memref<2048xf32, #tpu.memory_space<vmem>>, vector<16xf32>,
        %scan3A_194 = arith.constant 1 : i32
        %scan3A_195 = arith.addi %scan3A_132, %scan3A_194 : i32
        %mul3A_196 = arith.constant 16 : i32
        %mul3A_197 = arith.muli %scan3A_195, %mul3A_196 : i32
        %add3A_198 = vector.broadcast %mul3A_197 : i32 to vector<16xi32>
        %add3A_199 = arith.addi %add3A_198, %iota3A : vector<16xi32>
        %broadcast_in_dim3A_200 = arith.constant 0.000000e+00 : f32
        %broadcast_in_dim3A_201 = vector.broadcast %broadcast_in_dim3A_200 : f32 to vector<16xf32>
        %gather3A_202 = tpu.vector_load_idx %arg12[%add3A_199, %broadcast_in_dim3A_23] : memref<2048x6xf32, #tpu.memory_space<vmem>>[vector<16xi32>, vector<16xi32>], vector<16xf32>,
        %mul3A_203 = arith.constant 16 : i32
        %mul3A_204 = arith.muli %scan3A_195, %mul3A_203 : i32
        %add3A_205 = arith.constant 0 : i32
        %add3A_206 = arith.addi %add3A_205, %mul3A_204 : i32
        %get3A_207 = arith.index_cast %add3A_206 : i32 to index
        %get3A_208 = tpu.vector_load %arg11[%get3A_207] {strides = array<i32>} : memref<12288xf32, #tpu.memory_space<vmem>>, vector<16xf32>,
        %mul3A_209 = arith.mulf %gather3A_202, %get3A_208 : vector<16xf32>
        %add3A_210 = arith.addf %broadcast_in_dim3A_201, %mul3A_209 : vector<16xf32>
        %gather3A_211 = tpu.vector_load_idx %arg12[%add3A_199, %broadcast_in_dim3A_25] : memref<2048x6xf32, #tpu.memory_space<vmem>>[vector<16xi32>, vector<16xi32>], vector<16xf32>,
        %mul3A_212 = arith.constant 16 : i32
        %mul3A_213 = arith.muli %scan3A_195, %mul3A_212 : i32
        %add3A_214 = arith.constant 2048 : i32
        %add3A_215 = arith.addi %add3A_214, %mul3A_213 : i32
        %get3A_216 = arith.index_cast %add3A_215 : i32 to index
        %get3A_217 = tpu.vector_load %arg11[%get3A_216] {strides = array<i32>} : memref<12288xf32, #tpu.memory_space<vmem>>, vector<16xf32>,
        %mul3A_218 = arith.mulf %gather3A_211, %get3A_217 : vector<16xf32>
        %add3A_219 = arith.addf %add3A_210, %mul3A_218 : vector<16xf32>
        %gather3A_220 = tpu.vector_load_idx %arg12[%add3A_199, %broadcast_in_dim3A_27] : memref<2048x6xf32, #tpu.memory_space<vmem>>[vector<16xi32>, vector<16xi32>], vector<16xf32>,
        %mul3A_221 = arith.constant 16 : i32
        %mul3A_222 = arith.muli %scan3A_195, %mul3A_221 : i32
        %add3A_223 = arith.constant 4096 : i32
        %add3A_224 = arith.addi %add3A_223, %mul3A_222 : i32
        %get3A_225 = arith.index_cast %add3A_224 : i32 to index
        %get3A_226 = tpu.vector_load %arg11[%get3A_225] {strides = array<i32>} : memref<12288xf32, #tpu.memory_space<vmem>>, vector<16xf32>,
        %mul3A_227 = arith.mulf %gather3A_220, %get3A_226 : vector<16xf32>
        %add3A_228 = arith.addf %add3A_219, %mul3A_227 : vector<16xf32>
        %gather3A_229 = tpu.vector_load_idx %arg12[%add3A_199, %broadcast_in_dim3A_29] : memref<2048x6xf32, #tpu.memory_space<vmem>>[vector<16xi32>, vector<16xi32>], vector<16xf32>,
        %mul3A_230 = arith.constant 16 : i32
        %mul3A_231 = arith.muli %scan3A_195, %mul3A_230 : i32
        %add3A_232 = arith.constant 6144 : i32
        %add3A_233 = arith.addi %add3A_232, %mul3A_231 : i32
        %get3A_234 = arith.index_cast %add3A_233 : i32 to index
        %get3A_235 = tpu.vector_load %arg11[%get3A_234] {strides = array<i32>} : memref<12288xf32, #tpu.memory_space<vmem>>, vector<16xf32>,
        %mul3A_236 = arith.mulf %gather3A_229, %get3A_235 : vector<16xf32>
        %add3A_237 = arith.addf %add3A_228, %mul3A_236 : vector<16xf32>
        %gather3A_238 = tpu.vector_load_idx %arg12[%add3A_199, %broadcast_in_dim3A_31] : memref<2048x6xf32, #tpu.memory_space<vmem>>[vector<16xi32>, vector<16xi32>], vector<16xf32>,
        %mul3A_239 = arith.constant 16 : i32
        %mul3A_240 = arith.muli %scan3A_195, %mul3A_239 : i32
        %add3A_241 = arith.constant 8192 : i32
        %add3A_242 = arith.addi %add3A_241, %mul3A_240 : i32
        %get3A_243 = arith.index_cast %add3A_242 : i32 to index
        %get3A_244 = tpu.vector_load %arg11[%get3A_243] {strides = array<i32>} : memref<12288xf32, #tpu.memory_space<vmem>>, vector<16xf32>,
        %mul3A_245 = arith.mulf %gather3A_238, %get3A_244 : vector<16xf32>
        %add3A_246 = arith.addf %add3A_237, %mul3A_245 : vector<16xf32>
        %gather3A_247 = tpu.vector_load_idx %arg12[%add3A_199, %broadcast_in_dim3A_33] : memref<2048x6xf32, #tpu.memory_space<vmem>>[vector<16xi32>, vector<16xi32>], vector<16xf32>,
        %mul3A_248 = arith.constant 16 : i32
        %mul3A_249 = arith.muli %scan3A_195, %mul3A_248 : i32
        %add3A_250 = arith.constant 10240 : i32
        %add3A_251 = arith.addi %add3A_250, %mul3A_249 : i32
        %get3A_252 = arith.index_cast %add3A_251 : i32 to index
        %get3A_253 = tpu.vector_load %arg11[%get3A_252] {strides = array<i32>} : memref<12288xf32, #tpu.memory_space<vmem>>, vector<16xf32>,
        %mul3A_254 = arith.mulf %gather3A_247, %get3A_253 : vector<16xf32>
        %add3A_255 = arith.addf %add3A_246, %mul3A_254 : vector<16xf32>
        %mul3A_256 = arith.constant 16 : i32
        %mul3A_257 = arith.muli %scan3A_195, %mul3A_256 : i32
        %swap3A_258 = arith.index_cast %mul3A_257 : i32 to index
        %swap3A_259 = tpu.vector_load %arg13[%swap3A_258] {strides = array<i32>} : memref<2048xf32, #tpu.memory_space<vmem>>, vector<16xf32>,
        tpu.vector_store %arg13[%swap3A_258], %add3A_255 {strides = array<i32>} : memref<2048xf32, #tpu.memory_space<vmem>>, vector<16xf32>,
        %scan3A_260 = arith.constant 2 : i32
        %scan3A_261 = arith.addi %scan3A_132, %scan3A_260 : i32
        %mul3A_262 = arith.constant 16 : i32
        %mul3A_263 = arith.muli %scan3A_261, %mul3A_262 : i32
        %add3A_264 = vector.broadcast %mul3A_263 : i32 to vector<16xi32>
        %add3A_265 = arith.addi %add3A_264, %iota3A : vector<16xi32>
        %broadcast_in_dim3A_266 = arith.constant 0.000000e+00 : f32
        %broadcast_in_dim3A_267 = vector.broadcast %broadcast_in_dim3A_266 : f32 to vector<16xf32>
        %gather3A_268 = tpu.vector_load_idx %arg12[%add3A_265, %broadcast_in_dim3A_23] : memref<2048x6xf32, #tpu.memory_space<vmem>>[vector<16xi32>, vector<16xi32>], vector<16xf32>,
        %mul3A_269 = arith.constant 16 : i32
        %mul3A_270 = arith.muli %scan3A_261, %mul3A_269 : i32
        %add3A_271 = arith.constant 0 : i32
        %add3A_272 = arith.addi %add3A_271, %mul3A_270 : i32
        %get3A_273 = arith.index_cast %add3A_272 : i32 to index
        %get3A_274 = tpu.vector_load %arg11[%get3A_273] {strides = array<i32>} : memref<12288xf32, #tpu.memory_space<vmem>>, vector<16xf32>,
        %mul3A_275 = arith.mulf %gather3A_268, %get3A_274 : vector<16xf32>
        %add3A_276 = arith.addf %broadcast_in_dim3A_267, %mul3A_275 : vector<16xf32>
        %gather3A_277 = tpu.vector_load_idx %arg12[%add3A_265, %broadcast_in_dim3A_25] : memref<2048x6xf32, #tpu.memory_space<vmem>>[vector<16xi32>, vector<16xi32>], vector<16xf32>,
        %mul3A_278 = arith.constant 16 : i32
        %mul3A_279 = arith.muli %scan3A_261, %mul3A_278 : i32
        %add3A_280 = arith.constant 2048 : i32
        %add3A_281 = arith.addi %add3A_280, %mul3A_279 : i32
        %get3A_282 = arith.index_cast %add3A_281 : i32 to index
        %get3A_283 = tpu.vector_load %arg11[%get3A_282] {strides = array<i32>} : memref<12288xf32, #tpu.memory_space<vmem>>, vector<16xf32>,
        %mul3A_284 = arith.mulf %gather3A_277, %get3A_283 : vector<16xf32>
        %add3A_285 = arith.addf %add3A_276, %mul3A_284 : vector<16xf32>
        %gather3A_286 = tpu.vector_load_idx %arg12[%add3A_265, %broadcast_in_dim3A_27] : memref<2048x6xf32, #tpu.memory_space<vmem>>[vector<16xi32>, vector<16xi32>], vector<16xf32>,
        %mul3A_287 = arith.constant 16 : i32
        %mul3A_288 = arith.muli %scan3A_261, %mul3A_287 : i32
        %add3A_289 = arith.constant 4096 : i32
        %add3A_290 = arith.addi %add3A_289, %mul3A_288 : i32
        %get3A_291 = arith.index_cast %add3A_290 : i32 to index
        %get3A_292 = tpu.vector_load %arg11[%get3A_291] {strides = array<i32>} : memref<12288xf32, #tpu.memory_space<vmem>>, vector<16xf32>,
        %mul3A_293 = arith.mulf %gather3A_286, %get3A_292 : vector<16xf32>
        %add3A_294 = arith.addf %add3A_285, %mul3A_293 : vector<16xf32>
        %gather3A_295 = tpu.vector_load_idx %arg12[%add3A_265, %broadcast_in_dim3A_29] : memref<2048x6xf32, #tpu.memory_space<vmem>>[vector<16xi32>, vector<16xi32>], vector<16xf32>,
        %mul3A_296 = arith.constant 16 : i32
        %mul3A_297 = arith.muli %scan3A_261, %mul3A_296 : i32
        %add3A_298 = arith.constant 6144 : i32
        %add3A_299 = arith.addi %add3A_298, %mul3A_297 : i32
        %get3A_300 = arith.index_cast %add3A_299 : i32 to index
        %get3A_301 = tpu.vector_load %arg11[%get3A_300] {strides = array<i32>} : memref<12288xf32, #tpu.memory_space<vmem>>, vector<16xf32>,
        %mul3A_302 = arith.mulf %gather3A_295, %get3A_301 : vector<16xf32>
        %add3A_303 = arith.addf %add3A_294, %mul3A_302 : vector<16xf32>
        %gather3A_304 = tpu.vector_load_idx %arg12[%add3A_265, %broadcast_in_dim3A_31] : memref<2048x6xf32, #tpu.memory_space<vmem>>[vector<16xi32>, vector<16xi32>], vector<16xf32>,
        %mul3A_305 = arith.constant 16 : i32
        %mul3A_306 = arith.muli %scan3A_261, %mul3A_305 : i32
        %add3A_307 = arith.constant 8192 : i32
        %add3A_308 = arith.addi %add3A_307, %mul3A_306 : i32
        %get3A_309 = arith.index_cast %add3A_308 : i32 to index
        %get3A_310 = tpu.vector_load %arg11[%get3A_309] {strides = array<i32>} : memref<12288xf32, #tpu.memory_space<vmem>>, vector<16xf32>,
        %mul3A_311 = arith.mulf %gather3A_304, %get3A_310 : vector<16xf32>
        %add3A_312 = arith.addf %add3A_303, %mul3A_311 : vector<16xf32>
        %gather3A_313 = tpu.vector_load_idx %arg12[%add3A_265, %broadcast_in_dim3A_33] : memref<2048x6xf32, #tpu.memory_space<vmem>>[vector<16xi32>, vector<16xi32>], vector<16xf32>,
        %mul3A_314 = arith.constant 16 : i32
        %mul3A_315 = arith.muli %scan3A_261, %mul3A_314 : i32
        %add3A_316 = arith.constant 10240 : i32
        %add3A_317 = arith.addi %add3A_316, %mul3A_315 : i32
        %get3A_318 = arith.index_cast %add3A_317 : i32 to index
        %get3A_319 = tpu.vector_load %arg11[%get3A_318] {strides = array<i32>} : memref<12288xf32, #tpu.memory_space<vmem>>, vector<16xf32>,
        %mul3A_320 = arith.mulf %gather3A_313, %get3A_319 : vector<16xf32>
        %add3A_321 = arith.addf %add3A_312, %mul3A_320 : vector<16xf32>
        %mul3A_322 = arith.constant 16 : i32
        %mul3A_323 = arith.muli %scan3A_261, %mul3A_322 : i32
        %swap3A_324 = arith.index_cast %mul3A_323 : i32 to index
        %swap3A_325 = tpu.vector_load %arg13[%swap3A_324] {strides = array<i32>} : memref<2048xf32, #tpu.memory_space<vmem>>, vector<16xf32>,
        tpu.vector_store %arg13[%swap3A_324], %add3A_321 {strides = array<i32>} : memref<2048xf32, #tpu.memory_space<vmem>>, vector<16xf32>,
        %scan3A_326 = arith.constant 3 : i32
        %scan3A_327 = arith.addi %scan3A_132, %scan3A_326 : i32
        %mul3A_328 = arith.constant 16 : i32
        %mul3A_329 = arith.muli %scan3A_327, %mul3A_328 : i32
        %add3A_330 = vector.broadcast %mul3A_329 : i32 to vector<16xi32>
        %add3A_331 = arith.addi %add3A_330, %iota3A : vector<16xi32>
        %broadcast_in_dim3A_332 = arith.constant 0.000000e+00 : f32
        %broadcast_in_dim3A_333 = vector.broadcast %broadcast_in_dim3A_332 : f32 to vector<16xf32>
        %gather3A_334 = tpu.vector_load_idx %arg12[%add3A_331, %broadcast_in_dim3A_23] : memref<2048x6xf32, #tpu.memory_space<vmem>>[vector<16xi32>, vector<16xi32>], vector<16xf32>,
        %mul3A_335 = arith.constant 16 : i32
        %mul3A_336 = arith.muli %scan3A_327, %mul3A_335 : i32
        %add3A_337 = arith.constant 0 : i32
        %add3A_338 = arith.addi %add3A_337, %mul3A_336 : i32
        %get3A_339 = arith.index_cast %add3A_338 : i32 to index
        %get3A_340 = tpu.vector_load %arg11[%get3A_339] {strides = array<i32>} : memref<12288xf32, #tpu.memory_space<vmem>>, vector<16xf32>,
        %mul3A_341 = arith.mulf %gather3A_334, %get3A_340 : vector<16xf32>
        %add3A_342 = arith.addf %broadcast_in_dim3A_333, %mul3A_341 : vector<16xf32>
        %gather3A_343 = tpu.vector_load_idx %arg12[%add3A_331, %broadcast_in_dim3A_25] : memref<2048x6xf32, #tpu.memory_space<vmem>>[vector<16xi32>, vector<16xi32>], vector<16xf32>,
        %mul3A_344 = arith.constant 16 : i32
        %mul3A_345 = arith.muli %scan3A_327, %mul3A_344 : i32
        %add3A_346 = arith.constant 2048 : i32
        %add3A_347 = arith.addi %add3A_346, %mul3A_345 : i32
        %get3A_348 = arith.index_cast %add3A_347 : i32 to index
        %get3A_349 = tpu.vector_load %arg11[%get3A_348] {strides = array<i32>} : memref<12288xf32, #tpu.memory_space<vmem>>, vector<16xf32>,
        %mul3A_350 = arith.mulf %gather3A_343, %get3A_349 : vector<16xf32>
        %add3A_351 = arith.addf %add3A_342, %mul3A_350 : vector<16xf32>
        %gather3A_352 = tpu.vector_load_idx %arg12[%add3A_331, %broadcast_in_dim3A_27] : memref<2048x6xf32, #tpu.memory_space<vmem>>[vector<16xi32>, vector<16xi32>], vector<16xf32>,
        %mul3A_353 = arith.constant 16 : i32
        %mul3A_354 = arith.muli %scan3A_327, %mul3A_353 : i32
        %add3A_355 = arith.constant 4096 : i32
        %add3A_356 = arith.addi %add3A_355, %mul3A_354 : i32
        %get3A_357 = arith.index_cast %add3A_356 : i32 to index
        %get3A_358 = tpu.vector_load %arg11[%get3A_357] {strides = array<i32>} : memref<12288xf32, #tpu.memory_space<vmem>>, vector<16xf32>,
        %mul3A_359 = arith.mulf %gather3A_352, %get3A_358 : vector<16xf32>
        %add3A_360 = arith.addf %add3A_351, %mul3A_359 : vector<16xf32>
        %gather3A_361 = tpu.vector_load_idx %arg12[%add3A_331, %broadcast_in_dim3A_29] : memref<2048x6xf32, #tpu.memory_space<vmem>>[vector<16xi32>, vector<16xi32>], vector<16xf32>,
        %mul3A_362 = arith.constant 16 : i32
        %mul3A_363 = arith.muli %scan3A_327, %mul3A_362 : i32
        %add3A_364 = arith.constant 6144 : i32
        %add3A_365 = arith.addi %add3A_364, %mul3A_363 : i32
        %get3A_366 = arith.index_cast %add3A_365 : i32 to index
        %get3A_367 = tpu.vector_load %arg11[%get3A_366] {strides = array<i32>} : memref<12288xf32, #tpu.memory_space<vmem>>, vector<16xf32>,
        %mul3A_368 = arith.mulf %gather3A_361, %get3A_367 : vector<16xf32>
        %add3A_369 = arith.addf %add3A_360, %mul3A_368 : vector<16xf32>
        %gather3A_370 = tpu.vector_load_idx %arg12[%add3A_331, %broadcast_in_dim3A_31] : memref<2048x6xf32, #tpu.memory_space<vmem>>[vector<16xi32>, vector<16xi32>], vector<16xf32>,
        %mul3A_371 = arith.constant 16 : i32
        %mul3A_372 = arith.muli %scan3A_327, %mul3A_371 : i32
        %add3A_373 = arith.constant 8192 : i32
        %add3A_374 = arith.addi %add3A_373, %mul3A_372 : i32
        %get3A_375 = arith.index_cast %add3A_374 : i32 to index
        %get3A_376 = tpu.vector_load %arg11[%get3A_375] {strides = array<i32>} : memref<12288xf32, #tpu.memory_space<vmem>>, vector<16xf32>,
        %mul3A_377 = arith.mulf %gather3A_370, %get3A_376 : vector<16xf32>
        %add3A_378 = arith.addf %add3A_369, %mul3A_377 : vector<16xf32>
        %gather3A_379 = tpu.vector_load_idx %arg12[%add3A_331, %broadcast_in_dim3A_33] : memref<2048x6xf32, #tpu.memory_space<vmem>>[vector<16xi32>, vector<16xi32>], vector<16xf32>,
        %mul3A_380 = arith.constant 16 : i32
        %mul3A_381 = arith.muli %scan3A_327, %mul3A_380 : i32
        %add3A_382 = arith.constant 10240 : i32
        %add3A_383 = arith.addi %add3A_382, %mul3A_381 : i32
        %get3A_384 = arith.index_cast %add3A_383 : i32 to index
        %get3A_385 = tpu.vector_load %arg11[%get3A_384] {strides = array<i32>} : memref<12288xf32, #tpu.memory_space<vmem>>, vector<16xf32>,
        %mul3A_386 = arith.mulf %gather3A_379, %get3A_385 : vector<16xf32>
        %add3A_387 = arith.addf %add3A_378, %mul3A_386 : vector<16xf32>
        %mul3A_388 = arith.constant 16 : i32
        %mul3A_389 = arith.muli %scan3A_327, %mul3A_388 : i32
        %swap3A_390 = arith.index_cast %mul3A_389 : i32 to index
        %swap3A_391 = tpu.vector_load %arg13[%swap3A_390] {strides = array<i32>} : memref<2048xf32, #tpu.memory_space<vmem>>, vector<16xf32>,
        tpu.vector_store %arg13[%swap3A_390], %add3A_387 {strides = array<i32>} : memref<2048xf32, #tpu.memory_space<vmem>>, vector<16xf32>,
      }
      %scan3A_128 = arith.constant 128 : i32
      %mul3A_129 = arith.constant 2000000 : i32
      %mul3A_130 = arith.muli %arg0, %mul3A_129 : i32
      %add3A_131 = arith.addi %mul3A_130, %min3A_77 : i32
      "tpu.region"() ({
        %run_scoped3A = tpu.sem_alloc : memref<!tpu.dma_semaphore, #tpu.memory_space<semaphore_mem>>
        %dma_start3A_132 = tpu.memref_slice %arg6[%add3A_131] : memref<4000000xf32, #tpu.memory_space<hbm>> -> memref<2048xf32, #tpu.memory_space<hbm>>
        %dma_start3A_133 = tpu.memref_slice %arg6[%add3A_131] : memref<4000000xf32, #tpu.memory_space<hbm>> -> memref<2048xf32, #tpu.memory_space<hbm>>
        tpu.enqueue_dma source(%arg13 : memref<2048xf32, #tpu.memory_space<vmem>>) target(%dma_start3A_133 : memref<2048xf32, #tpu.memory_space<hbm>>) target_semaphore(%run_scoped3A : memref<!tpu.dma_semaphore, #tpu.memory_space<semaphore_mem>>)
        %dma_wait3A_134 = tpu.memref_slice %arg6[%add3A_131] : memref<4000000xf32, #tpu.memory_space<hbm>> -> memref<2048xf32, #tpu.memory_space<hbm>>
        %dma_wait3A_135 = tpu.memref_slice %arg6[%add3A_131] : memref<4000000xf32, #tpu.memory_space<hbm>> -> memref<2048xf32, #tpu.memory_space<hbm>>
        tpu.wait_dma2 semaphore(%run_scoped3A : memref<!tpu.dma_semaphore, #tpu.memory_space<semaphore_mem>>) src(%arg13 : memref<2048xf32, #tpu.memory_space<vmem>>) dst(%dma_wait3A_135 : memref<2048xf32, #tpu.memory_space<hbm>>)
        tpu.yield
      }) : () -> ()
    }
    return
  }
}

</mosaic_0001>

<sc_bundles>
// kernel: kernel.3.cloned.1.call-start
scs
__scs_entry_jumppad:
0x0: {  	(pc) =	sbr.rel $0x88, $3  }
0x1: {  	(tag) =	ssettag $0x0;
	lr =	simm.s32 $0x1  }
0x2: {  	[smem:$0x3F9D] =	sst lr;
	_ =	strace $0xD0000000  }
0x3: {  	_ = 	snop  }
0x4: {  	_ = 	snop  }
0x5: {  	_ = 	snop  }
0x6: {  	_ = 	snop  }
0x7: {  	_ = 	snop  }
__scs_overlays_trampoline_lowered:
0x8: {  	[smem:$0x3FAC] =	sst s0  }
0x9: {  	[smem:$0x3FAD] =	sst s1  }
0xa: {  	[smem:$0x3FAE] =	sst s2  }
0xb: {  	[smem:$0x3FAF] =	sst s3  }
0xc: {  	[smem:$0x3FB0] =	sst s4  }
0xd: {  	[smem:$0x3FB1] =	sst s5  }
0xe: {  	[smem:$0x3FB2] =	sst s6  }
0xf: {  	[smem:$0x3FB3] =	sst s7  }
0x10: {  	[smem:$0x3FB4] =	sst s8  }
0x11: {  	[smem:$0x3FB5] =	sst s9;
	s0 =	simm.s32 @!p0 $0x0  }
0x12: {  	s1 =	sld [smem:$0x3F9B];
	s0 =	simm.s32 @p0 $0x1  }
0x13: {  	[smem:$0x3FB6] =	sst s0;
	s0 =	simm.s32 @!p1 $0x0  }
0x14: {  	s2 =	sld [smem:$0x3F9A];
	s0 =	simm.s32 @p1 $0x1  }
0x15: {  	[smem:$0x3FB7] =	sst s0;
	s0 =	simm.s32 @!p2 $0x0  }
0x16: {  	s3 =	sld [smem:$0x3FDB];
	s0 =	simm.s32 @p2 $0x1  }
0x17: {  	s4 =	simm.s32 $0x1BF5;
	[smem:$0x3FB9] =	sst s0  }
0x18: {  	s0 =	sld [smem:$0x3F9C];
	_ =	swait.ge [sflag:s4], $0x0  }
0x19: {  	s7 =	sld [smem:$0x3F9D]  }
0x1a: {  	s8 =	sadd.s32 $0xFFFFE003, lr  }
0x1b: {  	s9 =	sadd.s32 $0xFFFFFEF7, lr;
	s5 =	simm.s32 $0xFFFFFFFF;
	p2 =	slt.u32 s8, $0xFFFFF086  }
0x1c: {  	p1 =	slt.u32 s9, $0xF7A;
	s5 =	simm.s32 @!p2 $0x0  }
0x1d: {  	s5 =	simm.s32 @p1 $0x1;
	p0 =	seq.s32 s7, s2  }
0x1e: {  	s7 =	smul.u32 @!p0 $0xF7A, s2;
	p2 =	seq.s32 @!p0 s5, $0x0  }
0x1f: {  	s9 =	smul.u32 $0xF7A, s1;
	s8 =	simm.s32 @!p0 $0x1BF5;
	p2 =	por !p2, p0  }
0x20: {  	[sflag:s8] =	ssyncset.s32 @!p0 $0xFFFFF086;
	s6 =	sadd.s32 @!p0 s3, s7;
	s7 =	simm.s32 @!p0 $0x108  }
0x21: {  	s3 =	sadd.s32 s3, s9;
	s6 =	sadd.s32 @!p0 $0x88, s6;
	s7 =	simm.s32 @p2 $0x1082  }
0x22: {  	[simem:s7], [sflag:s8] =	dma.local @!p0 [hbm:s6], $0xF7A  }
0x23: {  	s9 =	sor.u32 $0xD0000000, s2;
	s6 =	simm.s32 $0x108;
	_ =	swait.ge @!p0 [sflag:s8], $0x0  }
0x24: {  	s3 =	sadd.s32 $0x88, s3;
	s6 =	simm.s32 @!p1 $0x1082;
	[sflag:s4] =	ssyncset.s32 $0xFFFFF086  }
0x25: {  	[simem:s6], [sflag:s4] =	dma.local [hbm:s3], $0xF7A  }
0x26: {  	[smem:$0x3F9D] =	sst s1;
	(tag) =	ssettag s2;
	_ =	strace s9  }
0x27: {  	s1 =	sld [smem:$0x3FAD]  }
0x28: {  	s2 =	sld [smem:$0x3FAE]  }
0x29: {  	s4 =	sld [smem:$0x3FB0]  }
0x2a: {  	p0 =	seq.s32 s5, $0x0;
	s5 =	sld [smem:$0x3FB1]  }
0x2b: {  	s6 =	sld [smem:$0x3FB2]  }
0x2c: {  	s7 =	sld [smem:$0x3FB3]  }
0x2d: {  	s3 =	simm.s32 $0x108;
	s8 =	sld [smem:$0x3FB4]  }
0x2e: {  	s3 =	simm.s32 @!p0 $0x1082;
	s9 =	sld [smem:$0x3FB5]  }
0x2f: {  	lr =	sadd.s32 s0, s3;
	s0 =	sld [smem:$0x3FAC]  }
0x30: {  	s3 =	sld [smem:$0x3FAF]  }
0x31: {  	[smem:$0x3FB8] =	sst s10  }
0x32: {  	s10 =	sld [smem:$0x3FB6];
	_ =	sdelay $0x3  }
0x33: {  	p0 =	seq.s32 s10, $0x1;
	s10 =	sld [smem:$0x3FB8];
	_ =	sdelay $0x3  }
0x34: {  	[smem:$0x3FB8] =	sst s10  }
0x35: {  	s10 =	sld [smem:$0x3FB7];
	_ =	sdelay $0x3  }
0x36: {  	p1 =	seq.s32 s10, $0x1;
	s10 =	sld [smem:$0x3FB8];
	_ =	sdelay $0x3  }
0x37: {  	[smem:$0x3FB8] =	sst s10  }
0x38: {  	s10 =	sld [smem:$0x3FB9]  }
0x39: {  	_ = 	snop;
	(pc) =	sbr.ind lr, $3  }
0x3a: {  	_ = 	snop  }
0x3b: {  	_ = 	snop  }
0x3c: {  	p2 =	seq.s32 s10, $0x1;
	s10 =	sld [smem:$0x3FB8]  }
0x3d: {  	_ =	shalt  }
0x3e: {  	_ =	shalt  }
0x3f: {  	_ =	shalt  }
0x40: {  	_ =	shalt  }
0x41: {  	_ =	shalt  }
0x42: {  	_ =	shalt  }
0x43: {  	_ =	shalt  }
0x44: {  	_ =	shalt  }
0x45: {  	_ =	shalt  }
0x46: {  	_ =	shalt  }
0x47: {  	_ =	shalt  }
0x48: {  	_ =	shalt  }
0x49: {  	_ =	shalt  }
0x4a: {  	_ =	shalt  }
0x4b: {  	_ =	shalt  }
0x4c: {  	_ =	shalt  }
0x4d: {  	_ =	shalt  }
0x4e: {  	_ =	shalt  }
0x4f: {  	_ =	shalt  }
0x50: {  	_ =	shalt  }
0x51: {  	_ =	shalt  }
0x52: {  	_ =	shalt  }
0x53: {  	_ =	shalt  }
0x54: {  	_ =	shalt  }
0x55: {  	_ =	shalt  }
0x56: {  	_ =	shalt  }
0x57: {  	_ =	shalt  }
0x58: {  	_ =	shalt  }
0x59: {  	_ =	shalt  }
0x5a: {  	_ =	shalt  }
0x5b: {  	_ =	shalt  }
0x5c: {  	_ =	shalt  }
0x5d: {  	_ =	shalt  }
0x5e: {  	_ =	shalt  }
0x5f: {  	_ =	shalt  }
0x60: {  	_ =	shalt  }
0x61: {  	_ =	shalt  }
0x62: {  	_ =	shalt  }
0x63: {  	_ =	shalt  }
0x64: {  	_ =	shalt  }
0x65: {  	_ =	shalt  }
0x66: {  	_ =	shalt  }
0x67: {  	_ =	shalt  }
0x68: {  	_ =	shalt  }
0x69: {  	_ =	shalt  }
0x6a: {  	_ =	shalt  }
0x6b: {  	_ =	shalt  }
0x6c: {  	_ =	shalt  }
0x6d: {  	_ =	shalt  }
0x6e: {  	_ =	shalt  }
0x6f: {  	_ =	shalt  }
0x70: {  	_ =	shalt  }
0x71: {  	_ =	shalt  }
0x72: {  	_ =	shalt  }
0x73: {  	_ =	shalt  }
0x74: {  	_ =	shalt  }
0x75: {  	_ =	shalt  }
0x76: {  	_ =	shalt  }
0x77: {  	_ =	shalt  }
0x78: {  	_ =	shalt  }
0x79: {  	_ =	shalt  }
0x7a: {  	_ =	shalt  }
0x7b: {  	_ =	shalt  }
0x7c: {  	_ =	shalt  }
0x7d: {  	_ =	shalt  }
0x7e: {  	_ =	shalt  }
0x7f: {  	_ =	shalt  }
0x80: {  	_ =	shalt  }
0x81: {  	_ =	shalt  }
0x82: {  	_ =	shalt  }
0x83: {  	_ =	shalt  }
0x84: {  	_ =	shalt  }
0x85: {  	_ =	shalt  }
0x86: {  	_ =	shalt  }
0x87: {  	_ =	shalt  }
.Lfunc_end0:
.L_simem_size_0:
called_computation_lowered:
.L_overlay_start_0:
0x88: {  	s2 =	sld [smem:$0x3FD9]  }
0x89: {  	s3 =	sld [smem:$0x3FFE];
	_ =	sdelay $0x1  }
0x8a: {  	s1 =	srdreg.scid  }
0x8b: {  	s0 =	sand.u32 $0x1, s1  }
0x8c: {  	s17 =	sshll.u32 s0, $0xA;
	s2 =	sadd.s32 s3, s2  }
0x8d: {  	s2 =	sadd.s32 s2, s17  }
0x8e: {  	[smem:$0x3FC4] =	sst s2  }
0x8f: {  	_ = 	snop  }
0x90: {  	s2 =	sld [smem:$0x3FC9]  }
0x91: {  	s18 =	sld [smem:$0x3FD0];
	(tm) =	ssettm $0x1  }
0x92: {  	s4 =	sld [smem:$0x3FFB];
	_ =	sdelay $0x3  }
0x93: {  	_ =	strace s4  }
0x94: {  	s4 =	sld [smem:$0x3FFC];
	_ =	sdelay $0x3  }
0x95: {  	_ =	strace s4  }
0x96: {  	s4 =	sld [smem:$0x3FFD];
	_ =	sdelay $0x3  }
0x97: {  	_ =	strace s4  }
0x98: {  	_ =	strace $0x8FFFFFFF  }
0x99: {  	s19 =	sld [smem:$0x3FDB];
	_ =	sdelay $0x1  }
0x9a: {  	s5 =	simm.s32 $_scs_section_size  }
0x9b: {  	s6 =	simm.s32 $_size__tile_overlayer_lowered;
	s7 =	simm.s32 $_tile_overlayer_lowered  }
0x9c: {  	s22 =	simm.s32 $0x1BFF;
	s21 =	sshll.u32 s7, $0x1;
	s4 =	sadd.s32 s5, s19  }
0x9d: {  	s8 =	simm.s32 $0x0;
	s20 =	sshll.u32 s6, $0x1;
	s6 =	sadd.s32 s21, s4  }
0x9e: {  	[timem:s8], [sflag:s22] =	dma.local [hbm:s6], s20  }
0x9f: {  	_ =	swait.ge [sflag:s22], s20  }
0xa0: {  	s5 =	ssub.s32 $0x0, s20;
	[sflag:s22] =	ssyncset.done $0x0  }
0xa1: {  	[sflag:s22] =	ssyncadd.s32 s5;
	_ =	sdelay $0x1  }
0xa2: {  	s23 =	simm.s32 $0x1B8B  }
0xa3: {  	_ =	swait.ge [sflag:s23], $0x1  }
0xa4: {  	[sflag:s23] =	ssyncset.done $0x0  }
0xa5: {  	s25 =	simm.s32 $0x1B8E;
	s24 =	sld [smem:$0x3FFE];
	[sflag:s23] =	ssyncadd.s32 $0xFFFFFFFF  }
0xa6: {  	s26 =	simm.s32 $execute0_lowered;
	[smem:$0x3FD2] =	sst s25  }
0xa7: {  	s6 =	sshll.u32 s26, $0x1;
	_ =	strace $0x80000046;
	[dreg:$0x1] =	wrdreg $0xFFFFFFFF  }
0xa8: {  	s28 =	simm.s32 $_size_execute0_lowered;
	s4 =	sadd.s32 s4, s6;
	[dreg:$0x0] =	wrdreg $0x0  }
0xa9: {  	s6 =	sshll.u32 s28, $0x1;
	[dreg:$0x2] =	wrdreg s4  }
0xaa: {  	[dreg:$0x3] =	wrdreg s6  }
0xab: {  	[dreg:$0x4] =	wrdreg $0xC0  }
0xac: {  	_ =	task [dreg:s8], $0x5FFFF  }
0xad: {  	[dreg:$0x1] =	wrdreg $0xFFFFFFFF  }
0xae: {  	[dreg:$0x0] =	wrdreg $0x60  }
0xaf: {  	[dreg:$0x2] =	wrdreg s2  }
0xb0: {  	[dreg:$0x3] =	wrdreg s24  }
0xb1: {  	[dreg:$0x4] =	wrdreg s18  }
0xb2: {  	[dreg:$0x5] =	wrdreg $0x0  }
0xb3: {  	[dreg:$0x6] =	wrdreg $0x9  }
0xb4: {  	_ =	task.clear_ibuf [dreg:s8], $0x7FFFF;
	_ =	strace $0x90000046  }
0xb5: {  	s29 =	simm.s32 $0x9;
	_ =	strace $0x80000048  }
0xb6: {  	_ =	swait.ge [sflag:s29], $0x1  }
0xb7: {  	[sflag:s29] =	ssyncadd.s32 $0xFFFFFFFF  }
0xb8: {  	_ =	strace $0x90000048  }
0xb9: {  	_ =	sfence  }
0xba: {  	s30 =	sld [smem:$0x0];
	_ =	sdelay $0x2  }
0xbb: {  	s31 =	sshll.u32 s1, $0xD;
	s1 =	sshrl.u32 s1, $0x2  }
0xbc: {  	s3 =	sand.u32 $0x4000, s31;
	s1 =	sadd.s32 s1, s30  }
0xbd: {  	s0 =	sor.u32 s3, s0;
	s1 =	sshll.u32 s1, $0x11  }
0xbe: {  	s0 =	sor.u32 s1, s0  }
0xbf: {  	s0 =	sadd.s32 $0x8F2B, s0  }
0xc0: {  	[sflag:s0] =	ssyncadd.remote.s32 $0x1  }
0xc1: {  	_ =	sfence.sel $0xFFFF  }
0xc2: {  	[dreg:$0x0] =	wrdreg $0xFFFFFFFF;
	(pc) =	sbr.abs _section_cstart, $3  }
0xc3: {  	[dreg:$0x1] =	wrdreg $0xFFFFFFFF  }
0xc4: {  	_ =	task.clear_ibuf [dreg:s8], $0x2FFFF;
	_ =	strace $0x9FFFFFFF  }
0xc5: {  	(tm) =	ssettm $0x7FFFFFFF  }
tec
execute0_lowered:
.L_overlay_start_1:
0x0: {  	(tag) =	ssettag $0x1  }
0x1: {  	s1 =	rddreg [dreg:$0x0]  }
0x2: {  	s0 =	rddreg [dreg:$0x1];
	s2 =	srdreg.scid  }
0x3: {  	s22 =	stileid.u32;
	s4 =	rddreg [dreg:$0x2];
	s3 =	simm.s32 $0x0  }
0x4: {  	s5 =	sand.u32 $0x1, s2;
	s6 =	smul.u32 $0xF424, s22;
	s2 =	rddreg [dreg:$0x3]  }
0x5: {  	s31 =	simm.s32 $0x16C28;
	[smem:$0x7FF] =	sst s3;
	s7 =	ssub.s32 $0x2, s5  }
0x6: {  	s30 =	sshll.u32 s22, $0xB;
	s8 =	sshrl.u32 s7, $0x1;
	s6 =	sand.u32 $0xFFFF8, s6  }
0x7: {  	s9 =	smul.u32 $0xF4240, s5;
	s7 =	ssub.s32 s7, s8;
	s8 =	smin.u32 s6, $0xF23B8  }
0x8: {  	s11 =	smin.u32 s6, $0xF0530;
	s12 =	smin.u32 s6, $0xEE6A8;
	s14 =	smin.u32 s6, $0xEC820  }
0x9: {  	s16 =	smin.u32 s6, $0xEA998;
	s15 =	smin.u32 s6, $0xE8B10;
	s10 =	sadd.s32 s9, s8  }
0xa: {  	s21 =	smin.u32 s6, $0xE6C88;
	s11 =	sadd.s32 $0x1E88, s11;
	s10 =	sshrl.u32 s10, $0x3  }
0xb: {  	s25 =	smin.u32 s6, $0xE4E00;
	s28 =	sadd.s32 s9, s11;
	s10 =	sadd.s32 s4, s10  }
0xc: {  	s12 =	sadd.s32 $0x3D10, s12;
	[dreg:$0x5] =	wrdreg s10;
	s10 =	sshrl.u32 s28, $0x3  }
0xd: {  	s6 =	smin.u32 s6, $0xE2F78;
	s13 =	sadd.s32 s9, s12;
	s10 =	sadd.s32 s4, s10  }
0xe: {  	s13 =	sshrl.u32 s13, $0x3;
	[dreg:$0x6] =	wrdreg s10;
	s10 =	sadd.s32 $0x5B98, s14  }
0xf: {  	s19 =	sadd.s32 $0x7A20, s16;
	s13 =	sadd.s32 s4, s13;
	s14 =	sadd.s32 s9, s10  }
0x10: {  	s20 =	sadd.s32 $0x98A8, s15;
	[dreg:$0x7] =	wrdreg s13;
	s13 =	sshrl.u32 s14, $0x3  }
0x11: {  	s6 =	sadd.s32 $0xF440, s6;
	s17 =	sadd.s32 s9, s19;
	s13 =	sadd.s32 s4, s13  }
0x12: {  	s15 =	sadd.s32 $0x1E8A00, s0;
	[dreg:$0x8] =	wrdreg s13;
	s13 =	sshrl.u32 s17, $0x3  }
0x13: {  	s16 =	sadd.s32 $0x2DCE00, s0;
	s7 =	smax.u32 s7, $0x1;
	s13 =	sadd.s32 s4, s13  }
0x14: {  	s18 =	sadd.s32 s9, s20;
	[dreg:$0x9] =	wrdreg s13;
	s13 =	sadd.s32 $0xB730, s21  }
0x15: {  	s11 =	sadd.s32 s11, s2;
	s14 =	sshrl.u32 s18, $0x3;
	s24 =	sadd.s32 s9, s13  }
0x16: {  	s23 =	sadd.s32 s4, s14;
	s21 =	sadd.s32 $0xD5B8, s25;
	s14 =	sshrl.u32 s24, $0x3  }
0x17: {  	s12 =	sadd.s32 s12, s2;
	s26 =	sadd.s32 s9, s21;
	s14 =	sadd.s32 s4, s14  }
0x18: {  	s9 =	sadd.s32 s9, s6;
	[dreg:$0xb] =	wrdreg s14;
	s14 =	sshrl.u32 s26, $0x3  }
0x19: {  	[dreg:$0xa] =	wrdreg s23;
	s9 =	sshrl.u32 s9, $0x3;
	s14 =	sadd.s32 s4, s14  }
0x1a: {  	s29 =	sadd.s32 s6, s2;
	s4 =	sadd.s32 s4, s9;
	[dreg:$0xc] =	wrdreg s14  }
0x1b: {  	s28 =	ssub.s32 $0x3E0, s22;
	s18 =	smul.u32 $0x1E8480, s5;
	[dreg:$0xd] =	wrdreg s4  }
0x1c: {  	s9 =	sadd.s32 s8, s2;
	_ =	strace $0x80000047;
	[dreg:$0xe] =	wrdreg s7  }
0x1d: {  	s5 =	simm.s32 $0x800;
	s17 =	sshrl.u32 s28, $0x4;
	[dreg:$0xf] =	wrdreg s9  }
0x1e: {  	s23 =	sadd.s32 s10, s2;
	s10 =	simm.s32 $0x4;
	[dreg:$0x10] =	wrdreg s11  }
0x1f: {  	s25 =	sadd.s32 s20, s2;
	s28 =	sadd.s32 s21, s2;
	[dreg:$0x11] =	wrdreg s12  }
0x20: {  	s6 =	simm.s32 $0xFC28;
	s24 =	sadd.s32 s19, s2;
	[dreg:$0x12] =	wrdreg s23  }
0x21: {  	s19 =	simm.s32 $0x0;
	s26 =	sadd.s32 s13, s2;
	[dreg:$0x13] =	wrdreg s24  }
0x22: {  	s13 =	simm.s32 $0x1DC28;
	s8 =	simm.s32 $0x3000;
	[dreg:$0x14] =	wrdreg s25  }
0x23: {  	s14 =	sadd.s32 $0x400, s0;
	s0 =	simm.s32 $0xF428;
	[dreg:$0x15] =	wrdreg s26  }
0x24: {  	v0 =	vlaneseq.u32;
	s4 =	simm.s32 $0x19C28;
	[dreg:$0x16] =	wrdreg s28;
	s7 =	simm.s32 $0x1  }
0x25: {  	v0 =	vmul.u32 $0x8, v0;
	s9 =	simm.s32 $0x13C28;
	s11 =	simm.s32 $0x2;
	s12 =	simm.s32 $0x3  }
.LBB2_1:
0x26: {  	s20 =	rddreg [dreg:$0x5]  }
0x27: {  	[tilespmem:s31], [sflag:$0x4] =	stream.linear.gather [hbm4b:s20+s3], $0x1E88, $0x38;
	[tilespmem:$0x1E428] =	vst v63  }
0x28: {  	_ =	swait.ge [sflag:s10], $0x1E88  }
0x29: {  	[sflag:s10] =	ssyncset.done $0x0  }
0x2a: {  	s26 =	rddreg [dreg:$0xf];
	[sflag:s10] =	ssyncadd.s32 $0xFFFFE178  }
0x2b: {  	[spmem:s26] =	stream.linear.scatter [tilespmem:s31], [sflag:$0x4], $0x1E88, $0x38;
	[tilespmem:$0x1E428] =	vst v63  }
0x2c: {  	_ =	swait.ge [sflag:s10], $0x1E88  }
0x2d: {  	[sflag:s10] =	ssyncset.done $0x0  }
0x2e: {  	s28 =	rddreg [dreg:$0x6];
	[sflag:s10] =	ssyncadd.s32 $0xFFFFE178  }
0x2f: {  	[tilespmem:s31], [sflag:$0x4] =	stream.linear.gather [hbm4b:s28+s3], $0x1E88, $0x38;
	[tilespmem:$0x1E428] =	vst v63  }
0x30: {  	_ =	swait.ge [sflag:s10], $0x1E88  }
0x31: {  	[sflag:s10] =	ssyncset.done $0x0  }
0x32: {  	s21 =	rddreg [dreg:$0x10];
	[sflag:s10] =	ssyncadd.s32 $0xFFFFE178  }
0x33: {  	[spmem:s21] =	stream.linear.scatter [tilespmem:s31], [sflag:$0x4], $0x1E88, $0x38;
	[tilespmem:$0x1E428] =	vst v63  }
0x34: {  	_ =	swait.ge [sflag:s10], $0x1E88  }
0x35: {  	[sflag:s10] =	ssyncset.done $0x0  }
0x36: {  	s22 =	rddreg [dreg:$0x7];
	[sflag:s10] =	ssyncadd.s32 $0xFFFFE178  }
0x37: {  	[tilespmem:s31], [sflag:$0x4] =	stream.linear.gather [hbm4b:s22+s3], $0x1E88, $0x38;
	[tilespmem:$0x1E428] =	vst v63  }
0x38: {  	_ =	swait.ge [sflag:s10], $0x1E88  }
0x39: {  	[sflag:s10] =	ssyncset.done $0x0  }
0x3a: {  	s23 =	rddreg [dreg:$0x11];
	[sflag:s10] =	ssyncadd.s32 $0xFFFFE178  }
0x3b: {  	[spmem:s23] =	stream.linear.scatter [tilespmem:s31], [sflag:$0x4], $0x1E88, $0x38;
	[tilespmem:$0x1E428] =	vst v63  }
0x3c: {  	_ =	swait.ge [sflag:s10], $0x1E88  }
0x3d: {  	[sflag:s10] =	ssyncset.done $0x0  }
0x3e: {  	s24 =	rddreg [dreg:$0x8];
	[sflag:s10] =	ssyncadd.s32 $0xFFFFE178  }
0x3f: {  	[tilespmem:s31], [sflag:$0x4] =	stream.linear.gather [hbm4b:s24+s3], $0x1E88, $0x38;
	[tilespmem:$0x1E428] =	vst v63  }
0x40: {  	_ =	swait.ge [sflag:s10], $0x1E88  }
0x41: {  	[sflag:s10] =	ssyncset.done $0x0  }
0x42: {  	s25 =	rddreg [dreg:$0x12];
	[sflag:s10] =	ssyncadd.s32 $0xFFFFE178  }
0x43: {  	[spmem:s25] =	stream.linear.scatter [tilespmem:s31], [sflag:$0x4], $0x1E88, $0x38;
	[tilespmem:$0x1E428] =	vst v63  }
0x44: {  	_ =	swait.ge [sflag:s10], $0x1E88  }
0x45: {  	[sflag:s10] =	ssyncset.done $0x0  }
0x46: {  	s26 =	rddreg [dreg:$0x9];
	[sflag:s10] =	ssyncadd.s32 $0xFFFFE178  }
0x47: {  	[tilespmem:s31], [sflag:$0x4] =	stream.linear.gather [hbm4b:s26+s3], $0x1E88, $0x38;
	[tilespmem:$0x1E428] =	vst v63  }
0x48: {  	_ =	swait.ge [sflag:s10], $0x1E88  }
0x49: {  	[sflag:s10] =	ssyncset.done $0x0  }
0x4a: {  	s28 =	rddreg [dreg:$0x13];
	[sflag:s10] =	ssyncadd.s32 $0xFFFFE178  }
0x4b: {  	[spmem:s28] =	stream.linear.scatter [tilespmem:s31], [sflag:$0x4], $0x1E88, $0x38;
	[tilespmem:$0x1E428] =	vst v63  }
0x4c: {  	_ =	swait.ge [sflag:s10], $0x1E88  }
0x4d: {  	[sflag:s10] =	ssyncset.done $0x0  }
0x4e: {  	s21 =	rddreg [dreg:$0xa];
	[sflag:s10] =	ssyncadd.s32 $0xFFFFE178  }
0x4f: {  	[tilespmem:s31], [sflag:$0x4] =	stream.linear.gather [hbm4b:s21+s3], $0x1E88, $0x38;
	[tilespmem:$0x1E428] =	vst v63  }
0x50: {  	_ =	swait.ge [sflag:s10], $0x1E88  }
0x51: {  	[sflag:s10] =	ssyncset.done $0x0  }
0x52: {  	s22 =	rddreg [dreg:$0x14];
	[sflag:s10] =	ssyncadd.s32 $0xFFFFE178  }
0x53: {  	[spmem:s22] =	stream.linear.scatter [tilespmem:s31], [sflag:$0x4], $0x1E88, $0x38;
	[tilespmem:$0x1E428] =	vst v63  }
0x54: {  	_ =	swait.ge [sflag:s10], $0x1E88  }
0x55: {  	[sflag:s10] =	ssyncset.done $0x0  }
0x56: {  	s23 =	rddreg [dreg:$0xb];
	[sflag:s10] =	ssyncadd.s32 $0xFFFFE178  }
0x57: {  	[tilespmem:s31], [sflag:$0x4] =	stream.linear.gather [hbm4b:s23+s3], $0x1E88, $0x38;
	[tilespmem:$0x1E428] =	vst v63  }
0x58: {  	_ =	swait.ge [sflag:s10], $0x1E88  }
0x59: {  	[sflag:s10] =	ssyncset.done $0x0  }
0x5a: {  	s24 =	rddreg [dreg:$0x15];
	[sflag:s10] =	ssyncadd.s32 $0xFFFFE178  }
0x5b: {  	[spmem:s24] =	stream.linear.scatter [tilespmem:s31], [sflag:$0x4], $0x1E88, $0x38;
	[tilespmem:$0x1E428] =	vst v63  }
0x5c: {  	_ =	swait.ge [sflag:s10], $0x1E88  }
0x5d: {  	[sflag:s10] =	ssyncset.done $0x0  }
0x5e: {  	s25 =	rddreg [dreg:$0xc];
	[sflag:s10] =	ssyncadd.s32 $0xFFFFE178  }
0x5f: {  	[tilespmem:s31], [sflag:$0x4] =	stream.linear.gather [hbm4b:s25+s3], $0x1E88, $0x38;
	[tilespmem:$0x1E428] =	vst v63  }
0x60: {  	_ =	swait.ge [sflag:s10], $0x1E88  }
0x61: {  	[sflag:s10] =	ssyncset.done $0x0  }
0x62: {  	s26 =	rddreg [dreg:$0x16];
	[sflag:s10] =	ssyncadd.s32 $0xFFFFE178  }
0x63: {  	[spmem:s26] =	stream.linear.scatter [tilespmem:s31], [sflag:$0x4], $0x1E88, $0x38;
	[tilespmem:$0x1E428] =	vst v63  }
0x64: {  	_ =	swait.ge [sflag:s10], $0x1E88  }
0x65: {  	[sflag:s10] =	ssyncset.done $0x0  }
0x66: {  	s28 =	rddreg [dreg:$0xd];
	[sflag:s10] =	ssyncadd.s32 $0xFFFFE178  }
0x67: {  	[tilespmem:s31], [sflag:$0x4] =	stream.linear.gather [hbm4b:s28+s3], $0x1E88, $0x38;
	[tilespmem:$0x1E428] =	vst v63  }
0x68: {  	_ =	swait.ge [sflag:s10], $0x1E88  }
0x69: {  	[sflag:s10] =	ssyncset.done $0x0  }
0x6a: {  	[sflag:s10] =	ssyncadd.s32 $0xFFFFE178  }
0x6b: {  	[spmem:s29] =	stream.linear.scatter [tilespmem:s31], [sflag:$0x4], $0x1E88, $0x38;
	[tilespmem:$0x1E428] =	vst v63  }
0x6c: {  	_ =	swait.ge [sflag:s10], $0x1E88  }
0x6d: {  	[sflag:s10] =	ssyncset.done $0x0  }
0x6e: {  	[sflag:s10] =	ssyncadd.s32 $0xFFFFE178  }
0x6f: {  	s20 =	simm.s32 $0x0;
	[bflag:$0x0] =	sbarrier.arrive $0xFFFF  }
.LBB2_2:
0x70: {  	s21 =	sshll.u32 s20, $0xF  }
0x71: {  	s21 =	sor.u32 s30, s21  }
0x72: {  	p0 =	slt.s32 s21, $0x1E7C80  }
0x73: {  	s21 =	simm.s32 @!p0 $0x1E7C80  }
0x74: {  	s22 =	sshrl.u32 s21, $0x3  }
0x75: {  	s23 =	simm.s32 $0x0;
	s22 =	sadd.s32 s1, s22  }
0x76: {  	[tilespmem:s0], [sflag:$0x4] =	stream.linear.gather [hbm4b:s22+s23], $0x800, $0x38;
	[tilespmem:$0x1E428] =	vst v63  }
0x77: {  	_ =	swait.ge [sflag:s10], $0x800  }
0x78: {  	s24 =	sand.u32 $0x1FFFFC80, s21;
	[sflag:s10] =	ssyncset.done $0x0  }
0x79: {  	v1 =	vmov s23;
	s22 =	sadd.s32 s14, s24;
	[sflag:s10] =	ssyncadd.s32 $0xFFFFF800  }
0x7a: {  	v1 =	vshll.u32 v1, $0x3;
	[tilespmem:s4], [sflag:$0x3] =	stream.linear.gather [hbm4b:s22+s23], $0x4000, $0x38;
	[tilespmem:$0x1E428] =	vst v63  }
0x7b: {  	v1 =	vor.u32 v0, v1  }
0x7c: {  	[tilespmem:s6], [sflag:$0x1] =	stream.indirect.gather [hbm4b:s15+s5], $0x8, s0, s5, $0xb8;
	[tilespmem:$0x1E428] =	vst v63  }
0x7d: {  	_ =	swait.ge [sflag:s7], $0x4000  }
0x7e: {  	[sflag:s7] =	ssyncset.done $0x0  }
0x7f: {  	s25 =	simm.s32 $0x10;
	[sflag:s7] =	ssyncadd.s32 $0xFFFFC000  }
0x80: {  	v2 =	vmov s25;
	v1 =	vld.idx.msk [tilespmem:v1+s6+$0x0], $0xffff  }
0x81: {  	v2 =	vshll.u32 v2, $0x3  }
0x82: {  	v2 =	vor.u32 v0, v2;
	_ =	sdelay $0x2  }
0x83: {  	s23 =	simm.s32 $0x13C68;
	v1 =	vadd.s32 $0xFFFFFFFF, v1  }
0x84: {  	s26 =	simm.s32 $0x20;
	[tilespmem:s23+$0xFFFFFFC0] =	vst v1  }
0x85: {  	v1 =	vld.idx.msk [tilespmem:v2+s6+$0x0], $0xffff;
	v2 =	vmov s26  }
0x86: {  	v2 =	vshll.u32 v2, $0x3  }
0x87: {  	v2 =	vor.u32 v0, v2;
	_ =	sdelay $0x2  }
0x88: {  	v1 =	vadd.s32 $0xFFFFFFFF, v1  }
0x89: {  	s28 =	simm.s32 $0x30;
	[tilespmem:s23+$0xFFFFFFD0] =	vst v1  }
0x8a: {  	v1 =	vld.idx.msk [tilespmem:v2+s6+$0x0], $0xffff;
	v2 =	vmov s28  }
0x8b: {  	v2 =	vshll.u32 v2, $0x3  }
0x8c: {  	v2 =	vor.u32 v0, v2;
	_ =	sdelay $0x2  }
0x8d: {  	v1 =	vadd.s32 $0xFFFFFFFF, v1  }
0x8e: {  	s24 =	simm.s32 $0x40;
	[tilespmem:s23+$0xFFFFFFE0] =	vst v1  }
0x8f: {  	v1 =	vld.idx.msk [tilespmem:v2+s6+$0x0], $0xffff;
	v2 =	vmov s24  }
0x90: {  	v2 =	vshll.u32 v2, $0x3  }
0x91: {  	v2 =	vor.u32 v0, v2;
	_ =	sdelay $0x2  }
0x92: {  	v1 =	vadd.s32 $0xFFFFFFFF, v1  }
0x93: {  	s25 =	simm.s32 $0x50;
	[tilespmem:s23+$0xFFFFFFF0] =	vst v1  }
0x94: {  	v1 =	vld.idx.msk [tilespmem:v2+s6+$0x0], $0xffff;
	v2 =	vmov s25  }
0x95: {  	v2 =	vshll.u32 v2, $0x3  }
0x96: {  	v2 =	vor.u32 v0, v2;
	_ =	sdelay $0x2  }
0x97: {  	v1 =	vadd.s32 $0xFFFFFFFF, v1  }
0x98: {  	s26 =	simm.s32 $0x60;
	[tilespmem:s23+$0x0] =	vst v1  }
0x99: {  	v1 =	vld.idx.msk [tilespmem:v2+s6+$0x0], $0xffff;
	v2 =	vmov s26  }
0x9a: {  	v2 =	vshll.u32 v2, $0x3  }
0x9b: {  	v2 =	vor.u32 v0, v2;
	_ =	sdelay $0x2  }
0x9c: {  	v1 =	vadd.s32 $0xFFFFFFFF, v1  }
0x9d: {  	s28 =	simm.s32 $0x70;
	[tilespmem:s23+$0x10] =	vst v1  }
0x9e: {  	v1 =	vld.idx.msk [tilespmem:v2+s6+$0x0], $0xffff;
	v2 =	vmov s28  }
0x9f: {  	v2 =	vshll.u32 v2, $0x3  }
0xa0: {  	v2 =	vor.u32 v0, v2;
	_ =	sdelay $0x2  }
0xa1: {  	v1 =	vadd.s32 $0xFFFFFFFF, v1  }
0xa2: {  	[tilespmem:s23+$0x20] =	vst v1  }
0xa3: {  	s25 =	simm.s32 $0x0;
	s26 =	simm.s32 $0x80;
	v2 =	vld.idx.msk [tilespmem:v2+s6+$0x0], $0xffff  }
.LBB2_3:
0xa4: {  	v1 =	vmov s26;
	s25 =	sadd.s32 $0x8, s25  }
0xa5: {  	v1 =	vshll.u32 v1, $0x3;
	p0 =	slt.u32 s25, $0x78  }
0xa6: {  	v1 =	vor.u32 v0, v1;
	_ =	sdelay $0x2  }
0xa7: {  	v2 =	vadd.s32 $0xFFFFFFFF, v2  }
0xa8: {  	s24 =	simm.s32 $0x70;
	s22 =	simm.s32 $0x14498;
	[tilespmem:s23+$0x30] =	vst v2  }
0xa9: {  	s28 =	sadd.s32 $0x10, s26;
	v1 =	vld.idx.msk [tilespmem:v1+s6+$0x0], $0xffff  }
0xaa: {  	v2 =	vmov s28  }
0xab: {  	v2 =	vshll.u32 v2, $0x3  }
0xac: {  	v2 =	vor.u32 v0, v2;
	_ =	sdelay $0x2  }
0xad: {  	s23 =	sadd.s32 $0x80, s23;
	v1 =	vadd.s32 $0xFFFFFFFF, v1  }
0xae: {  	[tilespmem:s23+$0xFFFFFFC0] =	vst v1  }
0xaf: {  	s28 =	sadd.s32 $0x20, s26;
	v1 =	vld.idx.msk [tilespmem:v2+s6+$0x0], $0xffff  }
0xb0: {  	v2 =	vmov s28  }
0xb1: {  	v2 =	vshll.u32 v2, $0x3  }
0xb2: {  	v2 =	vor.u32 v0, v2;
	_ =	sdelay $0x2  }
0xb3: {  	v1 =	vadd.s32 $0xFFFFFFFF, v1  }
0xb4: {  	[tilespmem:s23+$0xFFFFFFD0] =	vst v1  }
0xb5: {  	s28 =	sadd.s32 $0x30, s26;
	v1 =	vld.idx.msk [tilespmem:v2+s6+$0x0], $0xffff  }
0xb6: {  	v2 =	vmov s28  }
0xb7: {  	v2 =	vshll.u32 v2, $0x3  }
0xb8: {  	v2 =	vor.u32 v0, v2;
	_ =	sdelay $0x2  }
0xb9: {  	v1 =	vadd.s32 $0xFFFFFFFF, v1  }
0xba: {  	[tilespmem:s23+$0xFFFFFFE0] =	vst v1  }
0xbb: {  	s28 =	sadd.s32 $0x40, s26;
	v1 =	vld.idx.msk [tilespmem:v2+s6+$0x0], $0xffff  }
0xbc: {  	v2 =	vmov s28  }
0xbd: {  	v2 =	vshll.u32 v2, $0x3  }
0xbe: {  	v2 =	vor.u32 v0, v2;
	_ =	sdelay $0x2  }
0xbf: {  	v1 =	vadd.s32 $0xFFFFFFFF, v1  }
0xc0: {  	[tilespmem:s23+$0xFFFFFFF0] =	vst v1  }
0xc1: {  	s28 =	sadd.s32 $0x50, s26;
	v1 =	vld.idx.msk [tilespmem:v2+s6+$0x0], $0xffff  }
0xc2: {  	v2 =	vmov s28  }
0xc3: {  	v2 =	vshll.u32 v2, $0x3  }
0xc4: {  	v2 =	vor.u32 v0, v2;
	_ =	sdelay $0x2  }
0xc5: {  	v1 =	vadd.s32 $0xFFFFFFFF, v1  }
0xc6: {  	[tilespmem:s23+$0x0] =	vst v1  }
0xc7: {  	s28 =	sadd.s32 $0x60, s26;
	v1 =	vld.idx.msk [tilespmem:v2+s6+$0x0], $0xffff  }
0xc8: {  	v2 =	vmov s28  }
0xc9: {  	v2 =	vshll.u32 v2, $0x3  }
0xca: {  	v2 =	vor.u32 v0, v2;
	_ =	sdelay $0x2  }
0xcb: {  	v1 =	vadd.s32 $0xFFFFFFFF, v1  }
0xcc: {  	[tilespmem:s23+$0x10] =	vst v1  }
0xcd: {  	s28 =	sadd.s32 $0x70, s26;
	v1 =	vld.idx.msk [tilespmem:v2+s6+$0x0], $0xffff  }
0xce: {  	v2 =	vmov s28  }
0xcf: {  	v2 =	vshll.u32 v2, $0x3  }
0xd0: {  	v2 =	vor.u32 v0, v2  }
.Ltmp0:
0xd1: {  	(pc) =	sbr.rel @p0 .LBB2_3-.Ltmp0, $4  }
0xd2: {  	_ = 	snop  }
0xd3: {  	v1 =	vadd.s32 $0xFFFFFFFF, v1  }
0xd4: {  	[tilespmem:s23+$0x20] =	vst v1  }
0xd5: {  	s26 =	sadd.s32 $0x80, s26;
	v2 =	vld.idx.msk [tilespmem:v2+s6+$0x0], $0xffff  }
0xd6: {  	s25 =	simm.s32 $0x0  }
0xd7: {  	v1 =	vmov s25  }
0xd8: {  	v1 =	vshll.u32 v1, $0x3  }
0xd9: {  	v1 =	vor.u32 v0, v1  }
0xda: {  	v3 =	vor.u32 $0x1, v1;
	_ =	sdelay $0x2  }
0xdb: {  	s28 =	simm.s32 $0x10;
	v2 =	vadd.s32 $0xFFFFFFFF, v2  }
0xdc: {  	[tilespmem:s23+$0x30] =	vst v2;
	v2 =	vmov s28  }
0xdd: {  	v2 =	vshll.u32 v2, $0x3;
	v3 =	vld.idx.msk [tilespmem:v3+s6+$0x0], $0xffff  }
0xde: {  	v2 =	vor.u32 v0, v2  }
0xdf: {  	v4 =	vor.u32 $0x1, v2;
	_ =	sdelay $0x2  }
0xe0: {  	s26 =	simm.s32 $0x20;
	v3 =	vadd.s32 $0xFFFFFFFF, v3  }
0xe1: {  	[tilespmem:s22+$0xFFFFFF90] =	vst v3;
	v3 =	vmov s26  }
0xe2: {  	v4 =	vld.idx.msk [tilespmem:v4+s6+$0x0], $0xffff;
	v3 =	vshll.u32 v3, $0x3  }
0xe3: {  	v3 =	vor.u32 v0, v3  }
0xe4: {  	v5 =	vor.u32 $0x1, v3;
	_ =	sdelay $0x2  }
0xe5: {  	s28 =	simm.s32 $0x30;
	v4 =	vadd.s32 $0xFFFFFFFF, v4  }
0xe6: {  	[tilespmem:s22+$0xFFFFFFA0] =	vst v4;
	v4 =	vmov s28  }
0xe7: {  	v5 =	vld.idx.msk [tilespmem:v5+s6+$0x0], $0xffff;
	v4 =	vshll.u32 v4, $0x3  }
0xe8: {  	v4 =	vor.u32 v0, v4  }
0xe9: {  	v6 =	vor.u32 $0x1, v4;
	_ =	sdelay $0x2  }
0xea: {  	s25 =	simm.s32 $0x40;
	v5 =	vadd.s32 $0xFFFFFFFF, v5  }
0xeb: {  	[tilespmem:s22+$0xFFFFFFB0] =	vst v5;
	v5 =	vmov s25  }
0xec: {  	v6 =	vld.idx.msk [tilespmem:v6+s6+$0x0], $0xffff;
	v5 =	vshll.u32 v5, $0x3  }
0xed: {  	v5 =	vor.u32 v0, v5  }
0xee: {  	v7 =	vor.u32 $0x1, v5;
	_ =	sdelay $0x2  }
0xef: {  	s26 =	simm.s32 $0x50;
	v6 =	vadd.s32 $0xFFFFFFFF, v6  }
0xf0: {  	[tilespmem:s22+$0xFFFFFFC0] =	vst v6;
	v6 =	vmov s26  }
0xf1: {  	v7 =	vld.idx.msk [tilespmem:v7+s6+$0x0], $0xffff;
	v6 =	vshll.u32 v6, $0x3  }
0xf2: {  	v6 =	vor.u32 v0, v6  }
0xf3: {  	v8 =	vor.u32 $0x1, v6;
	_ =	sdelay $0x2  }
0xf4: {  	s28 =	simm.s32 $0x60;
	v7 =	vadd.s32 $0xFFFFFFFF, v7  }
0xf5: {  	[tilespmem:s22+$0xFFFFFFD0] =	vst v7;
	v7 =	vmov s28  }
0xf6: {  	v8 =	vld.idx.msk [tilespmem:v8+s6+$0x0], $0xffff;
	v7 =	vshll.u32 v7, $0x3  }
0xf7: {  	v7 =	vor.u32 v0, v7  }
0xf8: {  	v9 =	vor.u32 $0x1, v7;
	_ =	sdelay $0x2  }
0xf9: {  	v8 =	vadd.s32 $0xFFFFFFFF, v8  }
0xfa: {  	[tilespmem:s22+$0xFFFFFFE0] =	vst v8;
	v8 =	vmov s24  }
0xfb: {  	v10 =	vld.idx.msk [tilespmem:v9+s6+$0x0], $0xffff;
	v8 =	vshll.u32 v8, $0x3  }
0xfc: {  	v8 =	vor.u32 v0, v8  }
0xfd: {  	v9 =	vor.u32 $0x1, v8;
	_ =	sdelay $0x2  }
0xfe: {  	s25 =	simm.s32 $0xF0;
	s24 =	simm.s32 $0x0;
	v10 =	vadd.s32 $0xFFFFFFFF, v10  }
.LBB2_5:
0xff: {  	s23 =	sadd.s32 $0xFFFFFF90, s25;
	s24 =	sadd.s32 $0x8, s24;
	[tilespmem:s22+$0xFFFFFFF0] =	vst v10  }
0x100: {  	v10 =	vmov s23;
	p0 =	slt.u32 s24, $0x78;
	v9 =	vld.idx.msk [tilespmem:v9+s6+$0x0], $0xffff  }
0x101: {  	v10 =	vshll.u32 v10, $0x3  }
0x102: {  	v10 =	vor.u32 v0, v10  }
0x103: {  	v10 =	vor.u32 $0x1, v10;
	_ =	sdelay $0x2  }
0x104: {  	v9 =	vadd.s32 $0xFFFFFFFF, v9  }
0x105: {  	s26 =	sadd.s32 $0xFFFFFFA0, s25;
	s23 =	simm.s32 $0x14C98;
	[tilespmem:s22+$0x0] =	vst v9  }
0x106: {  	v9 =	vld.idx.msk [tilespmem:v10+s6+$0x0], $0xffff;
	v10 =	vmov s26  }
0x107: {  	v10 =	vshll.u32 v10, $0x3  }
0x108: {  	v10 =	vor.u32 v0, v10  }
0x109: {  	v10 =	vor.u32 $0x1, v10;
	_ =	sdelay $0x2  }
0x10a: {  	s22 =	sadd.s32 $0x80, s22;
	v9 =	vadd.s32 $0xFFFFFFFF, v9  }
0x10b: {  	s26 =	sadd.s32 $0xFFFFFFB0, s25;
	[tilespmem:s22+$0xFFFFFF90] =	vst v9  }
0x10c: {  	v9 =	vld.idx.msk [tilespmem:v10+s6+$0x0], $0xffff;
	v10 =	vmov s26  }
0x10d: {  	v10 =	vshll.u32 v10, $0x3  }
0x10e: {  	v10 =	vor.u32 v0, v10  }
0x10f: {  	v10 =	vor.u32 $0x1, v10;
	_ =	sdelay $0x2  }
0x110: {  	v9 =	vadd.s32 $0xFFFFFFFF, v9  }
0x111: {  	s26 =	sadd.s32 $0xFFFFFFC0, s25;
	[tilespmem:s22+$0xFFFFFFA0] =	vst v9  }
0x112: {  	v9 =	vld.idx.msk [tilespmem:v10+s6+$0x0], $0xffff;
	v10 =	vmov s26  }
0x113: {  	v10 =	vshll.u32 v10, $0x3  }
0x114: {  	v10 =	vor.u32 v0, v10  }
0x115: {  	v10 =	vor.u32 $0x1, v10;
	_ =	sdelay $0x2  }
0x116: {  	v9 =	vadd.s32 $0xFFFFFFFF, v9  }
0x117: {  	s26 =	sadd.s32 $0xFFFFFFD0, s25;
	[tilespmem:s22+$0xFFFFFFB0] =	vst v9  }
0x118: {  	v9 =	vld.idx.msk [tilespmem:v10+s6+$0x0], $0xffff;
	v10 =	vmov s26  }
0x119: {  	v10 =	vshll.u32 v10, $0x3  }
0x11a: {  	v10 =	vor.u32 v0, v10  }
0x11b: {  	v10 =	vor.u32 $0x1, v10;
	_ =	sdelay $0x2  }
0x11c: {  	v9 =	vadd.s32 $0xFFFFFFFF, v9  }
0x11d: {  	s26 =	sadd.s32 $0xFFFFFFE0, s25;
	[tilespmem:s22+$0xFFFFFFC0] =	vst v9  }
0x11e: {  	v9 =	vld.idx.msk [tilespmem:v10+s6+$0x0], $0xffff;
	v10 =	vmov s26  }
0x11f: {  	v10 =	vshll.u32 v10, $0x3  }
0x120: {  	v10 =	vor.u32 v0, v10  }
0x121: {  	v10 =	vor.u32 $0x1, v10;
	_ =	sdelay $0x2  }
0x122: {  	v9 =	vadd.s32 $0xFFFFFFFF, v9  }
0x123: {  	s26 =	sadd.s32 $0xFFFFFFF0, s25;
	[tilespmem:s22+$0xFFFFFFD0] =	vst v9  }
0x124: {  	v9 =	vld.idx.msk [tilespmem:v10+s6+$0x0], $0xffff;
	v10 =	vmov s26  }
0x125: {  	v10 =	vshll.u32 v10, $0x3  }
0x126: {  	v10 =	vor.u32 v0, v10  }
0x127: {  	v10 =	vor.u32 $0x1, v10;
	_ =	sdelay $0x2  }
0x128: {  	v9 =	vadd.s32 $0xFFFFFFFF, v9  }
0x129: {  	[tilespmem:s22+$0xFFFFFFE0] =	vst v9  }
0x12a: {  	v9 =	vmov s25;
	v10 =	vld.idx.msk [tilespmem:v10+s6+$0x0], $0xffff  }
0x12b: {  	v9 =	vshll.u32 v9, $0x3  }
.Ltmp1:
0x12c: {  	v9 =	vor.u32 v0, v9;
	(pc) =	sbr.rel @p0 .LBB2_5-.Ltmp1, $2  }
0x12d: {  	v9 =	vor.u32 $0x1, v9;
	_ =	sdelay $0x2  }
0x12e: {  	s25 =	sadd.s32 $0x80, s25;
	v10 =	vadd.s32 $0xFFFFFFFF, v10  }
0x12f: {  	_ =	sdelay $0x2  }
0x130: {  	[tilespmem:s22+$0xFFFFFFF0] =	vst v10  }
0x131: {  	v9 =	vld.idx.msk [tilespmem:v9+s6+$0x0], $0xffff;
	_ =	sdelay $0x1  }
0x132: {  	v1 =	vor.u32 $0x2, v1;
	_ =	sdelay $0x2  }
0x133: {  	v9 =	vadd.s32 $0xFFFFFFFF, v9  }
0x134: {  	[tilespmem:s22+$0x0] =	vst v9  }
0x135: {  	v1 =	vld.idx.msk [tilespmem:v1+s6+$0x0], $0xffff;
	_ =	sdelay $0x1  }
0x136: {  	v2 =	vor.u32 $0x2, v2;
	_ =	sdelay $0x2  }
0x137: {  	v1 =	vadd.s32 $0xFFFFFFFF, v1  }
0x138: {  	[tilespmem:s23+$0xFFFFFF90] =	vst v1  }
0x139: {  	v1 =	vld.idx.msk [tilespmem:v2+s6+$0x0], $0xffff;
	_ =	sdelay $0x1  }
0x13a: {  	v2 =	vor.u32 $0x2, v3;
	_ =	sdelay $0x2  }
0x13b: {  	v1 =	vadd.s32 $0xFFFFFFFF, v1  }
0x13c: {  	[tilespmem:s23+$0xFFFFFFA0] =	vst v1  }
0x13d: {  	v1 =	vld.idx.msk [tilespmem:v2+s6+$0x0], $0xffff;
	_ =	sdelay $0x1  }
0x13e: {  	v2 =	vor.u32 $0x2, v4;
	_ =	sdelay $0x2  }
0x13f: {  	v1 =	vadd.s32 $0xFFFFFFFF, v1  }
0x140: {  	[tilespmem:s23+$0xFFFFFFB0] =	vst v1  }
0x141: {  	v1 =	vld.idx.msk [tilespmem:v2+s6+$0x0], $0xffff;
	_ =	sdelay $0x1  }
0x142: {  	v2 =	vor.u32 $0x2, v5;
	_ =	sdelay $0x2  }
0x143: {  	v1 =	vadd.s32 $0xFFFFFFFF, v1  }
0x144: {  	[tilespmem:s23+$0xFFFFFFC0] =	vst v1  }
0x145: {  	v1 =	vld.idx.msk [tilespmem:v2+s6+$0x0], $0xffff;
	_ =	sdelay $0x1  }
0x146: {  	v2 =	vor.u32 $0x2, v6;
	_ =	sdelay $0x2  }
0x147: {  	v1 =	vadd.s32 $0xFFFFFFFF, v1  }
0x148: {  	[tilespmem:s23+$0xFFFFFFD0] =	vst v1  }
0x149: {  	v1 =	vld.idx.msk [tilespmem:v2+s6+$0x0], $0xffff;
	_ =	sdelay $0x1  }
0x14a: {  	v2 =	vor.u32 $0x2, v7;
	_ =	sdelay $0x2  }
0x14b: {  	v1 =	vadd.s32 $0xFFFFFFFF, v1  }
0x14c: {  	[tilespmem:s23+$0xFFFFFFE0] =	vst v1  }
0x14d: {  	v2 =	vld.idx.msk [tilespmem:v2+s6+$0x0], $0xffff;
	_ =	sdelay $0x1  }
0x14e: {  	v1 =	vor.u32 $0x2, v8;
	_ =	sdelay $0x2  }
0x14f: {  	s24 =	simm.s32 $0x0;
	s25 =	simm.s32 $0xF0;
	v2 =	vadd.s32 $0xFFFFFFFF, v2  }
.LBB2_7:
0x150: {  	s22 =	sadd.s32 $0xFFFFFF90, s25;
	s24 =	sadd.s32 $0x8, s24;
	[tilespmem:s23+$0xFFFFFFF0] =	vst v2  }
0x151: {  	v2 =	vmov s22;
	p0 =	slt.u32 s24, $0x78;
	v1 =	vld.idx.msk [tilespmem:v1+s6+$0x0], $0xffff  }
0x152: {  	v2 =	vshll.u32 v2, $0x3  }
0x153: {  	v2 =	vor.u32 v0, v2  }
0x154: {  	v2 =	vor.u32 $0x2, v2;
	_ =	sdelay $0x2  }
0x155: {  	v1 =	vadd.s32 $0xFFFFFFFF, v1  }
0x156: {  	s26 =	sadd.s32 $0xFFFFFFA0, s25;
	s22 =	simm.s32 $0x15498;
	[tilespmem:s23+$0x0] =	vst v1  }
0x157: {  	v1 =	vld.idx.msk [tilespmem:v2+s6+$0x0], $0xffff;
	v2 =	vmov s26  }
0x158: {  	v2 =	vshll.u32 v2, $0x3  }
0x159: {  	v2 =	vor.u32 v0, v2  }
0x15a: {  	v2 =	vor.u32 $0x2, v2;
	_ =	sdelay $0x2  }
0x15b: {  	s23 =	sadd.s32 $0x80, s23;
	v1 =	vadd.s32 $0xFFFFFFFF, v1  }
0x15c: {  	s26 =	sadd.s32 $0xFFFFFFB0, s25;
	[tilespmem:s23+$0xFFFFFF90] =	vst v1  }
0x15d: {  	v1 =	vld.idx.msk [tilespmem:v2+s6+$0x0], $0xffff;
	v2 =	vmov s26  }
0x15e: {  	v2 =	vshll.u32 v2, $0x3  }
0x15f: {  	v2 =	vor.u32 v0, v2  }
0x160: {  	v2 =	vor.u32 $0x2, v2;
	_ =	sdelay $0x2  }
0x161: {  	v1 =	vadd.s32 $0xFFFFFFFF, v1  }
0x162: {  	s26 =	sadd.s32 $0xFFFFFFC0, s25;
	[tilespmem:s23+$0xFFFFFFA0] =	vst v1  }
0x163: {  	v1 =	vld.idx.msk [tilespmem:v2+s6+$0x0], $0xffff;
	v2 =	vmov s26  }
0x164: {  	v2 =	vshll.u32 v2, $0x3  }
0x165: {  	v2 =	vor.u32 v0, v2  }
0x166: {  	v2 =	vor.u32 $0x2, v2;
	_ =	sdelay $0x2  }
0x167: {  	v1 =	vadd.s32 $0xFFFFFFFF, v1  }
0x168: {  	s26 =	sadd.s32 $0xFFFFFFD0, s25;
	[tilespmem:s23+$0xFFFFFFB0] =	vst v1  }
0x169: {  	v1 =	vld.idx.msk [tilespmem:v2+s6+$0x0], $0xffff;
	v2 =	vmov s26  }
0x16a: {  	v2 =	vshll.u32 v2, $0x3  }
0x16b: {  	v2 =	vor.u32 v0, v2  }
0x16c: {  	v2 =	vor.u32 $0x2, v2;
	_ =	sdelay $0x2  }
0x16d: {  	v1 =	vadd.s32 $0xFFFFFFFF, v1  }
0x16e: {  	s26 =	sadd.s32 $0xFFFFFFE0, s25;
	[tilespmem:s23+$0xFFFFFFC0] =	vst v1  }
0x16f: {  	v1 =	vld.idx.msk [tilespmem:v2+s6+$0x0], $0xffff;
	v2 =	vmov s26  }
0x170: {  	v2 =	vshll.u32 v2, $0x3  }
0x171: {  	v2 =	vor.u32 v0, v2  }
0x172: {  	v2 =	vor.u32 $0x2, v2;
	_ =	sdelay $0x2  }
0x173: {  	v1 =	vadd.s32 $0xFFFFFFFF, v1  }
0x174: {  	s26 =	sadd.s32 $0xFFFFFFF0, s25;
	[tilespmem:s23+$0xFFFFFFD0] =	vst v1  }
0x175: {  	v1 =	vld.idx.msk [tilespmem:v2+s6+$0x0], $0xffff;
	v2 =	vmov s26  }
0x176: {  	v2 =	vshll.u32 v2, $0x3  }
0x177: {  	v2 =	vor.u32 v0, v2  }
0x178: {  	v2 =	vor.u32 $0x2, v2;
	_ =	sdelay $0x2  }
0x179: {  	v1 =	vadd.s32 $0xFFFFFFFF, v1  }
0x17a: {  	[tilespmem:s23+$0xFFFFFFE0] =	vst v1  }
0x17b: {  	v1 =	vmov s25;
	v2 =	vld.idx.msk [tilespmem:v2+s6+$0x0], $0xffff  }
0x17c: {  	v1 =	vshll.u32 v1, $0x3  }
.Ltmp2:
0x17d: {  	v1 =	vor.u32 v0, v1;
	(pc) =	sbr.rel @p0 .LBB2_7-.Ltmp2, $2  }
0x17e: {  	v1 =	vor.u32 $0x2, v1;
	_ =	sdelay $0x2  }
0x17f: {  	s25 =	sadd.s32 $0x80, s25;
	v2 =	vadd.s32 $0xFFFFFFFF, v2  }
0x180: {  	_ =	sdelay $0x1  }
0x181: {  	s24 =	simm.s32 $0x0  }
0x182: {  	[tilespmem:s23+$0xFFFFFFF0] =	vst v2;
	v2 =	vmov s24  }
0x183: {  	v3 =	vld.idx.msk [tilespmem:v1+s6+$0x0], $0xffff;
	v1 =	vshll.u32 v2, $0x3  }
0x184: {  	v1 =	vor.u32 v0, v1  }
0x185: {  	v2 =	vor.u32 $0x3, v1;
	_ =	sdelay $0x2  }
0x186: {  	s25 =	simm.s32 $0x10;
	v3 =	vadd.s32 $0xFFFFFFFF, v3  }
0x187: {  	[tilespmem:s23+$0x0] =	vst v3;
	v3 =	vmov s25  }
0x188: {  	v4 =	vld.idx.msk [tilespmem:v2+s6+$0x0], $0xffff;
	v2 =	vshll.u32 v3, $0x3  }
0x189: {  	v2 =	vor.u32 v0, v2  }
0x18a: {  	v3 =	vor.u32 $0x3, v2;
	_ =	sdelay $0x2  }
0x18b: {  	s26 =	simm.s32 $0x20;
	v4 =	vadd.s32 $0xFFFFFFFF, v4  }
0x18c: {  	[tilespmem:s22+$0xFFFFFF90] =	vst v4;
	v4 =	vmov s26  }
0x18d: {  	v5 =	vld.idx.msk [tilespmem:v3+s6+$0x0], $0xffff;
	v3 =	vshll.u32 v4, $0x3  }
0x18e: {  	v3 =	vor.u32 v0, v3  }
0x18f: {  	v4 =	vor.u32 $0x3, v3;
	_ =	sdelay $0x2  }
0x190: {  	s28 =	simm.s32 $0x30;
	v5 =	vadd.s32 $0xFFFFFFFF, v5  }
0x191: {  	[tilespmem:s22+$0xFFFFFFA0] =	vst v5;
	v5 =	vmov s28  }
0x192: {  	v6 =	vld.idx.msk [tilespmem:v4+s6+$0x0], $0xffff;
	v4 =	vshll.u32 v5, $0x3  }
0x193: {  	v4 =	vor.u32 v0, v4  }
0x194: {  	v5 =	vor.u32 $0x3, v4;
	_ =	sdelay $0x2  }
0x195: {  	s24 =	simm.s32 $0x40;
	v6 =	vadd.s32 $0xFFFFFFFF, v6  }
0x196: {  	[tilespmem:s22+$0xFFFFFFB0] =	vst v6;
	v6 =	vmov s24  }
0x197: {  	v7 =	vld.idx.msk [tilespmem:v5+s6+$0x0], $0xffff;
	v5 =	vshll.u32 v6, $0x3  }
0x198: {  	v5 =	vor.u32 v0, v5  }
0x199: {  	v6 =	vor.u32 $0x3, v5;
	_ =	sdelay $0x2  }
0x19a: {  	s25 =	simm.s32 $0x50;
	v7 =	vadd.s32 $0xFFFFFFFF, v7  }
0x19b: {  	[tilespmem:s22+$0xFFFFFFC0] =	vst v7;
	v7 =	vmov s25  }
0x19c: {  	v8 =	vld.idx.msk [tilespmem:v6+s6+$0x0], $0xffff;
	v6 =	vshll.u32 v7, $0x3  }
0x19d: {  	v6 =	vor.u32 v0, v6  }
0x19e: {  	v7 =	vor.u32 $0x3, v6;
	_ =	sdelay $0x2  }
0x19f: {  	s26 =	simm.s32 $0x60;
	v8 =	vadd.s32 $0xFFFFFFFF, v8  }
0x1a0: {  	[tilespmem:s22+$0xFFFFFFD0] =	vst v8;
	v8 =	vmov s26  }
0x1a1: {  	v9 =	vld.idx.msk [tilespmem:v7+s6+$0x0], $0xffff;
	v7 =	vshll.u32 v8, $0x3  }
0x1a2: {  	v7 =	vor.u32 v0, v7  }
0x1a3: {  	v8 =	vor.u32 $0x3, v7;
	_ =	sdelay $0x2  }
0x1a4: {  	v9 =	vadd.s32 $0xFFFFFFFF, v9  }
0x1a5: {  	s28 =	simm.s32 $0x70;
	[tilespmem:s22+$0xFFFFFFE0] =	vst v9  }
0x1a6: {  	v10 =	vld.idx.msk [tilespmem:v8+s6+$0x0], $0xffff;
	v8 =	vmov s28  }
0x1a7: {  	v8 =	vshll.u32 v8, $0x3  }
0x1a8: {  	v8 =	vor.u32 v0, v8  }
0x1a9: {  	v9 =	vor.u32 $0x3, v8;
	_ =	sdelay $0x2  }
0x1aa: {  	s24 =	simm.s32 $0x0;
	s25 =	simm.s32 $0xF0;
	v10 =	vadd.s32 $0xFFFFFFFF, v10  }
.LBB2_9:
0x1ab: {  	s23 =	sadd.s32 $0xFFFFFF90, s25;
	s24 =	sadd.s32 $0x8, s24;
	[tilespmem:s22+$0xFFFFFFF0] =	vst v10  }
0x1ac: {  	v10 =	vmov s23;
	p0 =	slt.u32 s24, $0x78;
	v9 =	vld.idx.msk [tilespmem:v9+s6+$0x0], $0xffff  }
0x1ad: {  	v10 =	vshll.u32 v10, $0x3  }
0x1ae: {  	v10 =	vor.u32 v0, v10  }
0x1af: {  	v10 =	vor.u32 $0x3, v10;
	_ =	sdelay $0x2  }
0x1b0: {  	v9 =	vadd.s32 $0xFFFFFFFF, v9  }
0x1b1: {  	s26 =	sadd.s32 $0xFFFFFFA0, s25;
	s23 =	simm.s32 $0x15C98;
	[tilespmem:s22+$0x0] =	vst v9  }
0x1b2: {  	v9 =	vld.idx.msk [tilespmem:v10+s6+$0x0], $0xffff;
	v10 =	vmov s26  }
0x1b3: {  	v10 =	vshll.u32 v10, $0x3  }
0x1b4: {  	v10 =	vor.u32 v0, v10  }
0x1b5: {  	v10 =	vor.u32 $0x3, v10;
	_ =	sdelay $0x2  }
0x1b6: {  	s22 =	sadd.s32 $0x80, s22;
	v9 =	vadd.s32 $0xFFFFFFFF, v9  }
0x1b7: {  	s26 =	sadd.s32 $0xFFFFFFB0, s25;
	[tilespmem:s22+$0xFFFFFF90] =	vst v9  }
0x1b8: {  	v9 =	vld.idx.msk [tilespmem:v10+s6+$0x0], $0xffff;
	v10 =	vmov s26  }
0x1b9: {  	v10 =	vshll.u32 v10, $0x3  }
0x1ba: {  	v10 =	vor.u32 v0, v10  }
0x1bb: {  	v10 =	vor.u32 $0x3, v10;
	_ =	sdelay $0x2  }
0x1bc: {  	v9 =	vadd.s32 $0xFFFFFFFF, v9  }
0x1bd: {  	s26 =	sadd.s32 $0xFFFFFFC0, s25;
	[tilespmem:s22+$0xFFFFFFA0] =	vst v9  }
0x1be: {  	v9 =	vld.idx.msk [tilespmem:v10+s6+$0x0], $0xffff;
	v10 =	vmov s26  }
0x1bf: {  	v10 =	vshll.u32 v10, $0x3  }
0x1c0: {  	v10 =	vor.u32 v0, v10  }
0x1c1: {  	v10 =	vor.u32 $0x3, v10;
	_ =	sdelay $0x2  }
0x1c2: {  	v9 =	vadd.s32 $0xFFFFFFFF, v9  }
0x1c3: {  	s26 =	sadd.s32 $0xFFFFFFD0, s25;
	[tilespmem:s22+$0xFFFFFFB0] =	vst v9  }
0x1c4: {  	v9 =	vld.idx.msk [tilespmem:v10+s6+$0x0], $0xffff;
	v10 =	vmov s26  }
0x1c5: {  	v10 =	vshll.u32 v10, $0x3  }
0x1c6: {  	v10 =	vor.u32 v0, v10  }
0x1c7: {  	v10 =	vor.u32 $0x3, v10;
	_ =	sdelay $0x2  }
0x1c8: {  	v9 =	vadd.s32 $0xFFFFFFFF, v9  }
0x1c9: {  	s26 =	sadd.s32 $0xFFFFFFE0, s25;
	[tilespmem:s22+$0xFFFFFFC0] =	vst v9  }
0x1ca: {  	v9 =	vld.idx.msk [tilespmem:v10+s6+$0x0], $0xffff;
	v10 =	vmov s26  }
0x1cb: {  	v10 =	vshll.u32 v10, $0x3  }
0x1cc: {  	v10 =	vor.u32 v0, v10  }
0x1cd: {  	v10 =	vor.u32 $0x3, v10;
	_ =	sdelay $0x2  }
0x1ce: {  	v9 =	vadd.s32 $0xFFFFFFFF, v9  }
0x1cf: {  	s26 =	sadd.s32 $0xFFFFFFF0, s25;
	[tilespmem:s22+$0xFFFFFFD0] =	vst v9  }
0x1d0: {  	v9 =	vld.idx.msk [tilespmem:v10+s6+$0x0], $0xffff;
	v10 =	vmov s26  }
0x1d1: {  	v10 =	vshll.u32 v10, $0x3  }
0x1d2: {  	v10 =	vor.u32 v0, v10  }
0x1d3: {  	v10 =	vor.u32 $0x3, v10;
	_ =	sdelay $0x2  }
0x1d4: {  	v9 =	vadd.s32 $0xFFFFFFFF, v9  }
0x1d5: {  	[tilespmem:s22+$0xFFFFFFE0] =	vst v9  }
0x1d6: {  	v9 =	vmov s25;
	v10 =	vld.idx.msk [tilespmem:v10+s6+$0x0], $0xffff  }
0x1d7: {  	v9 =	vshll.u32 v9, $0x3  }
.Ltmp3:
0x1d8: {  	v9 =	vor.u32 v0, v9;
	(pc) =	sbr.rel @p0 .LBB2_9-.Ltmp3, $2  }
0x1d9: {  	v9 =	vor.u32 $0x3, v9;
	_ =	sdelay $0x2  }
0x1da: {  	s25 =	sadd.s32 $0x80, s25;
	v10 =	vadd.s32 $0xFFFFFFFF, v10  }
0x1db: {  	_ =	sdelay $0x2  }
0x1dc: {  	[tilespmem:s22+$0xFFFFFFF0] =	vst v10  }
0x1dd: {  	v9 =	vld.idx.msk [tilespmem:v9+s6+$0x0], $0xffff;
	_ =	sdelay $0x1  }
0x1de: {  	v1 =	vor.u32 $0x4, v1;
	_ =	sdelay $0x2  }
0x1df: {  	v9 =	vadd.s32 $0xFFFFFFFF, v9  }
0x1e0: {  	[tilespmem:s22+$0x0] =	vst v9  }
0x1e1: {  	v1 =	vld.idx.msk [tilespmem:v1+s6+$0x0], $0xffff;
	_ =	sdelay $0x1  }
0x1e2: {  	v2 =	vor.u32 $0x4, v2;
	_ =	sdelay $0x2  }
0x1e3: {  	v1 =	vadd.s32 $0xFFFFFFFF, v1  }
0x1e4: {  	[tilespmem:s23+$0xFFFFFF90] =	vst v1  }
0x1e5: {  	v1 =	vld.idx.msk [tilespmem:v2+s6+$0x0], $0xffff;
	_ =	sdelay $0x1  }
0x1e6: {  	v2 =	vor.u32 $0x4, v3;
	_ =	sdelay $0x2  }
0x1e7: {  	v1 =	vadd.s32 $0xFFFFFFFF, v1  }
0x1e8: {  	[tilespmem:s23+$0xFFFFFFA0] =	vst v1  }
0x1e9: {  	v1 =	vld.idx.msk [tilespmem:v2+s6+$0x0], $0xffff;
	_ =	sdelay $0x1  }
0x1ea: {  	v2 =	vor.u32 $0x4, v4;
	_ =	sdelay $0x2  }
0x1eb: {  	v1 =	vadd.s32 $0xFFFFFFFF, v1  }
0x1ec: {  	[tilespmem:s23+$0xFFFFFFB0] =	vst v1  }
0x1ed: {  	v1 =	vld.idx.msk [tilespmem:v2+s6+$0x0], $0xffff;
	_ =	sdelay $0x1  }
0x1ee: {  	v2 =	vor.u32 $0x4, v5;
	_ =	sdelay $0x2  }
0x1ef: {  	v1 =	vadd.s32 $0xFFFFFFFF, v1  }
0x1f0: {  	[tilespmem:s23+$0xFFFFFFC0] =	vst v1  }
0x1f1: {  	v1 =	vld.idx.msk [tilespmem:v2+s6+$0x0], $0xffff;
	_ =	sdelay $0x1  }
0x1f2: {  	v2 =	vor.u32 $0x4, v6;
	_ =	sdelay $0x2  }
0x1f3: {  	v1 =	vadd.s32 $0xFFFFFFFF, v1  }
0x1f4: {  	[tilespmem:s23+$0xFFFFFFD0] =	vst v1  }
0x1f5: {  	v1 =	vld.idx.msk [tilespmem:v2+s6+$0x0], $0xffff;
	_ =	sdelay $0x1  }
0x1f6: {  	v2 =	vor.u32 $0x4, v7;
	_ =	sdelay $0x2  }
0x1f7: {  	v1 =	vadd.s32 $0xFFFFFFFF, v1  }
0x1f8: {  	[tilespmem:s23+$0xFFFFFFE0] =	vst v1  }
0x1f9: {  	v2 =	vld.idx.msk [tilespmem:v2+s6+$0x0], $0xffff;
	_ =	sdelay $0x1  }
0x1fa: {  	v1 =	vor.u32 $0x4, v8;
	_ =	sdelay $0x2  }
0x1fb: {  	s24 =	simm.s32 $0x0;
	s25 =	simm.s32 $0xF0;
	v2 =	vadd.s32 $0xFFFFFFFF, v2  }
.LBB2_11:
0x1fc: {  	s22 =	sadd.s32 $0xFFFFFF90, s25;
	s24 =	sadd.s32 $0x8, s24;
	[tilespmem:s23+$0xFFFFFFF0] =	vst v2  }
0x1fd: {  	v2 =	vmov s22;
	p0 =	slt.u32 s24, $0x78;
	v1 =	vld.idx.msk [tilespmem:v1+s6+$0x0], $0xffff  }
0x1fe: {  	v2 =	vshll.u32 v2, $0x3  }
0x1ff: {  	v2 =	vor.u32 v0, v2  }
0x200: {  	v2 =	vor.u32 $0x4, v2;
	_ =	sdelay $0x2  }
0x201: {  	v1 =	vadd.s32 $0xFFFFFFFF, v1  }
0x202: {  	s26 =	sadd.s32 $0xFFFFFFA0, s25;
	s22 =	simm.s32 $0x16498;
	[tilespmem:s23+$0x0] =	vst v1  }
0x203: {  	v1 =	vld.idx.msk [tilespmem:v2+s6+$0x0], $0xffff;
	v2 =	vmov s26  }
0x204: {  	v2 =	vshll.u32 v2, $0x3  }
0x205: {  	v2 =	vor.u32 v0, v2  }
0x206: {  	v2 =	vor.u32 $0x4, v2;
	_ =	sdelay $0x2  }
0x207: {  	s23 =	sadd.s32 $0x80, s23;
	v1 =	vadd.s32 $0xFFFFFFFF, v1  }
0x208: {  	s26 =	sadd.s32 $0xFFFFFFB0, s25;
	[tilespmem:s23+$0xFFFFFF90] =	vst v1  }
0x209: {  	v1 =	vld.idx.msk [tilespmem:v2+s6+$0x0], $0xffff;
	v2 =	vmov s26  }
0x20a: {  	v2 =	vshll.u32 v2, $0x3  }
0x20b: {  	v2 =	vor.u32 v0, v2  }
0x20c: {  	v2 =	vor.u32 $0x4, v2;
	_ =	sdelay $0x2  }
0x20d: {  	v1 =	vadd.s32 $0xFFFFFFFF, v1  }
0x20e: {  	s26 =	sadd.s32 $0xFFFFFFC0, s25;
	[tilespmem:s23+$0xFFFFFFA0] =	vst v1  }
0x20f: {  	v1 =	vld.idx.msk [tilespmem:v2+s6+$0x0], $0xffff;
	v2 =	vmov s26  }
0x210: {  	v2 =	vshll.u32 v2, $0x3  }
0x211: {  	v2 =	vor.u32 v0, v2  }
0x212: {  	v2 =	vor.u32 $0x4, v2;
	_ =	sdelay $0x2  }
0x213: {  	v1 =	vadd.s32 $0xFFFFFFFF, v1  }
0x214: {  	s26 =	sadd.s32 $0xFFFFFFD0, s25;
	[tilespmem:s23+$0xFFFFFFB0] =	vst v1  }
0x215: {  	v1 =	vld.idx.msk [tilespmem:v2+s6+$0x0], $0xffff;
	v2 =	vmov s26  }
0x216: {  	v2 =	vshll.u32 v2, $0x3  }
0x217: {  	v2 =	vor.u32 v0, v2  }
0x218: {  	v2 =	vor.u32 $0x4, v2;
	_ =	sdelay $0x2  }
0x219: {  	v1 =	vadd.s32 $0xFFFFFFFF, v1  }
0x21a: {  	s26 =	sadd.s32 $0xFFFFFFE0, s25;
	[tilespmem:s23+$0xFFFFFFC0] =	vst v1  }
0x21b: {  	v1 =	vld.idx.msk [tilespmem:v2+s6+$0x0], $0xffff;
	v2 =	vmov s26  }
0x21c: {  	v2 =	vshll.u32 v2, $0x3  }
0x21d: {  	v2 =	vor.u32 v0, v2  }
0x21e: {  	v2 =	vor.u32 $0x4, v2;
	_ =	sdelay $0x2  }
0x21f: {  	v1 =	vadd.s32 $0xFFFFFFFF, v1  }
0x220: {  	s26 =	sadd.s32 $0xFFFFFFF0, s25;
	[tilespmem:s23+$0xFFFFFFD0] =	vst v1  }
0x221: {  	v1 =	vld.idx.msk [tilespmem:v2+s6+$0x0], $0xffff;
	v2 =	vmov s26  }
0x222: {  	v2 =	vshll.u32 v2, $0x3  }
0x223: {  	v2 =	vor.u32 v0, v2  }
0x224: {  	v2 =	vor.u32 $0x4, v2;
	_ =	sdelay $0x2  }
0x225: {  	v1 =	vadd.s32 $0xFFFFFFFF, v1  }
0x226: {  	[tilespmem:s23+$0xFFFFFFE0] =	vst v1  }
0x227: {  	v1 =	vmov s25;
	v2 =	vld.idx.msk [tilespmem:v2+s6+$0x0], $0xffff  }
0x228: {  	v1 =	vshll.u32 v1, $0x3  }
.Ltmp4:
0x229: {  	v1 =	vor.u32 v0, v1;
	(pc) =	sbr.rel @p0 .LBB2_11-.Ltmp4, $2  }
0x22a: {  	v1 =	vor.u32 $0x4, v1;
	_ =	sdelay $0x2  }
0x22b: {  	s25 =	sadd.s32 $0x80, s25;
	v2 =	vadd.s32 $0xFFFFFFFF, v2  }
0x22c: {  	_ =	sdelay $0x1  }
0x22d: {  	s24 =	simm.s32 $0x0  }
0x22e: {  	[tilespmem:s23+$0xFFFFFFF0] =	vst v2;
	v2 =	vmov s24  }
0x22f: {  	v1 =	vld.idx.msk [tilespmem:v1+s6+$0x0], $0xffff;
	v2 =	vshll.u32 v2, $0x3  }
0x230: {  	v2 =	vor.u32 v0, v2  }
0x231: {  	v2 =	vor.u32 $0x5, v2;
	_ =	sdelay $0x2  }
0x232: {  	s25 =	simm.s32 $0x10;
	v1 =	vadd.s32 $0xFFFFFFFF, v1  }
0x233: {  	[tilespmem:s23+$0x0] =	vst v1;
	v1 =	vmov s25  }
0x234: {  	v1 =	vshll.u32 v1, $0x3;
	v2 =	vld.idx.msk [tilespmem:v2+s6+$0x0], $0xffff  }
0x235: {  	v1 =	vor.u32 v0, v1  }
0x236: {  	v1 =	vor.u32 $0x5, v1;
	_ =	sdelay $0x2  }
0x237: {  	s26 =	simm.s32 $0x20;
	v2 =	vadd.s32 $0xFFFFFFFF, v2  }
0x238: {  	[tilespmem:s22+$0xFFFFFF90] =	vst v2;
	v2 =	vmov s26  }
0x239: {  	v1 =	vld.idx.msk [tilespmem:v1+s6+$0x0], $0xffff;
	v2 =	vshll.u32 v2, $0x3  }
0x23a: {  	v2 =	vor.u32 v0, v2  }
0x23b: {  	v2 =	vor.u32 $0x5, v2;
	_ =	sdelay $0x2  }
0x23c: {  	s28 =	simm.s32 $0x30;
	v1 =	vadd.s32 $0xFFFFFFFF, v1  }
0x23d: {  	[tilespmem:s22+$0xFFFFFFA0] =	vst v1;
	v1 =	vmov s28  }
0x23e: {  	v2 =	vld.idx.msk [tilespmem:v2+s6+$0x0], $0xffff;
	v1 =	vshll.u32 v1, $0x3  }
0x23f: {  	v1 =	vor.u32 v0, v1  }
0x240: {  	v1 =	vor.u32 $0x5, v1;
	_ =	sdelay $0x2  }
0x241: {  	s24 =	simm.s32 $0x40;
	v2 =	vadd.s32 $0xFFFFFFFF, v2  }
0x242: {  	[tilespmem:s22+$0xFFFFFFB0] =	vst v2;
	v2 =	vmov s24  }
0x243: {  	v1 =	vld.idx.msk [tilespmem:v1+s6+$0x0], $0xffff;
	v2 =	vshll.u32 v2, $0x3  }
0x244: {  	v2 =	vor.u32 v0, v2  }
0x245: {  	v2 =	vor.u32 $0x5, v2;
	_ =	sdelay $0x2  }
0x246: {  	s25 =	simm.s32 $0x50;
	v1 =	vadd.s32 $0xFFFFFFFF, v1  }
0x247: {  	[tilespmem:s22+$0xFFFFFFC0] =	vst v1;
	v1 =	vmov s25  }
0x248: {  	v2 =	vld.idx.msk [tilespmem:v2+s6+$0x0], $0xffff;
	v1 =	vshll.u32 v1, $0x3  }
0x249: {  	v1 =	vor.u32 v0, v1  }
0x24a: {  	v1 =	vor.u32 $0x5, v1;
	_ =	sdelay $0x2  }
0x24b: {  	s26 =	simm.s32 $0x60;
	v2 =	vadd.s32 $0xFFFFFFFF, v2  }
0x24c: {  	[tilespmem:s22+$0xFFFFFFD0] =	vst v2;
	v2 =	vmov s26  }
0x24d: {  	v1 =	vld.idx.msk [tilespmem:v1+s6+$0x0], $0xffff;
	v2 =	vshll.u32 v2, $0x3  }
0x24e: {  	v2 =	vor.u32 v0, v2  }
0x24f: {  	v2 =	vor.u32 $0x5, v2;
	_ =	sdelay $0x2  }
0x250: {  	s28 =	simm.s32 $0x70;
	v1 =	vadd.s32 $0xFFFFFFFF, v1  }
0x251: {  	[tilespmem:s22+$0xFFFFFFE0] =	vst v1;
	v1 =	vmov s28  }
0x252: {  	v2 =	vld.idx.msk [tilespmem:v2+s6+$0x0], $0xffff;
	v1 =	vshll.u32 v1, $0x3  }
0x253: {  	v1 =	vor.u32 v0, v1  }
0x254: {  	v1 =	vor.u32 $0x5, v1;
	_ =	sdelay $0x2  }
0x255: {  	s23 =	simm.s32 $0x0;
	s24 =	simm.s32 $0xF0;
	v2 =	vadd.s32 $0xFFFFFFFF, v2  }
.LBB2_13:
0x256: {  	s25 =	sadd.s32 $0xFFFFFF90, s24;
	s23 =	sadd.s32 $0x8, s23;
	[tilespmem:s22+$0xFFFFFFF0] =	vst v2  }
0x257: {  	v2 =	vmov s25;
	p0 =	slt.u32 s23, $0x78;
	v1 =	vld.idx.msk [tilespmem:v1+s6+$0x0], $0xffff  }
0x258: {  	v2 =	vshll.u32 v2, $0x3  }
0x259: {  	v2 =	vor.u32 v0, v2  }
0x25a: {  	v2 =	vor.u32 $0x5, v2;
	_ =	sdelay $0x2  }
0x25b: {  	v1 =	vadd.s32 $0xFFFFFFFF, v1  }
0x25c: {  	s25 =	sadd.s32 $0xFFFFFFA0, s24;
	[tilespmem:s22+$0x0] =	vst v1  }
0x25d: {  	v1 =	vld.idx.msk [tilespmem:v2+s6+$0x0], $0xffff;
	v2 =	vmov s25  }
0x25e: {  	v2 =	vshll.u32 v2, $0x3  }
0x25f: {  	v2 =	vor.u32 v0, v2  }
0x260: {  	v2 =	vor.u32 $0x5, v2;
	_ =	sdelay $0x2  }
0x261: {  	s22 =	sadd.s32 $0x80, s22;
	v1 =	vadd.s32 $0xFFFFFFFF, v1  }
0x262: {  	s25 =	sadd.s32 $0xFFFFFFB0, s24;
	[tilespmem:s22+$0xFFFFFF90] =	vst v1  }
0x263: {  	v1 =	vld.idx.msk [tilespmem:v2+s6+$0x0], $0xffff;
	v2 =	vmov s25  }
0x264: {  	v2 =	vshll.u32 v2, $0x3  }
0x265: {  	v2 =	vor.u32 v0, v2  }
0x266: {  	v2 =	vor.u32 $0x5, v2;
	_ =	sdelay $0x2  }
0x267: {  	v1 =	vadd.s32 $0xFFFFFFFF, v1  }
0x268: {  	s25 =	sadd.s32 $0xFFFFFFC0, s24;
	[tilespmem:s22+$0xFFFFFFA0] =	vst v1  }
0x269: {  	v1 =	vld.idx.msk [tilespmem:v2+s6+$0x0], $0xffff;
	v2 =	vmov s25  }
0x26a: {  	v2 =	vshll.u32 v2, $0x3  }
0x26b: {  	v2 =	vor.u32 v0, v2  }
0x26c: {  	v2 =	vor.u32 $0x5, v2;
	_ =	sdelay $0x2  }
0x26d: {  	v1 =	vadd.s32 $0xFFFFFFFF, v1  }
0x26e: {  	s25 =	sadd.s32 $0xFFFFFFD0, s24;
	[tilespmem:s22+$0xFFFFFFB0] =	vst v1  }
0x26f: {  	v1 =	vld.idx.msk [tilespmem:v2+s6+$0x0], $0xffff;
	v2 =	vmov s25  }
0x270: {  	v2 =	vshll.u32 v2, $0x3  }
0x271: {  	v2 =	vor.u32 v0, v2  }
0x272: {  	v2 =	vor.u32 $0x5, v2;
	_ =	sdelay $0x2  }
0x273: {  	v1 =	vadd.s32 $0xFFFFFFFF, v1  }
0x274: {  	s25 =	sadd.s32 $0xFFFFFFE0, s24;
	[tilespmem:s22+$0xFFFFFFC0] =	vst v1  }
0x275: {  	v1 =	vld.idx.msk [tilespmem:v2+s6+$0x0], $0xffff;
	v2 =	vmov s25  }
0x276: {  	v2 =	vshll.u32 v2, $0x3  }
0x277: {  	v2 =	vor.u32 v0, v2  }
0x278: {  	v2 =	vor.u32 $0x5, v2;
	_ =	sdelay $0x2  }
0x279: {  	v1 =	vadd.s32 $0xFFFFFFFF, v1  }
0x27a: {  	s25 =	sadd.s32 $0xFFFFFFF0, s24;
	[tilespmem:s22+$0xFFFFFFD0] =	vst v1  }
0x27b: {  	v1 =	vld.idx.msk [tilespmem:v2+s6+$0x0], $0xffff;
	v2 =	vmov s25  }
0x27c: {  	v2 =	vshll.u32 v2, $0x3  }
0x27d: {  	v2 =	vor.u32 v0, v2  }
0x27e: {  	v2 =	vor.u32 $0x5, v2;
	_ =	sdelay $0x2  }
0x27f: {  	v1 =	vadd.s32 $0xFFFFFFFF, v1  }
0x280: {  	[tilespmem:s22+$0xFFFFFFE0] =	vst v1  }
0x281: {  	v1 =	vmov s24;
	v2 =	vld.idx.msk [tilespmem:v2+s6+$0x0], $0xffff  }
0x282: {  	v1 =	vshll.u32 v1, $0x3  }
.Ltmp5:
0x283: {  	v1 =	vor.u32 v0, v1;
	(pc) =	sbr.rel @p0 .LBB2_13-.Ltmp5, $2  }
0x284: {  	v1 =	vor.u32 $0x5, v1;
	_ =	sdelay $0x2  }
0x285: {  	s24 =	sadd.s32 $0x80, s24;
	v2 =	vadd.s32 $0xFFFFFFFF, v2  }
0x286: {  	_ =	sdelay $0x2  }
0x287: {  	[tilespmem:s22+$0xFFFFFFF0] =	vst v2  }
0x288: {  	v1 =	vld.idx.msk [tilespmem:v1+s6+$0x0], $0xffff;
	_ =	sdelay $0x4  }
0x289: {  	v1 =	vadd.s32 $0xFFFFFFFF, v1  }
0x28a: {  	s26 =	simm.s32 $0x0;
	[tilespmem:s22+$0x0] =	vst v1  }
0x28b: {  	v1 =	vmov s26;
	[tilespmem:s31], [sflag:$0x2] =	stream.indirect.gather [spmem:s2], $0x1, s9, s8, $0xb8;
	[tilespmem:$0x1E428] =	vst v63  }
0x28c: {  	v1 =	vshll.u32 v1, $0x3;
	_ =	swait.ge [sflag:s11], $0x3000  }
0x28d: {  	v1 =	vor.u32 v0, v1;
	[sflag:s11] =	ssyncset.done $0x0  }
0x28e: {  	[sflag:s11] =	ssyncadd.s32 $0xFFFFD000  }
0x28f: {  	v2 =	vor.u32 $0x1, v1;
	_ =	swait.ge [sflag:s12], $0x4000  }
0x290: {  	[sflag:s12] =	ssyncset.done $0x0  }
0x291: {  	v3 =	vor.u32 $0x2, v1;
	[sflag:s12] =	ssyncadd.s32 $0xFFFFC000  }
0x292: {  	s22 =	simm.s32 $0x18428;
	v4 =	vld.idx.msk [tilespmem:v1+s4+$0x0], $0xffff  }
0x293: {  	v5 =	vor.u32 $0x3, v1;
	v6 =	vld [tilespmem:s22+$0xFFFFE800]  }
0x294: {  	v2 =	vld.idx.msk [tilespmem:v2+s4+$0x0], $0xffff  }
0x295: {  	v7 =	vor.u32 $0x4, v1;
	v8 =	vld [tilespmem:s22+$0xFFFFF000]  }
0x296: {  	v3 =	vld.idx.msk [tilespmem:v3+s4+$0x0], $0xffff  }
0x297: {  	v1 =	vor.u32 $0x5, v1;
	v9 =	vld [tilespmem:s22+$0xFFFFF800]  }
0x298: {  	v5 =	vld.idx.msk [tilespmem:v5+s4+$0x0], $0xffff;
	v4 =	vmul.f32 v6, v4  }
0x299: {  	v6 =	vld [tilespmem:s22+$0x0]  }
0x29a: {  	v7 =	vld.idx.msk [tilespmem:v7+s4+$0x0], $0xffff;
	v2 =	vmul.f32 v8, v2;
	v4 =	vadd.f32 $0.0e+00, v4  }
0x29b: {  	v8 =	vld [tilespmem:s22+$0x800]  }
0x29c: {  	v3 =	vmul.f32 v9, v3;
	v1 =	vld.idx.msk [tilespmem:v1+s4+$0x0], $0xffff;
	v2 =	vadd.f32 v2, v4  }
0x29d: {  	v4 =	vld [tilespmem:s22+$0x1000]  }
0x29e: {  	v2 =	vadd.f32 v3, v2;
	v3 =	vmul.f32 v6, v5  }
0x29f: {  	s23 =	simm.s32 $0x10  }
0x2a0: {  	v5 =	vmov s23;
	v2 =	vadd.f32 v3, v2;
	v3 =	vmul.f32 v8, v7  }
0x2a1: {  	v5 =	vshll.u32 v5, $0x3  }
0x2a2: {  	v1 =	vmul.f32 v4, v1;
	v2 =	vadd.f32 v3, v2;
	v3 =	vor.u32 v0, v5;
	_ =	sdelay $0x1  }
0x2a3: {  	v1 =	vadd.f32 v1, v2  }
0x2a4: {  	s23 =	simm.s32 $0x1DC48;
	v2 =	vor.u32 $0x1, v3  }
0x2a5: {  	[tilespmem:s23+$0xFFFFFFE0] =	vst v1  }
0x2a6: {  	v1 =	vor.u32 $0x2, v3;
	v4 =	vld.idx.msk [tilespmem:v3+s4+$0x0], $0xffff  }
0x2a7: {  	v6 =	vor.u32 $0x3, v3;
	v5 =	vld [tilespmem:s22+$0xFFFFE810]  }
0x2a8: {  	v7 =	vld [tilespmem:s22+$0xFFFFF010]  }
0x2a9: {  	v8 =	vor.u32 $0x4, v3;
	v2 =	vld.idx.msk [tilespmem:v2+s4+$0x0], $0xffff  }
0x2aa: {  	v61 =	vld [tilespmem:s22+$0xFFFFF810]  }
0x2ab: {  	v3 =	vor.u32 $0x5, v3;
	v1 =	vld.idx.msk [tilespmem:v1+s4+$0x0], $0xffff  }
0x2ac: {  	v4 =	vmul.f32 v5, v4;
	v5 =	vld.idx.msk [tilespmem:v6+s4+$0x0], $0xffff  }
0x2ad: {  	v6 =	vld [tilespmem:s22+$0x10]  }
0x2ae: {  	v4 =	vadd.f32 $0.0e+00, v4;
	v2 =	vmul.f32 v7, v2;
	v7 =	vld.idx.msk [tilespmem:v8+s4+$0x0], $0xffff  }
0x2af: {  	v8 =	vld [tilespmem:s22+$0x810]  }
0x2b0: {  	v3 =	vld.idx.msk [tilespmem:v3+s4+$0x0], $0xffff;
	v2 =	vadd.f32 v2, v4;
	v1 =	vmul.f32 v61, v1  }
0x2b1: {  	v4 =	vld [tilespmem:s22+$0x1010]  }
0x2b2: {  	v1 =	vadd.f32 v1, v2;
	v2 =	vmul.f32 v6, v5  }
0x2b3: {  	s24 =	simm.s32 $0x20  }
0x2b4: {  	v5 =	vmov s24;
	v1 =	vadd.f32 v2, v1;
	v2 =	vmul.f32 v8, v7  }
0x2b5: {  	v5 =	vshll.u32 v5, $0x3  }
0x2b6: {  	v1 =	vadd.f32 v2, v1;
	v2 =	vmul.f32 v4, v3;
	v3 =	vor.u32 v0, v5;
	_ =	sdelay $0x1  }
0x2b7: {  	v1 =	vadd.f32 v2, v1  }
0x2b8: {  	v2 =	vor.u32 $0x1, v3  }
0x2b9: {  	[tilespmem:s23+$0xFFFFFFF0] =	vst v1  }
0x2ba: {  	v1 =	vor.u32 $0x2, v3;
	v4 =	vld.idx.msk [tilespmem:v3+s4+$0x0], $0xffff  }
0x2bb: {  	v6 =	vor.u32 $0x3, v3;
	v5 =	vld [tilespmem:s22+$0xFFFFE820]  }
0x2bc: {  	v7 =	vld [tilespmem:s22+$0xFFFFF020]  }
0x2bd: {  	v8 =	vor.u32 $0x4, v3;
	v2 =	vld.idx.msk [tilespmem:v2+s4+$0x0], $0xffff  }
0x2be: {  	v62 =	vld [tilespmem:s22+$0xFFFFF820]  }
0x2bf: {  	v3 =	vor.u32 $0x5, v3;
	v1 =	vld.idx.msk [tilespmem:v1+s4+$0x0], $0xffff  }
0x2c0: {  	v4 =	vmul.f32 v5, v4;
	v5 =	vld.idx.msk [tilespmem:v6+s4+$0x0], $0xffff  }
0x2c1: {  	v6 =	vld [tilespmem:s22+$0x20]  }
0x2c2: {  	v4 =	vadd.f32 $0.0e+00, v4;
	v2 =	vmul.f32 v7, v2;
	v7 =	vld.idx.msk [tilespmem:v8+s4+$0x0], $0xffff  }
0x2c3: {  	v8 =	vld [tilespmem:s22+$0x820]  }
0x2c4: {  	v3 =	vld.idx.msk [tilespmem:v3+s4+$0x0], $0xffff;
	v2 =	vadd.f32 v2, v4;
	v1 =	vmul.f32 v62, v1  }
0x2c5: {  	v4 =	vld [tilespmem:s22+$0x1020]  }
0x2c6: {  	v1 =	vadd.f32 v1, v2;
	v2 =	vmul.f32 v6, v5  }
0x2c7: {  	s28 =	simm.s32 $0x30  }
0x2c8: {  	v5 =	vmov s28;
	v1 =	vadd.f32 v2, v1;
	v2 =	vmul.f32 v8, v7  }
0x2c9: {  	v5 =	vshll.u32 v5, $0x3  }
0x2ca: {  	v1 =	vadd.f32 v2, v1;
	v2 =	vmul.f32 v4, v3;
	v3 =	vor.u32 v0, v5;
	_ =	sdelay $0x1  }
0x2cb: {  	v1 =	vadd.f32 v2, v1  }
0x2cc: {  	v2 =	vor.u32 $0x1, v3  }
0x2cd: {  	[tilespmem:s23+$0x0] =	vst v1  }
0x2ce: {  	v1 =	vor.u32 $0x2, v3;
	v4 =	vld.idx.msk [tilespmem:v3+s4+$0x0], $0xffff  }
0x2cf: {  	v6 =	vor.u32 $0x3, v3;
	v5 =	vld [tilespmem:s22+$0xFFFFE830]  }
0x2d0: {  	v7 =	vld [tilespmem:s22+$0xFFFFF030]  }
0x2d1: {  	v8 =	vor.u32 $0x4, v3;
	v2 =	vld.idx.msk [tilespmem:v2+s4+$0x0], $0xffff  }
0x2d2: {  	v63 =	vld [tilespmem:s22+$0xFFFFF830]  }
0x2d3: {  	v3 =	vor.u32 $0x5, v3;
	v1 =	vld.idx.msk [tilespmem:v1+s4+$0x0], $0xffff  }
0x2d4: {  	v4 =	vmul.f32 v5, v4;
	v5 =	vld.idx.msk [tilespmem:v6+s4+$0x0], $0xffff  }
0x2d5: {  	v6 =	vld [tilespmem:s22+$0x30]  }
0x2d6: {  	v4 =	vadd.f32 $0.0e+00, v4;
	v2 =	vmul.f32 v7, v2;
	v7 =	vld.idx.msk [tilespmem:v8+s4+$0x0], $0xffff  }
0x2d7: {  	v8 =	vld [tilespmem:s22+$0x830]  }
0x2d8: {  	v3 =	vld.idx.msk [tilespmem:v3+s4+$0x0], $0xffff;
	v2 =	vadd.f32 v2, v4;
	v1 =	vmul.f32 v63, v1  }
0x2d9: {  	v4 =	vld [tilespmem:s22+$0x1030]  }
0x2da: {  	v1 =	vadd.f32 v1, v2;
	v2 =	vmul.f32 v6, v5  }
0x2db: {  	s24 =	simm.s32 $0x40  }
0x2dc: {  	v5 =	vmov s24;
	v1 =	vadd.f32 v2, v1;
	v2 =	vmul.f32 v8, v7  }
0x2dd: {  	v5 =	vshll.u32 v5, $0x3  }
0x2de: {  	v5 =	vor.u32 v0, v5;
	v8 =	vmul.f32 v4, v3;
	v7 =	vadd.f32 v2, v1  }
0x2df: {  	v6 =	vor.u32 $0x1, v5;
	v4 =	vor.u32 $0x2, v5;
	v3 =	vor.u32 $0x3, v5  }
0x2e0: {  	s25 =	simm.s32 $0x4;
	v2 =	vor.u32 $0x4, v5;
	v1 =	vor.u32 $0x5, v5;
	v7 =	vadd.f32 v8, v7  }
.LBB2_15:
0x2e1: {  	_ = 	snop  }
0x2e2: {  	s25 =	sadd.s32 $0x4, s25;
	s22 =	sadd.s32 $0x40, s22;
	[tilespmem:s23+$0x10] =	vst v7;
	s23 =	sadd.s32 $0x40, s23  }
0x2e3: {  	p0 =	slt.u32 s25, $0x7C;
	v5 =	vld.idx.msk [tilespmem:v5+s4+$0x0], $0xffff  }
0x2e4: {  	v7 =	vld [tilespmem:s22+$0xFFFFE800]  }
0x2e5: {  	v6 =	vld.idx.msk [tilespmem:v6+s4+$0x0], $0xffff  }
0x2e6: {  	v8 =	vld [tilespmem:s22+$0xFFFFF000]  }
0x2e7: {  	v4 =	vld.idx.msk [tilespmem:v4+s4+$0x0], $0xffff  }
0x2e8: {  	v9 =	vld [tilespmem:s22+$0xFFFFF800]  }
0x2e9: {  	v5 =	vmul.f32 v7, v5;
	v3 =	vld.idx.msk [tilespmem:v3+s4+$0x0], $0xffff  }
0x2ea: {  	v7 =	vld [tilespmem:s22+$0x0]  }
0x2eb: {  	v5 =	vadd.f32 $0.0e+00, v5;
	v6 =	vmul.f32 v8, v6;
	v2 =	vld.idx.msk [tilespmem:v2+s4+$0x0], $0xffff  }
0x2ec: {  	v8 =	vld [tilespmem:s22+$0x800]  }
0x2ed: {  	v5 =	vadd.f32 v6, v5;
	v4 =	vmul.f32 v9, v4;
	v1 =	vld.idx.msk [tilespmem:v1+s4+$0x0], $0xffff  }
0x2ee: {  	v6 =	vld [tilespmem:s22+$0x1000]  }
0x2ef: {  	v4 =	vadd.f32 v4, v5;
	v3 =	vmul.f32 v7, v3  }
0x2f0: {  	s26 =	sadd.s32 $0x10, s24  }
0x2f1: {  	v3 =	vadd.f32 v3, v4;
	v2 =	vmul.f32 v8, v2;
	v4 =	vmov s26  }
0x2f2: {  	v4 =	vshll.u32 v4, $0x3  }
0x2f3: {  	v2 =	vadd.f32 v2, v3;
	v1 =	vmul.f32 v6, v1;
	v3 =	vor.u32 v0, v4;
	_ =	sdelay $0x1  }
0x2f4: {  	v1 =	vadd.f32 v1, v2;
	v2 =	vor.u32 $0x1, v3;
	_ =	sdelay $0x1  }
0x2f5: {  	[tilespmem:s23+$0xFFFFFFE0] =	vst v1;
	v1 =	vor.u32 $0x2, v3  }
0x2f6: {  	v4 =	vld.idx.msk [tilespmem:v3+s4+$0x0], $0xffff  }
0x2f7: {  	v6 =	vor.u32 $0x3, v3;
	v5 =	vld [tilespmem:s22+$0xFFFFE810]  }
0x2f8: {  	v2 =	vld.idx.msk [tilespmem:v2+s4+$0x0], $0xffff  }
0x2f9: {  	v8 =	vor.u32 $0x4, v3;
	v7 =	vld [tilespmem:s22+$0xFFFFF010]  }
0x2fa: {  	v1 =	vld.idx.msk [tilespmem:v1+s4+$0x0], $0xffff  }
0x2fb: {  	v3 =	vor.u32 $0x5, v3;
	v9 =	vld [tilespmem:s22+$0xFFFFF810]  }
0x2fc: {  	v4 =	vmul.f32 v5, v4;
	v5 =	vld.idx.msk [tilespmem:v6+s4+$0x0], $0xffff  }
0x2fd: {  	v6 =	vld [tilespmem:s22+$0x10]  }
0x2fe: {  	v4 =	vadd.f32 $0.0e+00, v4;
	v2 =	vmul.f32 v7, v2;
	v7 =	vld.idx.msk [tilespmem:v8+s4+$0x0], $0xffff  }
0x2ff: {  	v8 =	vld [tilespmem:s22+$0x810]  }
0x300: {  	v2 =	vadd.f32 v2, v4;
	v1 =	vmul.f32 v9, v1;
	v3 =	vld.idx.msk [tilespmem:v3+s4+$0x0], $0xffff  }
0x301: {  	v4 =	vld [tilespmem:s22+$0x1010]  }
0x302: {  	v1 =	vadd.f32 v1, v2;
	v2 =	vmul.f32 v6, v5  }
0x303: {  	s26 =	sadd.s32 $0x20, s24  }
0x304: {  	v5 =	vmov s26;
	v1 =	vadd.f32 v2, v1;
	v2 =	vmul.f32 v8, v7  }
0x305: {  	v5 =	vshll.u32 v5, $0x3  }
0x306: {  	v1 =	vadd.f32 v2, v1;
	v2 =	vmul.f32 v4, v3;
	v3 =	vor.u32 v0, v5;
	_ =	sdelay $0x1  }
0x307: {  	v1 =	vadd.f32 v2, v1;
	v2 =	vor.u32 $0x1, v3;
	_ =	sdelay $0x1  }
0x308: {  	[tilespmem:s23+$0xFFFFFFF0] =	vst v1;
	v1 =	vor.u32 $0x2, v3  }
0x309: {  	v4 =	vld.idx.msk [tilespmem:v3+s4+$0x0], $0xffff  }
0x30a: {  	v6 =	vor.u32 $0x3, v3;
	v5 =	vld [tilespmem:s22+$0xFFFFE820]  }
0x30b: {  	v2 =	vld.idx.msk [tilespmem:v2+s4+$0x0], $0xffff  }
0x30c: {  	v8 =	vor.u32 $0x4, v3;
	v7 =	vld [tilespmem:s22+$0xFFFFF020]  }
0x30d: {  	v1 =	vld.idx.msk [tilespmem:v1+s4+$0x0], $0xffff  }
0x30e: {  	v3 =	vor.u32 $0x5, v3;
	v9 =	vld [tilespmem:s22+$0xFFFFF820]  }
0x30f: {  	v4 =	vmul.f32 v5, v4;
	v5 =	vld.idx.msk [tilespmem:v6+s4+$0x0], $0xffff  }
0x310: {  	v6 =	vld [tilespmem:s22+$0x20]  }
0x311: {  	v4 =	vadd.f32 $0.0e+00, v4;
	v2 =	vmul.f32 v7, v2;
	v7 =	vld.idx.msk [tilespmem:v8+s4+$0x0], $0xffff  }
0x312: {  	v8 =	vld [tilespmem:s22+$0x820]  }
0x313: {  	v2 =	vadd.f32 v2, v4;
	v1 =	vmul.f32 v9, v1;
	v3 =	vld.idx.msk [tilespmem:v3+s4+$0x0], $0xffff  }
0x314: {  	v4 =	vld [tilespmem:s22+$0x1020]  }
0x315: {  	v1 =	vadd.f32 v1, v2;
	v2 =	vmul.f32 v6, v5  }
0x316: {  	s26 =	sadd.s32 $0x30, s24  }
0x317: {  	v5 =	vmov s26;
	v1 =	vadd.f32 v2, v1;
	v2 =	vmul.f32 v8, v7  }
0x318: {  	v5 =	vshll.u32 v5, $0x3  }
0x319: {  	v1 =	vadd.f32 v2, v1;
	v2 =	vmul.f32 v4, v3;
	v3 =	vor.u32 v0, v5;
	_ =	sdelay $0x1  }
0x31a: {  	v1 =	vadd.f32 v2, v1;
	v2 =	vor.u32 $0x1, v3;
	_ =	sdelay $0x1  }
0x31b: {  	[tilespmem:s23+$0x0] =	vst v1;
	v1 =	vor.u32 $0x2, v3  }
0x31c: {  	v4 =	vld.idx.msk [tilespmem:v3+s4+$0x0], $0xffff  }
0x31d: {  	v6 =	vor.u32 $0x3, v3;
	v5 =	vld [tilespmem:s22+$0xFFFFE830]  }
0x31e: {  	v2 =	vld.idx.msk [tilespmem:v2+s4+$0x0], $0xffff  }
0x31f: {  	v8 =	vor.u32 $0x4, v3;
	v7 =	vld [tilespmem:s22+$0xFFFFF030]  }
0x320: {  	v1 =	vld.idx.msk [tilespmem:v1+s4+$0x0], $0xffff  }
0x321: {  	v3 =	vor.u32 $0x5, v3;
	v9 =	vld [tilespmem:s22+$0xFFFFF830]  }
0x322: {  	v4 =	vmul.f32 v5, v4;
	v5 =	vld.idx.msk [tilespmem:v6+s4+$0x0], $0xffff  }
0x323: {  	v6 =	vld [tilespmem:s22+$0x30]  }
0x324: {  	v4 =	vadd.f32 $0.0e+00, v4;
	v2 =	vmul.f32 v7, v2;
	v7 =	vld.idx.msk [tilespmem:v8+s4+$0x0], $0xffff  }
0x325: {  	v8 =	vld [tilespmem:s22+$0x830]  }
0x326: {  	v2 =	vadd.f32 v2, v4;
	v1 =	vmul.f32 v9, v1;
	v3 =	vld.idx.msk [tilespmem:v3+s4+$0x0], $0xffff  }
0x327: {  	v4 =	vld [tilespmem:s22+$0x1030]  }
0x328: {  	v1 =	vadd.f32 v1, v2;
	v2 =	vmul.f32 v6, v5  }
0x329: {  	s24 =	sadd.s32 $0x40, s24  }
.Ltmp6:
0x32a: {  	v5 =	vmov s24;
	v1 =	vadd.f32 v2, v1;
	v2 =	vmul.f32 v8, v7;
	(pc) =	sbr.rel @p0 .LBB2_15-.Ltmp6, $4  }
0x32b: {  	v5 =	vshll.u32 v5, $0x3  }
0x32c: {  	v5 =	vor.u32 v0, v5;
	v7 =	vadd.f32 v2, v1;
	v8 =	vmul.f32 v4, v3  }
0x32d: {  	v6 =	vor.u32 $0x1, v5;
	v4 =	vor.u32 $0x2, v5;
	v3 =	vor.u32 $0x3, v5  }
0x32e: {  	v2 =	vor.u32 $0x4, v5;
	v1 =	vor.u32 $0x5, v5;
	v7 =	vadd.f32 v8, v7  }
0x32f: {  	_ =	sdelay $0x2  }
0x330: {  	[tilespmem:s23+$0x10] =	vst v7  }
0x331: {  	s22 =	sadd.s32 $0x40, s22;
	v5 =	vld.idx.msk [tilespmem:v5+s4+$0x0], $0xffff  }
0x332: {  	v7 =	vld [tilespmem:s22+$0xFFFFE800]  }
0x333: {  	v6 =	vld.idx.msk [tilespmem:v6+s4+$0x0], $0xffff  }
0x334: {  	v8 =	vld [tilespmem:s22+$0xFFFFF000]  }
0x335: {  	v4 =	vld.idx.msk [tilespmem:v4+s4+$0x0], $0xffff  }
0x336: {  	v9 =	vld [tilespmem:s22+$0xFFFFF800]  }
0x337: {  	v3 =	vld.idx.msk [tilespmem:v3+s4+$0x0], $0xffff;
	v5 =	vmul.f32 v7, v5  }
0x338: {  	v26 =	vld [tilespmem:s22+$0x0]  }
0x339: {  	v2 =	vld.idx.msk [tilespmem:v2+s4+$0x0], $0xffff;
	v6 =	vmul.f32 v8, v6;
	v5 =	vadd.f32 $0.0e+00, v5  }
0x33a: {  	v27 =	vld [tilespmem:s22+$0x800]  }
0x33b: {  	v1 =	vld.idx.msk [tilespmem:v1+s4+$0x0], $0xffff;
	v4 =	vmul.f32 v9, v4;
	v5 =	vadd.f32 v6, v5  }
0x33c: {  	v28 =	vld [tilespmem:s22+$0x1000]  }
0x33d: {  	v3 =	vmul.f32 v26, v3;
	v4 =	vadd.f32 v4, v5  }
0x33e: {  	s25 =	sadd.s32 $0x10, s24  }
0x33f: {  	v29 =	vmov s25;
	v2 =	vmul.f32 v27, v2;
	v3 =	vadd.f32 v3, v4  }
0x340: {  	v4 =	vshll.u32 v29, $0x3  }
0x341: {  	v1 =	vmul.f32 v28, v1;
	v2 =	vadd.f32 v2, v3;
	v3 =	vor.u32 v0, v4;
	_ =	sdelay $0x1  }
0x342: {  	v1 =	vadd.f32 v1, v2  }
0x343: {  	s23 =	sadd.s32 $0x40, s23;
	v2 =	vor.u32 $0x1, v3  }
0x344: {  	[tilespmem:s23+$0xFFFFFFE0] =	vst v1  }
0x345: {  	v1 =	vor.u32 $0x2, v3;
	v4 =	vld.idx.msk [tilespmem:v3+s4+$0x0], $0xffff  }
0x346: {  	v30 =	vld [tilespmem:s22+$0xFFFFE810]  }
0x347: {  	v31 =	vor.u32 $0x3, v3;
	v32 =	vld [tilespmem:s22+$0xFFFFF010]  }
0x348: {  	v2 =	vld.idx.msk [tilespmem:v2+s4+$0x0], $0xffff  }
0x349: {  	v33 =	vor.u32 $0x4, v3;
	v34 =	vld [tilespmem:s22+$0xFFFFF810]  }
0x34a: {  	v1 =	vld.idx.msk [tilespmem:v1+s4+$0x0], $0xffff  }
0x34b: {  	v3 =	vor.u32 $0x5, v3;
	v36 =	vld [tilespmem:s22+$0x10];
	v4 =	vmul.f32 v30, v4  }
0x34c: {  	v35 =	vld.idx.msk [tilespmem:v31+s4+$0x0], $0xffff  }
0x34d: {  	v38 =	vld [tilespmem:s22+$0x810];
	v4 =	vadd.f32 $0.0e+00, v4;
	v2 =	vmul.f32 v32, v2  }
0x34e: {  	v37 =	vld.idx.msk [tilespmem:v33+s4+$0x0], $0xffff  }
0x34f: {  	v39 =	vld [tilespmem:s22+$0x1010];
	v2 =	vadd.f32 v2, v4;
	v1 =	vmul.f32 v34, v1  }
0x350: {  	v3 =	vld.idx.msk [tilespmem:v3+s4+$0x0], $0xffff  }
0x351: {  	v1 =	vadd.f32 v1, v2;
	v2 =	vmul.f32 v36, v35  }
0x352: {  	s26 =	sadd.s32 $0x20, s24  }
0x353: {  	v40 =	vmov s26;
	v1 =	vadd.f32 v2, v1;
	v2 =	vmul.f32 v38, v37  }
0x354: {  	v5 =	vshll.u32 v40, $0x3  }
0x355: {  	v1 =	vadd.f32 v2, v1;
	v2 =	vmul.f32 v39, v3;
	v3 =	vor.u32 v0, v5;
	_ =	sdelay $0x1  }
0x356: {  	v1 =	vadd.f32 v2, v1  }
0x357: {  	v2 =	vor.u32 $0x1, v3  }
0x358: {  	[tilespmem:s23+$0xFFFFFFF0] =	vst v1  }
0x359: {  	v1 =	vor.u32 $0x2, v3;
	v41 =	vld.idx.msk [tilespmem:v3+s4+$0x0], $0xffff  }
0x35a: {  	v42 =	vld [tilespmem:s22+$0xFFFFE820]  }
0x35b: {  	v43 =	vor.u32 $0x3, v3;
	v44 =	vld [tilespmem:s22+$0xFFFFF020]  }
0x35c: {  	v2 =	vld.idx.msk [tilespmem:v2+s4+$0x0], $0xffff  }
0x35d: {  	v45 =	vor.u32 $0x4, v3;
	v46 =	vld [tilespmem:s22+$0xFFFFF820]  }
0x35e: {  	v1 =	vld.idx.msk [tilespmem:v1+s4+$0x0], $0xffff  }
0x35f: {  	v3 =	vor.u32 $0x5, v3;
	v48 =	vld [tilespmem:s22+$0x20];
	v4 =	vmul.f32 v42, v41  }
0x360: {  	v47 =	vld.idx.msk [tilespmem:v43+s4+$0x0], $0xffff  }
0x361: {  	v50 =	vld [tilespmem:s22+$0x820];
	v4 =	vadd.f32 $0.0e+00, v4;
	v2 =	vmul.f32 v44, v2  }
0x362: {  	v49 =	vld.idx.msk [tilespmem:v45+s4+$0x0], $0xffff  }
0x363: {  	v51 =	vld [tilespmem:s22+$0x1020];
	v2 =	vadd.f32 v2, v4;
	v1 =	vmul.f32 v46, v1  }
0x364: {  	v3 =	vld.idx.msk [tilespmem:v3+s4+$0x0], $0xffff  }
0x365: {  	v1 =	vadd.f32 v1, v2;
	v2 =	vmul.f32 v48, v47  }
0x366: {  	s28 =	sadd.s32 $0x30, s24  }
0x367: {  	v52 =	vmov s28;
	v1 =	vadd.f32 v2, v1;
	v2 =	vmul.f32 v50, v49  }
0x368: {  	v5 =	vshll.u32 v52, $0x3  }
0x369: {  	v1 =	vadd.f32 v2, v1;
	v2 =	vmul.f32 v51, v3;
	v3 =	vor.u32 v0, v5;
	_ =	sdelay $0x1  }
0x36a: {  	v1 =	vadd.f32 v2, v1  }
0x36b: {  	v2 =	vor.u32 $0x1, v3  }
0x36c: {  	[tilespmem:s23+$0x0] =	vst v1  }
0x36d: {  	v1 =	vor.u32 $0x2, v3;
	v53 =	vld.idx.msk [tilespmem:v3+s4+$0x0], $0xffff  }
0x36e: {  	v54 =	vld [tilespmem:s22+$0xFFFFE830]  }
0x36f: {  	v55 =	vor.u32 $0x3, v3;
	v56 =	vld [tilespmem:s22+$0xFFFFF030]  }
0x370: {  	v2 =	vld.idx.msk [tilespmem:v2+s4+$0x0], $0xffff  }
0x371: {  	v57 =	vor.u32 $0x4, v3;
	v58 =	vld [tilespmem:s22+$0xFFFFF830]  }
0x372: {  	v1 =	vld.idx.msk [tilespmem:v1+s4+$0x0], $0xffff  }
0x373: {  	v3 =	vor.u32 $0x5, v3;
	v60 =	vld [tilespmem:s22+$0x30];
	v4 =	vmul.f32 v54, v53  }
0x374: {  	v59 =	vld.idx.msk [tilespmem:v55+s4+$0x0], $0xffff  }
0x375: {  	v62 =	vld [tilespmem:s22+$0x830];
	v4 =	vadd.f32 $0.0e+00, v4;
	v2 =	vmul.f32 v56, v2  }
0x376: {  	v61 =	vld.idx.msk [tilespmem:v57+s4+$0x0], $0xffff  }
0x377: {  	v63 =	vld [tilespmem:s22+$0x1030];
	v2 =	vadd.f32 v2, v4;
	v1 =	vmul.f32 v58, v1  }
0x378: {  	v3 =	vld.idx.msk [tilespmem:v3+s4+$0x0], $0xffff  }
0x379: {  	v1 =	vadd.f32 v1, v2;
	v2 =	vmul.f32 v60, v59;
	_ =	sdelay $0x1  }
0x37a: {  	v1 =	vadd.f32 v2, v1;
	v2 =	vmul.f32 v62, v61;
	_ =	sdelay $0x1  }
0x37b: {  	v1 =	vadd.f32 v2, v1;
	v2 =	vmul.f32 v63, v3;
	_ =	sdelay $0x1  }
0x37c: {  	s21 =	sadd.s32 s18, s21;
	s20 =	sadd.s32 $0x1, s20;
	v1 =	vadd.f32 v2, v1  }
0x37d: {  	s21 =	sshrl.u32 s21, $0x3;
	p0 =	sne.s32 s20, s17  }
.Ltmp7:
0x37e: {  	s21 =	sadd.s32 s16, s21;
	[tilespmem:s23+$0x10] =	vst v1;
	(pc) =	sbr.rel @p0 .LBB2_2-.Ltmp7, $4  }
0x37f: {  	[hbm4b:s21+s3] =	stream.linear.scatter [tilespmem:s13], [sflag:$0x4], $0x800, $0x38;
	[tilespmem:$0x1E428] =	vst v63  }
0x380: {  	_ =	swait.ge [sflag:s10], $0x800  }
0x381: {  	[sflag:s10] =	ssyncset.done $0x0  }
0x382: {  	[sflag:s10] =	ssyncadd.s32 $0xFFFFF800  }
0x383: {  	s19 =	sadd.s32 $0x1, s19;
	s20 =	rddreg [dreg:$0xe]  }
0x384: {  	p0 =	sne.s32 s19, s20  }
.Ltmp8:
0x385: {  	_ = 	snop;
	(pc) =	sbr.rel @p0 .LBB2_1-.Ltmp8, $1  }
0x386: {  	_ =	sdelay $0x3  }
0x387: {  	_ =	sfence.sel $0x180000  }
0x388: {  	[bflag:$0x0] =	sbarrier.arrive $0xFFFF  }
0x389: {  	_ =	strace $0x90000047  }
0x38a: {  	s0 =	stileid.u32;
	[bflag:$0x2] =	sbarrier.arrive $0xFFFF  }
0x38b: {  	p0 =	sne.s32 s0, $0x0;
	s0 =	rddreg [dreg:$0x4]  }
0x38c: {  	s0 =	sadd.s32 @!p0 $0x100000, s0  }
0x38d: {  	[sflag:s0] =	ssyncadd.tile.s32 @!p0 $0x1;
	_ =	shalt  }
.Lfunc_end2:
_tile_overlayer_lowered:
.L_overlay_start_2:
0x38e: {  	(tag) =	ssettag $0x2  }
0x38f: {  	s0 =	rddreg [dreg:$0x0];
	s2 =	stileid.u32  }
0x390: {  	s1 =	rddreg [dreg:$0x1];
	p0 =	sne.s32 s2, $0x0  }
0x391: {  	s3 =	rddreg [dreg:$0x2];
	[bflag:$0x3] =	sbarrier.arrive $0xFFFF;
	s2 =	simm.s32 @!p0 $0x1C04  }
0x392: {  	[timem:s3], [sflag:s2] =	dma.local @!p0 [hbm:s0], s1  }
0x393: {  	s0 =	simm.s32 @!p0 $0x4  }
0x394: {  	_ =	swait.ge @!p0 [sflag:s0], s1  }
0x395: {  	s1 =	ssub.s32 @!p0 $0x0, s1;
	[sflag:s0] =	ssyncset.done @!p0 $0x0  }
0x396: {  	[sflag:s0] =	ssyncadd.s32 @!p0 s1  }
0x397: {  	[bflag:$0x3] =	sbarrier.arrive $0xFFFF  }
0x398: {  	_ =	shalt  }

</sc_bundles>
